<compile_context>
chip_gen: v7x
topology: tpu7x:2x2x1
jax: 0.10.2.dev20260603
libtpu: 0.0.44.dev20260713+nightly
codegen_flags: <defaults>
</compile_context>

<pallas_src>
import jax
import jax.numpy as jnp
from jax import lax
from jax.experimental import pallas as pl
from jax.experimental.pallas import tpu as pltpu
from jax.experimental.pallas import tpu_sc as plsc

B = 8
V = 2048
NC = 2
NS = 16
NW = NC * NS
ROWS_PER_W = (B * V) // NW
C = 8
NCH = ROWS_PER_W // C
LANES = 16
JGRP = V // LANES


def _sc_body(src_hbm, ridx_hbm, cidx_hbm, out_hbm,
             idx_all, in_v, out_v, cperm_v,
             sem_g0, sem_g1, sem_g2, sem_g3, sem_s0, sem_s1):
    wid = lax.axis_index("s") * NC + lax.axis_index("c")
    base = wid * ROWS_PER_W
    cperm_cp = pltpu.async_copy(cidx_hbm, cperm_v, sem_s0)
    pltpu.sync_copy(ridx_hbm.at[pl.ds(base, ROWS_PER_W)], idx_all)

    sem_g = (sem_g0, sem_g1, sem_g2, sem_g3)
    sem_s = (sem_s0, sem_s1)

    def start_gather(ch, b):
        pltpu.async_copy(
            src_hbm.at[idx_all.at[pl.ds(ch * C, C)]], in_v.at[b], sem_g[b])

    for q in range(4):
        start_gather(q, q)
    cperm_cp.wait()

    def quad_body(t, carry):
        for q in range(4):
            ch = 4 * t + q
            bo = q % 2
            pltpu.make_async_copy(
                src_hbm.at[idx_all.at[pl.ds(ch * C, C)]],
                in_v.at[q], sem_g[q]).wait()

            def wait_scatter():
                pltpu.make_async_copy(
                    out_v.at[bo],
                    out_hbm.at[pl.ds(base + (ch - 2) * C, C)],
                    sem_s[bo]).wait()

            if q < 2:
                @pl.when(t > 0)
                def _():
                    wait_scatter()
            else:
                wait_scatter()

            @plsc.parallel_loop(0, JGRP, unroll=4)
            def _(j):
                idx = cperm_v[pl.ds(j * LANES, LANES)]
                for r in range(C):
                    rvec = jnp.full((LANES,), r, dtype=jnp.int32)
                    out_v[bo, r, pl.ds(j * LANES, LANES)] = plsc.load_gather(
                        in_v.at[q], [rvec, idx])

            pltpu.async_copy(
                out_v.at[bo], out_hbm.at[pl.ds(base + ch * C, C)], sem_s[bo])

            @pl.when(t < NCH // 4 - 1)
            def _():
                start_gather(ch + 4, q)
        return carry

    lax.fori_loop(0, NCH // 4, quad_body, 0)

    for b in range(2):
        pltpu.make_async_copy(
            out_v.at[b],
            out_hbm.at[pl.ds(base + (NCH - 2 + b) * C, C)],
            sem_s[b]).wait()


def kernel(inputs):
    perm = jax.random.permutation(jax.random.key(42), V)
    row_idx = (jnp.arange(B, dtype=jnp.int32)[:, None] * V
               + perm[None, :].astype(jnp.int32)).reshape(-1)
    col_idx = perm.astype(jnp.int32)
    src = inputs.reshape(B * V, V)

    mesh = plsc.VectorSubcoreMesh(core_axis_name="c", subcore_axis_name="s")
    out = pl.kernel(
        _sc_body,
        out_type=jax.ShapeDtypeStruct((B * V, V), jnp.float32),
        mesh=mesh,
        scratch_types=[
            pltpu.VMEM((ROWS_PER_W,), jnp.int32),
            pltpu.VMEM((4, C, V), jnp.float32),
            pltpu.VMEM((2, C, V), jnp.float32),
            pltpu.VMEM((V,), jnp.int32),
            pltpu.SemaphoreType.DMA,
            pltpu.SemaphoreType.DMA,
            pltpu.SemaphoreType.DMA,
            pltpu.SemaphoreType.DMA,
            pltpu.SemaphoreType.DMA,
            pltpu.SemaphoreType.DMA,
        ],
        compiler_params=pltpu.CompilerParams(needs_layout_passes=False),
    )(src, row_idx, col_idx)
    return out.reshape(B, V, V)

# --- scband reference (transcript-rebuilt; emitter-appended) ---
"""Pipeline reference for scband-graph-isomorphism-layer-3917010174240 (READ-ONLY COPY).

The authoritative reference and input builder live on the scoring server;
editing this copy changes nothing except your own understanding.
"""

import jax, jax.numpy as jnp
import numpy as np

B = 8
V = 2048

def setup_inputs(seed: int = 0) -> dict:
    key = jax.random.key(seed)
    inputs = jax.random.normal(key, (B, V, V), dtype=jnp.float32)
    return {"inputs": inputs}

def reference(inputs):
    # Training-mode path of GraphIsomorphismLayer: permute vertices of the
    # (batched) adjacency matrix along the last two axes with the same
    # random permutation. Seed fixed for determinism (mirrors seeded SeedStream).
    v = inputs.shape[-1]
    perm = jax.random.permutation(jax.random.key(42), v)
    out = jnp.take(inputs, perm, axis=-2)
    out = jnp.take(out, perm, axis=-1)
    return out

if __name__ == "__main__":
    import jax
    _d = setup_inputs()
    print(jax.jit(kernel)(*tuple(_d.values())))

</pallas_src>

<mosaic_0001>
#map = affine_map<(d0, d1) -> (0, 0)>
#map1 = affine_map<(d0, d1) -> (0)>
module attributes {stable_mosaic.version = 14 : i64} {
  func.func @_sc_body(%arg0: i32, %arg1: i32, %arg2: memref<16384x2048xf32, #tpu.memory_space<hbm>>, %arg3: memref<16384xi32, #tpu.memory_space<hbm>>, %arg4: memref<2048xi32, #tpu.memory_space<hbm>>, %arg5: memref<16384x2048xf32, #tpu.memory_space<hbm>>, %arg6: memref<512xi32, #tpu.memory_space<vmem>>, %arg7: memref<4x8x2048xf32, #tpu.memory_space<vmem>>, %arg8: memref<2x8x2048xf32, #tpu.memory_space<vmem>>, %arg9: memref<2048xi32, #tpu.memory_space<vmem>>, %arg10: memref<!tpu.dma_semaphore, #tpu.memory_space<semaphore_mem>>, %arg11: memref<!tpu.dma_semaphore, #tpu.memory_space<semaphore_mem>>, %arg12: memref<!tpu.dma_semaphore, #tpu.memory_space<semaphore_mem>>, %arg13: memref<!tpu.dma_semaphore, #tpu.memory_space<semaphore_mem>>, %arg14: memref<!tpu.dma_semaphore, #tpu.memory_space<semaphore_mem>>, %arg15: memref<!tpu.dma_semaphore, #tpu.memory_space<semaphore_mem>>) attributes {dimension_semantics = [#tpu.dimension_semantics<core_parallel>, #tpu.dimension_semantics<subcore_parallel>], iteration_bounds = array<i64: 2, 16>, scalar_prefetch = 0 : i64, scratch_operands = 10 : i64, tpu.core_type = #tpu.core_type<sc_vector_subcore>, window_params = [{transform_indices = #map}, {transform_indices = #map1}, {transform_indices = #map1}, {transform_indices = #map}]} {
    %mul3A = arith.constant 2 : i32
    %mul3A_0 = arith.muli %arg1, %mul3A : i32
    %add3A = arith.addi %mul3A_0, %arg0 : i32
    %mul3A_1 = arith.constant 512 : i32
    %mul3A_2 = arith.muli %add3A, %mul3A_1 : i32
    tpu.enqueue_dma source(%arg4 : memref<2048xi32, #tpu.memory_space<hbm>>) target(%arg9 : memref<2048xi32, #tpu.memory_space<vmem>>) target_semaphore(%arg14 : memref<!tpu.dma_semaphore, #tpu.memory_space<semaphore_mem>>)
    "tpu.region"() ({
      %run_scoped3A = tpu.sem_alloc : memref<!tpu.dma_semaphore, #tpu.memory_space<semaphore_mem>>
      %dma_start3A_76 = tpu.memref_slice %arg3[%mul3A_2] : memref<16384xi32, #tpu.memory_space<hbm>> -> memref<512xi32, #tpu.memory_space<hbm>>
      %dma_start3A_77 = tpu.memref_slice %arg3[%mul3A_2] : memref<16384xi32, #tpu.memory_space<hbm>> -> memref<512xi32, #tpu.memory_space<hbm>>
      tpu.enqueue_dma source(%dma_start3A_77 : memref<512xi32, #tpu.memory_space<hbm>>) target(%arg6 : memref<512xi32, #tpu.memory_space<vmem>>) target_semaphore(%run_scoped3A : memref<!tpu.dma_semaphore, #tpu.memory_space<semaphore_mem>>)
      %dma_wait3A_78 = tpu.memref_slice %arg3[%mul3A_2] : memref<16384xi32, #tpu.memory_space<hbm>> -> memref<512xi32, #tpu.memory_space<hbm>>
      %dma_wait3A_79 = tpu.memref_slice %arg3[%mul3A_2] : memref<16384xi32, #tpu.memory_space<hbm>> -> memref<512xi32, #tpu.memory_space<hbm>>
      tpu.wait_dma2 semaphore(%run_scoped3A : memref<!tpu.dma_semaphore, #tpu.memory_space<semaphore_mem>>) src(%dma_wait3A_79 : memref<512xi32, #tpu.memory_space<hbm>>) dst(%arg6 : memref<512xi32, #tpu.memory_space<vmem>>)
      tpu.yield
    }) : () -> ()
    %dma_start3A = arith.constant 0 : i32
    %dma_start3A_3 = arith.constant 0 : i32
    %dma_start3A_4 = arith.constant 0 : i32
    %dma_start3A_5 = tpu.memref_slice %arg7[%dma_start3A, %dma_start3A_3, %dma_start3A_4] : memref<4x8x2048xf32, #tpu.memory_space<vmem>> -> memref<1x8x2048xf32, #tpu.memory_space<vmem>>
    %dma_start3A_6 = tpu.memref_squeeze %dma_start3A_5 : memref<1x8x2048xf32, #tpu.memory_space<vmem>> -> memref<8x2048xf32, #tpu.memory_space<vmem>>
    %dma_start3A_7 = arith.constant 0 : i32
    %dma_start3A_8 = tpu.memref_slice %arg6[%dma_start3A_7] : memref<512xi32, #tpu.memory_space<vmem>> -> memref<8xi32, #tpu.memory_space<vmem>>
    %dma_start3A_9 = arith.constant 0 : i32
    %dma_start3A_10 = arith.constant 0 : i32
    %dma_start3A_11 = tpu.memref_slice %arg2[%dma_start3A_9, %dma_start3A_10] : memref<16384x2048xf32, #tpu.memory_space<hbm>> -> memref<16384x2048xf32, #tpu.memory_space<hbm>>
    tpu.enqueue_indirect_dma source(%dma_start3A_11 : memref<16384x2048xf32, #tpu.memory_space<hbm>>) target(%dma_start3A_6 : memref<8x2048xf32, #tpu.memory_space<vmem>>) offsets(%dma_start3A_8 : memref<8xi32, #tpu.memory_space<vmem>>) semaphore(%arg10 : memref<!tpu.dma_semaphore, #tpu.memory_space<semaphore_mem>>)
    %dma_start3A_12 = arith.constant 1 : i32
    %dma_start3A_13 = arith.constant 0 : i32
    %dma_start3A_14 = arith.constant 0 : i32
    %dma_start3A_15 = tpu.memref_slice %arg7[%dma_start3A_12, %dma_start3A_13, %dma_start3A_14] : memref<4x8x2048xf32, #tpu.memory_space<vmem>> -> memref<1x8x2048xf32, #tpu.memory_space<vmem>>
    %dma_start3A_16 = tpu.memref_squeeze %dma_start3A_15 : memref<1x8x2048xf32, #tpu.memory_space<vmem>> -> memref<8x2048xf32, #tpu.memory_space<vmem>>
    %dma_start3A_17 = arith.constant 8 : i32
    %dma_start3A_18 = tpu.memref_slice %arg6[%dma_start3A_17] : memref<512xi32, #tpu.memory_space<vmem>> -> memref<8xi32, #tpu.memory_space<vmem>>
    %dma_start3A_19 = arith.constant 0 : i32
    %dma_start3A_20 = arith.constant 0 : i32
    %dma_start3A_21 = tpu.memref_slice %arg2[%dma_start3A_19, %dma_start3A_20] : memref<16384x2048xf32, #tpu.memory_space<hbm>> -> memref<16384x2048xf32, #tpu.memory_space<hbm>>
    tpu.enqueue_indirect_dma source(%dma_start3A_21 : memref<16384x2048xf32, #tpu.memory_space<hbm>>) target(%dma_start3A_16 : memref<8x2048xf32, #tpu.memory_space<vmem>>) offsets(%dma_start3A_18 : memref<8xi32, #tpu.memory_space<vmem>>) semaphore(%arg11 : memref<!tpu.dma_semaphore, #tpu.memory_space<semaphore_mem>>)
    %dma_start3A_22 = arith.constant 2 : i32
    %dma_start3A_23 = arith.constant 0 : i32
    %dma_start3A_24 = arith.constant 0 : i32
    %dma_start3A_25 = tpu.memref_slice %arg7[%dma_start3A_22, %dma_start3A_23, %dma_start3A_24] : memref<4x8x2048xf32, #tpu.memory_space<vmem>> -> memref<1x8x2048xf32, #tpu.memory_space<vmem>>
    %dma_start3A_26 = tpu.memref_squeeze %dma_start3A_25 : memref<1x8x2048xf32, #tpu.memory_space<vmem>> -> memref<8x2048xf32, #tpu.memory_space<vmem>>
    %dma_start3A_27 = arith.constant 16 : i32
    %dma_start3A_28 = tpu.memref_slice %arg6[%dma_start3A_27] : memref<512xi32, #tpu.memory_space<vmem>> -> memref<8xi32, #tpu.memory_space<vmem>>
    %dma_start3A_29 = arith.constant 0 : i32
    %dma_start3A_30 = arith.constant 0 : i32
    %dma_start3A_31 = tpu.memref_slice %arg2[%dma_start3A_29, %dma_start3A_30] : memref<16384x2048xf32, #tpu.memory_space<hbm>> -> memref<16384x2048xf32, #tpu.memory_space<hbm>>
    tpu.enqueue_indirect_dma source(%dma_start3A_31 : memref<16384x2048xf32, #tpu.memory_space<hbm>>) target(%dma_start3A_26 : memref<8x2048xf32, #tpu.memory_space<vmem>>) offsets(%dma_start3A_28 : memref<8xi32, #tpu.memory_space<vmem>>) semaphore(%arg12 : memref<!tpu.dma_semaphore, #tpu.memory_space<semaphore_mem>>)
    %dma_start3A_32 = arith.constant 3 : i32
    %dma_start3A_33 = arith.constant 0 : i32
    %dma_start3A_34 = arith.constant 0 : i32
    %dma_start3A_35 = tpu.memref_slice %arg7[%dma_start3A_32, %dma_start3A_33, %dma_start3A_34] : memref<4x8x2048xf32, #tpu.memory_space<vmem>> -> memref<1x8x2048xf32, #tpu.memory_space<vmem>>
    %dma_start3A_36 = tpu.memref_squeeze %dma_start3A_35 : memref<1x8x2048xf32, #tpu.memory_space<vmem>> -> memref<8x2048xf32, #tpu.memory_space<vmem>>
    %dma_start3A_37 = arith.constant 24 : i32
    %dma_start3A_38 = tpu.memref_slice %arg6[%dma_start3A_37] : memref<512xi32, #tpu.memory_space<vmem>> -> memref<8xi32, #tpu.memory_space<vmem>>
    %dma_start3A_39 = arith.constant 0 : i32
    %dma_start3A_40 = arith.constant 0 : i32
    %dma_start3A_41 = tpu.memref_slice %arg2[%dma_start3A_39, %dma_start3A_40] : memref<16384x2048xf32, #tpu.memory_space<hbm>> -> memref<16384x2048xf32, #tpu.memory_space<hbm>>
    tpu.enqueue_indirect_dma source(%dma_start3A_41 : memref<16384x2048xf32, #tpu.memory_space<hbm>>) target(%dma_start3A_36 : memref<8x2048xf32, #tpu.memory_space<vmem>>) offsets(%dma_start3A_38 : memref<8xi32, #tpu.memory_space<vmem>>) semaphore(%arg13 : memref<!tpu.dma_semaphore, #tpu.memory_space<semaphore_mem>>)
    tpu.wait_dma2 semaphore(%arg14 : memref<!tpu.dma_semaphore, #tpu.memory_space<semaphore_mem>>) src(%arg4 : memref<2048xi32, #tpu.memory_space<hbm>>) dst(%arg9 : memref<2048xi32, #tpu.memory_space<vmem>>)
    %scan3A = arith.constant 0 : i32
    %scan3A_42 = arith.constant 0 : i32
    %scan3A_43 = arith.constant 16 : i32
    %scan3A_44 = arith.addi %scan3A_42, %scan3A_43 : i32
    %scan3A_45 = arith.constant 1 : i32
    scf.for %scan3A_76 = %scan3A_42 to %scan3A_44 step %scan3A_45  : i32 {
      %mul3A_77 = arith.constant 4 : i32
      %mul3A_78 = arith.muli %mul3A_77, %scan3A_76 : i32
      %add3A_79 = arith.constant 0 : i32
      %add3A_80 = arith.addi %mul3A_78, %add3A_79 : i32
      %mul3A_81 = arith.constant 8 : i32
      %mul3A_82 = arith.muli %add3A_80, %mul3A_81 : i32
      %dma_wait3A_83 = arith.constant 0 : i32
      %dma_wait3A_84 = arith.constant 0 : i32
      %dma_wait3A_85 = arith.constant 0 : i32
      %dma_wait3A_86 = tpu.memref_slice %arg7[%dma_wait3A_83, %dma_wait3A_84, %dma_wait3A_85] : memref<4x8x2048xf32, #tpu.memory_space<vmem>> -> memref<1x8x2048xf32, #tpu.memory_space<vmem>>
      %dma_wait3A_87 = tpu.memref_squeeze %dma_wait3A_86 : memref<1x8x2048xf32, #tpu.memory_space<vmem>> -> memref<8x2048xf32, #tpu.memory_space<vmem>>
      %dma_wait3A_88 = tpu.memref_slice %arg6[%mul3A_82] : memref<512xi32, #tpu.memory_space<vmem>> -> memref<8xi32, #tpu.memory_space<vmem>>
      %dma_wait3A_89 = arith.constant 0 : i32
      %dma_wait3A_90 = arith.constant 0 : i32
      %dma_wait3A_91 = tpu.memref_slice %arg2[%dma_wait3A_89, %dma_wait3A_90] : memref<16384x2048xf32, #tpu.memory_space<hbm>> -> memref<16384x2048xf32, #tpu.memory_space<hbm>>
      tpu.wait_indirect_dma semaphore(%arg10 : memref<!tpu.dma_semaphore, #tpu.memory_space<semaphore_mem>>) src(%dma_wait3A_91 : memref<16384x2048xf32, #tpu.memory_space<hbm>>) dst(%dma_wait3A_87 : memref<8x2048xf32, #tpu.memory_space<vmem>>)
      %gt3A = arith.constant 0 : i32
      %gt3A_92 = arith.cmpi sgt, %scan3A_76, %gt3A : i32
      %convert_element_type3A = arith.extui %gt3A_92 : i1 to i32
      %cond3A = arith.constant 0 : i32
      %cond3A_93 = arith.cmpi ne, %convert_element_type3A, %cond3A : i32
      scf.if %cond3A_93 {
        %sub3A_273 = arith.constant 2 : i32
        %sub3A_274 = arith.subi %add3A_80, %sub3A_273 : i32
        %mul3A_275 = arith.constant 8 : i32
        %mul3A_276 = arith.muli %sub3A_274, %mul3A_275 : i32
        %add3A_277 = arith.addi %mul3A_2, %mul3A_276 : i32
        %dma_wait3A_278 = arith.constant 0 : i32
        %dma_wait3A_279 = arith.constant 0 : i32
        %dma_wait3A_280 = arith.constant 0 : i32
        %dma_wait3A_281 = tpu.memref_slice %arg8[%dma_wait3A_278, %dma_wait3A_279, %dma_wait3A_280] : memref<2x8x2048xf32, #tpu.memory_space<vmem>> -> memref<1x8x2048xf32, #tpu.memory_space<vmem>>
        %dma_wait3A_282 = tpu.memref_squeeze %dma_wait3A_281 : memref<1x8x2048xf32, #tpu.memory_space<vmem>> -> memref<8x2048xf32, #tpu.memory_space<vmem>>
        %dma_wait3A_283 = arith.constant 0 : i32
        %dma_wait3A_284 = tpu.memref_slice %arg5[%add3A_277, %dma_wait3A_283] : memref<16384x2048xf32, #tpu.memory_space<hbm>> -> memref<8x2048xf32, #tpu.memory_space<hbm>>
        %dma_wait3A_285 = arith.constant 0 : i32
        %dma_wait3A_286 = tpu.memref_slice %arg5[%add3A_277, %dma_wait3A_285] : memref<16384x2048xf32, #tpu.memory_space<hbm>> -> memref<8x2048xf32, #tpu.memory_space<hbm>>
        %dma_wait3A_287 = arith.constant 0 : i32
        %dma_wait3A_288 = arith.constant 0 : i32
        %dma_wait3A_289 = tpu.memref_slice %arg8[%dma_wait3A_278, %dma_wait3A_287, %dma_wait3A_288] : memref<2x8x2048xf32, #tpu.memory_space<vmem>> -> memref<1x8x2048xf32, #tpu.memory_space<vmem>>
        %dma_wait3A_290 = tpu.memref_squeeze %dma_wait3A_289 : memref<1x8x2048xf32, #tpu.memory_space<vmem>> -> memref<8x2048xf32, #tpu.memory_space<vmem>>
        tpu.wait_dma2 semaphore(%arg14 : memref<!tpu.dma_semaphore, #tpu.memory_space<semaphore_mem>>) src(%dma_wait3A_290 : memref<8x2048xf32, #tpu.memory_space<vmem>>) dst(%dma_wait3A_286 : memref<8x2048xf32, #tpu.memory_space<hbm>>)
      } else {
      }
      %parallel_loop3A = arith.constant 0 : i32
      %parallel_loop3A_94 = arith.constant 128 : i32
      %parallel_loop3A_95 = arith.constant 1 : i32
      scf.for %parallel_loop3A_273 = %parallel_loop3A to %parallel_loop3A_94 step %parallel_loop3A_95  : i32 {
        %parallel_loop3A_274 = arith.constant 16 : i32
        %parallel_loop3A_275 = arith.muli %parallel_loop3A_273, %parallel_loop3A_274 : i32
        %parallel_loop3A_276 = arith.index_cast %parallel_loop3A_275 : i32 to index
        %parallel_loop3A_277 = tpu.vector_load %arg9[%parallel_loop3A_276] {strides = array<i32>} : memref<2048xi32, #tpu.memory_space<vmem>>, vector<16xi32>,
        %parallel_loop3A_278 = arith.constant 0 : i32
        %parallel_loop3A_279 = vector.broadcast %parallel_loop3A_278 : i32 to vector<16xi32>
        %parallel_loop3A_280 = arith.constant 0 : i32
        %parallel_loop3A_281 = arith.constant 0 : i32
        %parallel_loop3A_282 = arith.constant 0 : i32
        %parallel_loop3A_283 = tpu.memref_slice %arg7[%parallel_loop3A_280, %parallel_loop3A_281, %parallel_loop3A_282] : memref<4x8x2048xf32, #tpu.memory_space<vmem>> -> memref<1x8x2048xf32, #tpu.memory_space<vmem>>
        %parallel_loop3A_284 = tpu.memref_squeeze %parallel_loop3A_283 : memref<1x8x2048xf32, #tpu.memory_space<vmem>> -> memref<8x2048xf32, #tpu.memory_space<vmem>>
        %parallel_loop3A_285 = tpu.vector_load_idx %parallel_loop3A_284[%parallel_loop3A_279, %parallel_loop3A_277] : memref<8x2048xf32, #tpu.memory_space<vmem>>[vector<16xi32>, vector<16xi32>], vector<16xf32>,
        %parallel_loop3A_286 = arith.constant 16 : i32
        %parallel_loop3A_287 = arith.muli %parallel_loop3A_273, %parallel_loop3A_286 : i32
        %parallel_loop3A_288 = arith.constant 0 : i32
        %parallel_loop3A_289 = arith.constant 0 : i32
        %parallel_loop3A_290 = arith.index_cast %parallel_loop3A_288 : i32 to index
        %parallel_loop3A_291 = arith.index_cast %parallel_loop3A_289 : i32 to index
        %parallel_loop3A_292 = arith.index_cast %parallel_loop3A_287 : i32 to index
        %parallel_loop3A_293 = tpu.vector_load %arg8[%parallel_loop3A_290, %parallel_loop3A_291, %parallel_loop3A_292] {strides = array<i32>} : memref<2x8x2048xf32, #tpu.memory_space<vmem>>, vector<16xf32>,
        tpu.vector_store %arg8[%parallel_loop3A_290, %parallel_loop3A_291, %parallel_loop3A_292], %parallel_loop3A_285 {strides = array<i32>} : memref<2x8x2048xf32, #tpu.memory_space<vmem>>, vector<16xf32>,
        %parallel_loop3A_294 = arith.constant 1 : i32
        %parallel_loop3A_295 = vector.broadcast %parallel_loop3A_294 : i32 to vector<16xi32>
        %parallel_loop3A_296 = arith.constant 0 : i32
        %parallel_loop3A_297 = arith.constant 0 : i32
        %parallel_loop3A_298 = arith.constant 0 : i32
        %parallel_loop3A_299 = tpu.memref_slice %arg7[%parallel_loop3A_296, %parallel_loop3A_297, %parallel_loop3A_298] : memref<4x8x2048xf32, #tpu.memory_space<vmem>> -> memref<1x8x2048xf32, #tpu.memory_space<vmem>>
        %parallel_loop3A_300 = tpu.memref_squeeze %parallel_loop3A_299 : memref<1x8x2048xf32, #tpu.memory_space<vmem>> -> memref<8x2048xf32, #tpu.memory_space<vmem>>
        %parallel_loop3A_301 = tpu.vector_load_idx %parallel_loop3A_300[%parallel_loop3A_295, %parallel_loop3A_277] : memref<8x2048xf32, #tpu.memory_space<vmem>>[vector<16xi32>, vector<16xi32>], vector<16xf32>,
        %parallel_loop3A_302 = arith.constant 16 : i32
        %parallel_loop3A_303 = arith.muli %parallel_loop3A_273, %parallel_loop3A_302 : i32
        %parallel_loop3A_304 = arith.constant 0 : i32
        %parallel_loop3A_305 = arith.constant 1 : i32
        %parallel_loop3A_306 = arith.index_cast %parallel_loop3A_304 : i32 to index
        %parallel_loop3A_307 = arith.index_cast %parallel_loop3A_305 : i32 to index
        %parallel_loop3A_308 = arith.index_cast %parallel_loop3A_303 : i32 to index
        %parallel_loop3A_309 = tpu.vector_load %arg8[%parallel_loop3A_306, %parallel_loop3A_307, %parallel_loop3A_308] {strides = array<i32>} : memref<2x8x2048xf32, #tpu.memory_space<vmem>>, vector<16xf32>,
        tpu.vector_store %arg8[%parallel_loop3A_306, %parallel_loop3A_307, %parallel_loop3A_308], %parallel_loop3A_301 {strides = array<i32>} : memref<2x8x2048xf32, #tpu.memory_space<vmem>>, vector<16xf32>,
        %parallel_loop3A_310 = arith.constant 2 : i32
        %parallel_loop3A_311 = vector.broadcast %parallel_loop3A_310 : i32 to vector<16xi32>
        %parallel_loop3A_312 = arith.constant 0 : i32
        %parallel_loop3A_313 = arith.constant 0 : i32
        %parallel_loop3A_314 = arith.constant 0 : i32
        %parallel_loop3A_315 = tpu.memref_slice %arg7[%parallel_loop3A_312, %parallel_loop3A_313, %parallel_loop3A_314] : memref<4x8x2048xf32, #tpu.memory_space<vmem>> -> memref<1x8x2048xf32, #tpu.memory_space<vmem>>
        %parallel_loop3A_316 = tpu.memref_squeeze %parallel_loop3A_315 : memref<1x8x2048xf32, #tpu.memory_space<vmem>> -> memref<8x2048xf32, #tpu.memory_space<vmem>>
        %parallel_loop3A_317 = tpu.vector_load_idx %parallel_loop3A_316[%parallel_loop3A_311, %parallel_loop3A_277] : memref<8x2048xf32, #tpu.memory_space<vmem>>[vector<16xi32>, vector<16xi32>], vector<16xf32>,
        %parallel_loop3A_318 = arith.constant 16 : i32
        %parallel_loop3A_319 = arith.muli %parallel_loop3A_273, %parallel_loop3A_318 : i32
        %parallel_loop3A_320 = arith.constant 0 : i32
        %parallel_loop3A_321 = arith.constant 2 : i32
        %parallel_loop3A_322 = arith.index_cast %parallel_loop3A_320 : i32 to index
        %parallel_loop3A_323 = arith.index_cast %parallel_loop3A_321 : i32 to index
        %parallel_loop3A_324 = arith.index_cast %parallel_loop3A_319 : i32 to index
        %parallel_loop3A_325 = tpu.vector_load %arg8[%parallel_loop3A_322, %parallel_loop3A_323, %parallel_loop3A_324] {strides = array<i32>} : memref<2x8x2048xf32, #tpu.memory_space<vmem>>, vector<16xf32>,
        tpu.vector_store %arg8[%parallel_loop3A_322, %parallel_loop3A_323, %parallel_loop3A_324], %parallel_loop3A_317 {strides = array<i32>} : memref<2x8x2048xf32, #tpu.memory_space<vmem>>, vector<16xf32>,
        %parallel_loop3A_326 = arith.constant 3 : i32
        %parallel_loop3A_327 = vector.broadcast %parallel_loop3A_326 : i32 to vector<16xi32>
        %parallel_loop3A_328 = arith.constant 0 : i32
        %parallel_loop3A_329 = arith.constant 0 : i32
        %parallel_loop3A_330 = arith.constant 0 : i32
        %parallel_loop3A_331 = tpu.memref_slice %arg7[%parallel_loop3A_328, %parallel_loop3A_329, %parallel_loop3A_330] : memref<4x8x2048xf32, #tpu.memory_space<vmem>> -> memref<1x8x2048xf32, #tpu.memory_space<vmem>>
        %parallel_loop3A_332 = tpu.memref_squeeze %parallel_loop3A_331 : memref<1x8x2048xf32, #tpu.memory_space<vmem>> -> memref<8x2048xf32, #tpu.memory_space<vmem>>
        %parallel_loop3A_333 = tpu.vector_load_idx %parallel_loop3A_332[%parallel_loop3A_327, %parallel_loop3A_277] : memref<8x2048xf32, #tpu.memory_space<vmem>>[vector<16xi32>, vector<16xi32>], vector<16xf32>,
        %parallel_loop3A_334 = arith.constant 16 : i32
        %parallel_loop3A_335 = arith.muli %parallel_loop3A_273, %parallel_loop3A_334 : i32
        %parallel_loop3A_336 = arith.constant 0 : i32
        %parallel_loop3A_337 = arith.constant 3 : i32
        %parallel_loop3A_338 = arith.index_cast %parallel_loop3A_336 : i32 to index
        %parallel_loop3A_339 = arith.index_cast %parallel_loop3A_337 : i32 to index
        %parallel_loop3A_340 = arith.index_cast %parallel_loop3A_335 : i32 to index
        %parallel_loop3A_341 = tpu.vector_load %arg8[%parallel_loop3A_338, %parallel_loop3A_339, %parallel_loop3A_340] {strides = array<i32>} : memref<2x8x2048xf32, #tpu.memory_space<vmem>>, vector<16xf32>,
        tpu.vector_store %arg8[%parallel_loop3A_338, %parallel_loop3A_339, %parallel_loop3A_340], %parallel_loop3A_333 {strides = array<i32>} : memref<2x8x2048xf32, #tpu.memory_space<vmem>>, vector<16xf32>,
        %parallel_loop3A_342 = arith.constant 4 : i32
        %parallel_loop3A_343 = vector.broadcast %parallel_loop3A_342 : i32 to vector<16xi32>
        %parallel_loop3A_344 = arith.constant 0 : i32
        %parallel_loop3A_345 = arith.constant 0 : i32
        %parallel_loop3A_346 = arith.constant 0 : i32
        %parallel_loop3A_347 = tpu.memref_slice %arg7[%parallel_loop3A_344, %parallel_loop3A_345, %parallel_loop3A_346] : memref<4x8x2048xf32, #tpu.memory_space<vmem>> -> memref<1x8x2048xf32, #tpu.memory_space<vmem>>
        %parallel_loop3A_348 = tpu.memref_squeeze %parallel_loop3A_347 : memref<1x8x2048xf32, #tpu.memory_space<vmem>> -> memref<8x2048xf32, #tpu.memory_space<vmem>>
        %parallel_loop3A_349 = tpu.vector_load_idx %parallel_loop3A_348[%parallel_loop3A_343, %parallel_loop3A_277] : memref<8x2048xf32, #tpu.memory_space<vmem>>[vector<16xi32>, vector<16xi32>], vector<16xf32>,
        %parallel_loop3A_350 = arith.constant 16 : i32
        %parallel_loop3A_351 = arith.muli %parallel_loop3A_273, %parallel_loop3A_350 : i32
        %parallel_loop3A_352 = arith.constant 0 : i32
        %parallel_loop3A_353 = arith.constant 4 : i32
        %parallel_loop3A_354 = arith.index_cast %parallel_loop3A_352 : i32 to index
        %parallel_loop3A_355 = arith.index_cast %parallel_loop3A_353 : i32 to index
        %parallel_loop3A_356 = arith.index_cast %parallel_loop3A_351 : i32 to index
        %parallel_loop3A_357 = tpu.vector_load %arg8[%parallel_loop3A_354, %parallel_loop3A_355, %parallel_loop3A_356] {strides = array<i32>} : memref<2x8x2048xf32, #tpu.memory_space<vmem>>, vector<16xf32>,
        tpu.vector_store %arg8[%parallel_loop3A_354, %parallel_loop3A_355, %parallel_loop3A_356], %parallel_loop3A_349 {strides = array<i32>} : memref<2x8x2048xf32, #tpu.memory_space<vmem>>, vector<16xf32>,
        %parallel_loop3A_358 = arith.constant 5 : i32
        %parallel_loop3A_359 = vector.broadcast %parallel_loop3A_358 : i32 to vector<16xi32>
        %parallel_loop3A_360 = arith.constant 0 : i32
        %parallel_loop3A_361 = arith.constant 0 : i32
        %parallel_loop3A_362 = arith.constant 0 : i32
        %parallel_loop3A_363 = tpu.memref_slice %arg7[%parallel_loop3A_360, %parallel_loop3A_361, %parallel_loop3A_362] : memref<4x8x2048xf32, #tpu.memory_space<vmem>> -> memref<1x8x2048xf32, #tpu.memory_space<vmem>>
        %parallel_loop3A_364 = tpu.memref_squeeze %parallel_loop3A_363 : memref<1x8x2048xf32, #tpu.memory_space<vmem>> -> memref<8x2048xf32, #tpu.memory_space<vmem>>
        %parallel_loop3A_365 = tpu.vector_load_idx %parallel_loop3A_364[%parallel_loop3A_359, %parallel_loop3A_277] : memref<8x2048xf32, #tpu.memory_space<vmem>>[vector<16xi32>, vector<16xi32>], vector<16xf32>,
        %parallel_loop3A_366 = arith.constant 16 : i32
        %parallel_loop3A_367 = arith.muli %parallel_loop3A_273, %parallel_loop3A_366 : i32
        %parallel_loop3A_368 = arith.constant 0 : i32
        %parallel_loop3A_369 = arith.constant 5 : i32
        %parallel_loop3A_370 = arith.index_cast %parallel_loop3A_368 : i32 to index
        %parallel_loop3A_371 = arith.index_cast %parallel_loop3A_369 : i32 to index
        %parallel_loop3A_372 = arith.index_cast %parallel_loop3A_367 : i32 to index
        %parallel_loop3A_373 = tpu.vector_load %arg8[%parallel_loop3A_370, %parallel_loop3A_371, %parallel_loop3A_372] {strides = array<i32>} : memref<2x8x2048xf32, #tpu.memory_space<vmem>>, vector<16xf32>,
        tpu.vector_store %arg8[%parallel_loop3A_370, %parallel_loop3A_371, %parallel_loop3A_372], %parallel_loop3A_365 {strides = array<i32>} : memref<2x8x2048xf32, #tpu.memory_space<vmem>>, vector<16xf32>,
        %parallel_loop3A_374 = arith.constant 6 : i32
        %parallel_loop3A_375 = vector.broadcast %parallel_loop3A_374 : i32 to vector<16xi32>
        %parallel_loop3A_376 = arith.constant 0 : i32
        %parallel_loop3A_377 = arith.constant 0 : i32
        %parallel_loop3A_378 = arith.constant 0 : i32
        %parallel_loop3A_379 = tpu.memref_slice %arg7[%parallel_loop3A_376, %parallel_loop3A_377, %parallel_loop3A_378] : memref<4x8x2048xf32, #tpu.memory_space<vmem>> -> memref<1x8x2048xf32, #tpu.memory_space<vmem>>
        %parallel_loop3A_380 = tpu.memref_squeeze %parallel_loop3A_379 : memref<1x8x2048xf32, #tpu.memory_space<vmem>> -> memref<8x2048xf32, #tpu.memory_space<vmem>>
        %parallel_loop3A_381 = tpu.vector_load_idx %parallel_loop3A_380[%parallel_loop3A_375, %parallel_loop3A_277] : memref<8x2048xf32, #tpu.memory_space<vmem>>[vector<16xi32>, vector<16xi32>], vector<16xf32>,
        %parallel_loop3A_382 = arith.constant 16 : i32
        %parallel_loop3A_383 = arith.muli %parallel_loop3A_273, %parallel_loop3A_382 : i32
        %parallel_loop3A_384 = arith.constant 0 : i32
        %parallel_loop3A_385 = arith.constant 6 : i32
        %parallel_loop3A_386 = arith.index_cast %parallel_loop3A_384 : i32 to index
        %parallel_loop3A_387 = arith.index_cast %parallel_loop3A_385 : i32 to index
        %parallel_loop3A_388 = arith.index_cast %parallel_loop3A_383 : i32 to index
        %parallel_loop3A_389 = tpu.vector_load %arg8[%parallel_loop3A_386, %parallel_loop3A_387, %parallel_loop3A_388] {strides = array<i32>} : memref<2x8x2048xf32, #tpu.memory_space<vmem>>, vector<16xf32>,
        tpu.vector_store %arg8[%parallel_loop3A_386, %parallel_loop3A_387, %parallel_loop3A_388], %parallel_loop3A_381 {strides = array<i32>} : memref<2x8x2048xf32, #tpu.memory_space<vmem>>, vector<16xf32>,
        %parallel_loop3A_390 = arith.constant 7 : i32
        %parallel_loop3A_391 = vector.broadcast %parallel_loop3A_390 : i32 to vector<16xi32>
        %parallel_loop3A_392 = arith.constant 0 : i32
        %parallel_loop3A_393 = arith.constant 0 : i32
        %parallel_loop3A_394 = arith.constant 0 : i32
        %parallel_loop3A_395 = tpu.memref_slice %arg7[%parallel_loop3A_392, %parallel_loop3A_393, %parallel_loop3A_394] : memref<4x8x2048xf32, #tpu.memory_space<vmem>> -> memref<1x8x2048xf32, #tpu.memory_space<vmem>>
        %parallel_loop3A_396 = tpu.memref_squeeze %parallel_loop3A_395 : memref<1x8x2048xf32, #tpu.memory_space<vmem>> -> memref<8x2048xf32, #tpu.memory_space<vmem>>
        %parallel_loop3A_397 = tpu.vector_load_idx %parallel_loop3A_396[%parallel_loop3A_391, %parallel_loop3A_277] : memref<8x2048xf32, #tpu.memory_space<vmem>>[vector<16xi32>, vector<16xi32>], vector<16xf32>,
        %parallel_loop3A_398 = arith.constant 16 : i32
        %parallel_loop3A_399 = arith.muli %parallel_loop3A_273, %parallel_loop3A_398 : i32
        %parallel_loop3A_400 = arith.constant 0 : i32
        %parallel_loop3A_401 = arith.constant 7 : i32
        %parallel_loop3A_402 = arith.index_cast %parallel_loop3A_400 : i32 to index
        %parallel_loop3A_403 = arith.index_cast %parallel_loop3A_401 : i32 to index
        %parallel_loop3A_404 = arith.index_cast %parallel_loop3A_399 : i32 to index
        %parallel_loop3A_405 = tpu.vector_load %arg8[%parallel_loop3A_402, %parallel_loop3A_403, %parallel_loop3A_404] {strides = array<i32>} : memref<2x8x2048xf32, #tpu.memory_space<vmem>>, vector<16xf32>,
        tpu.vector_store %arg8[%parallel_loop3A_402, %parallel_loop3A_403, %parallel_loop3A_404], %parallel_loop3A_397 {strides = array<i32>} : memref<2x8x2048xf32, #tpu.memory_space<vmem>>, vector<16xf32>,
      } {sc.loop_unroll_factor = 4 : i64, sc.parallel_access}
      %mul3A_96 = arith.constant 8 : i32
      %mul3A_97 = arith.muli %add3A_80, %mul3A_96 : i32
      %add3A_98 = arith.addi %mul3A_2, %mul3A_97 : i32
      %dma_start3A_99 = arith.constant 0 : i32
      %dma_start3A_100 = arith.constant 0 : i32
      %dma_start3A_101 = arith.constant 0 : i32
      %dma_start3A_102 = tpu.memref_slice %arg8[%dma_start3A_99, %dma_start3A_100, %dma_start3A_101] : memref<2x8x2048xf32, #tpu.memory_space<vmem>> -> memref<1x8x2048xf32, #tpu.memory_space<vmem>>
      %dma_start3A_103 = tpu.memref_squeeze %dma_start3A_102 : memref<1x8x2048xf32, #tpu.memory_space<vmem>> -> memref<8x2048xf32, #tpu.memory_space<vmem>>
      %dma_start3A_104 = arith.constant 0 : i32
      %dma_start3A_105 = tpu.memref_slice %arg5[%add3A_98, %dma_start3A_104] : memref<16384x2048xf32, #tpu.memory_space<hbm>> -> memref<8x2048xf32, #tpu.memory_space<hbm>>
      %dma_start3A_106 = arith.constant 0 : i32
      %dma_start3A_107 = tpu.memref_slice %arg5[%add3A_98, %dma_start3A_106] : memref<16384x2048xf32, #tpu.memory_space<hbm>> -> memref<8x2048xf32, #tpu.memory_space<hbm>>
      %dma_start3A_108 = arith.constant 0 : i32
      %dma_start3A_109 = arith.constant 0 : i32
      %dma_start3A_110 = tpu.memref_slice %arg8[%dma_start3A_99, %dma_start3A_108, %dma_start3A_109] : memref<2x8x2048xf32, #tpu.memory_space<vmem>> -> memref<1x8x2048xf32, #tpu.memory_space<vmem>>
      %dma_start3A_111 = tpu.memref_squeeze %dma_start3A_110 : memref<1x8x2048xf32, #tpu.memory_space<vmem>> -> memref<8x2048xf32, #tpu.memory_space<vmem>>
      tpu.enqueue_dma source(%dma_start3A_111 : memref<8x2048xf32, #tpu.memory_space<vmem>>) target(%dma_start3A_107 : memref<8x2048xf32, #tpu.memory_space<hbm>>) target_semaphore(%arg14 : memref<!tpu.dma_semaphore, #tpu.memory_space<semaphore_mem>>)
      %lt3A = arith.constant 15 : i32
      %lt3A_112 = arith.cmpi slt, %scan3A_76, %lt3A : i32
      %convert_element_type3A_113 = arith.extui %lt3A_112 : i1 to i32
      %cond3A_114 = arith.constant 0 : i32
      %cond3A_115 = arith.cmpi ne, %convert_element_type3A_113, %cond3A_114 : i32
      scf.if %cond3A_115 {
        %add3A_273 = arith.constant 4 : i32
        %add3A_274 = arith.addi %add3A_80, %add3A_273 : i32
        %mul3A_275 = arith.constant 8 : i32
        %mul3A_276 = arith.muli %add3A_274, %mul3A_275 : i32
        %dma_start3A_277 = arith.constant 0 : i32
        %dma_start3A_278 = arith.constant 0 : i32
        %dma_start3A_279 = arith.constant 0 : i32
        %dma_start3A_280 = tpu.memref_slice %arg7[%dma_start3A_277, %dma_start3A_278, %dma_start3A_279] : memref<4x8x2048xf32, #tpu.memory_space<vmem>> -> memref<1x8x2048xf32, #tpu.memory_space<vmem>>
        %dma_start3A_281 = tpu.memref_squeeze %dma_start3A_280 : memref<1x8x2048xf32, #tpu.memory_space<vmem>> -> memref<8x2048xf32, #tpu.memory_space<vmem>>
        %dma_start3A_282 = tpu.memref_slice %arg6[%mul3A_276] : memref<512xi32, #tpu.memory_space<vmem>> -> memref<8xi32, #tpu.memory_space<vmem>>
        %dma_start3A_283 = arith.constant 0 : i32
        %dma_start3A_284 = arith.constant 0 : i32
        %dma_start3A_285 = tpu.memref_slice %arg2[%dma_start3A_283, %dma_start3A_284] : memref<16384x2048xf32, #tpu.memory_space<hbm>> -> memref<16384x2048xf32, #tpu.memory_space<hbm>>
        tpu.enqueue_indirect_dma source(%dma_start3A_285 : memref<16384x2048xf32, #tpu.memory_space<hbm>>) target(%dma_start3A_281 : memref<8x2048xf32, #tpu.memory_space<vmem>>) offsets(%dma_start3A_282 : memref<8xi32, #tpu.memory_space<vmem>>) semaphore(%arg10 : memref<!tpu.dma_semaphore, #tpu.memory_space<semaphore_mem>>)
      } else {
      }
      %mul3A_116 = arith.constant 4 : i32
      %mul3A_117 = arith.muli %mul3A_116, %scan3A_76 : i32
      %add3A_118 = arith.constant 1 : i32
      %add3A_119 = arith.addi %mul3A_117, %add3A_118 : i32
      %mul3A_120 = arith.constant 8 : i32
      %mul3A_121 = arith.muli %add3A_119, %mul3A_120 : i32
      %dma_wait3A_122 = arith.constant 1 : i32
      %dma_wait3A_123 = arith.constant 0 : i32
      %dma_wait3A_124 = arith.constant 0 : i32
      %dma_wait3A_125 = tpu.memref_slice %arg7[%dma_wait3A_122, %dma_wait3A_123, %dma_wait3A_124] : memref<4x8x2048xf32, #tpu.memory_space<vmem>> -> memref<1x8x2048xf32, #tpu.memory_space<vmem>>
      %dma_wait3A_126 = tpu.memref_squeeze %dma_wait3A_125 : memref<1x8x2048xf32, #tpu.memory_space<vmem>> -> memref<8x2048xf32, #tpu.memory_space<vmem>>
      %dma_wait3A_127 = tpu.memref_slice %arg6[%mul3A_121] : memref<512xi32, #tpu.memory_space<vmem>> -> memref<8xi32, #tpu.memory_space<vmem>>
      %dma_wait3A_128 = arith.constant 0 : i32
      %dma_wait3A_129 = arith.constant 0 : i32
      %dma_wait3A_130 = tpu.memref_slice %arg2[%dma_wait3A_128, %dma_wait3A_129] : memref<16384x2048xf32, #tpu.memory_space<hbm>> -> memref<16384x2048xf32, #tpu.memory_space<hbm>>
      tpu.wait_indirect_dma semaphore(%arg11 : memref<!tpu.dma_semaphore, #tpu.memory_space<semaphore_mem>>) src(%dma_wait3A_130 : memref<16384x2048xf32, #tpu.memory_space<hbm>>) dst(%dma_wait3A_126 : memref<8x2048xf32, #tpu.memory_space<vmem>>)
      %gt3A_131 = arith.constant 0 : i32
      %gt3A_132 = arith.cmpi sgt, %scan3A_76, %gt3A_131 : i32
      %convert_element_type3A_133 = arith.extui %gt3A_132 : i1 to i32
      %cond3A_134 = arith.constant 0 : i32
      %cond3A_135 = arith.cmpi ne, %convert_element_type3A_133, %cond3A_134 : i32
      scf.if %cond3A_135 {
        %sub3A_273 = arith.constant 2 : i32
        %sub3A_274 = arith.subi %add3A_119, %sub3A_273 : i32
        %mul3A_275 = arith.constant 8 : i32
        %mul3A_276 = arith.muli %sub3A_274, %mul3A_275 : i32
        %add3A_277 = arith.addi %mul3A_2, %mul3A_276 : i32
        %dma_wait3A_278 = arith.constant 1 : i32
        %dma_wait3A_279 = arith.constant 0 : i32
        %dma_wait3A_280 = arith.constant 0 : i32
        %dma_wait3A_281 = tpu.memref_slice %arg8[%dma_wait3A_278, %dma_wait3A_279, %dma_wait3A_280] : memref<2x8x2048xf32, #tpu.memory_space<vmem>> -> memref<1x8x2048xf32, #tpu.memory_space<vmem>>
        %dma_wait3A_282 = tpu.memref_squeeze %dma_wait3A_281 : memref<1x8x2048xf32, #tpu.memory_space<vmem>> -> memref<8x2048xf32, #tpu.memory_space<vmem>>
        %dma_wait3A_283 = arith.constant 0 : i32
        %dma_wait3A_284 = tpu.memref_slice %arg5[%add3A_277, %dma_wait3A_283] : memref<16384x2048xf32, #tpu.memory_space<hbm>> -> memref<8x2048xf32, #tpu.memory_space<hbm>>
        %dma_wait3A_285 = arith.constant 0 : i32
        %dma_wait3A_286 = tpu.memref_slice %arg5[%add3A_277, %dma_wait3A_285] : memref<16384x2048xf32, #tpu.memory_space<hbm>> -> memref<8x2048xf32, #tpu.memory_space<hbm>>
        %dma_wait3A_287 = arith.constant 0 : i32
        %dma_wait3A_288 = arith.constant 0 : i32
        %dma_wait3A_289 = tpu.memref_slice %arg8[%dma_wait3A_278, %dma_wait3A_287, %dma_wait3A_288] : memref<2x8x2048xf32, #tpu.memory_space<vmem>> -> memref<1x8x2048xf32, #tpu.memory_space<vmem>>
        %dma_wait3A_290 = tpu.memref_squeeze %dma_wait3A_289 : memref<1x8x2048xf32, #tpu.memory_space<vmem>> -> memref<8x2048xf32, #tpu.memory_space<vmem>>
        tpu.wait_dma2 semaphore(%arg15 : memref<!tpu.dma_semaphore, #tpu.memory_space<semaphore_mem>>) src(%dma_wait3A_290 : memref<8x2048xf32, #tpu.memory_space<vmem>>) dst(%dma_wait3A_286 : memref<8x2048xf32, #tpu.memory_space<hbm>>)
      } else {
      }
      %parallel_loop3A_136 = arith.constant 0 : i32
      %parallel_loop3A_137 = arith.constant 128 : i32
      %parallel_loop3A_138 = arith.constant 1 : i32
      scf.for %parallel_loop3A_273 = %parallel_loop3A_136 to %parallel_loop3A_137 step %parallel_loop3A_138  : i32 {
        %parallel_loop3A_274 = arith.constant 16 : i32
        %parallel_loop3A_275 = arith.muli %parallel_loop3A_273, %parallel_loop3A_274 : i32
        %parallel_loop3A_276 = arith.index_cast %parallel_loop3A_275 : i32 to index
        %parallel_loop3A_277 = tpu.vector_load %arg9[%parallel_loop3A_276] {strides = array<i32>} : memref<2048xi32, #tpu.memory_space<vmem>>, vector<16xi32>,
        %parallel_loop3A_278 = arith.constant 0 : i32
        %parallel_loop3A_279 = vector.broadcast %parallel_loop3A_278 : i32 to vector<16xi32>
        %parallel_loop3A_280 = arith.constant 1 : i32
        %parallel_loop3A_281 = arith.constant 0 : i32
        %parallel_loop3A_282 = arith.constant 0 : i32
        %parallel_loop3A_283 = tpu.memref_slice %arg7[%parallel_loop3A_280, %parallel_loop3A_281, %parallel_loop3A_282] : memref<4x8x2048xf32, #tpu.memory_space<vmem>> -> memref<1x8x2048xf32, #tpu.memory_space<vmem>>
        %parallel_loop3A_284 = tpu.memref_squeeze %parallel_loop3A_283 : memref<1x8x2048xf32, #tpu.memory_space<vmem>> -> memref<8x2048xf32, #tpu.memory_space<vmem>>
        %parallel_loop3A_285 = tpu.vector_load_idx %parallel_loop3A_284[%parallel_loop3A_279, %parallel_loop3A_277] : memref<8x2048xf32, #tpu.memory_space<vmem>>[vector<16xi32>, vector<16xi32>], vector<16xf32>,
        %parallel_loop3A_286 = arith.constant 16 : i32
        %parallel_loop3A_287 = arith.muli %parallel_loop3A_273, %parallel_loop3A_286 : i32
        %parallel_loop3A_288 = arith.constant 1 : i32
        %parallel_loop3A_289 = arith.constant 0 : i32
        %parallel_loop3A_290 = arith.index_cast %parallel_loop3A_288 : i32 to index
        %parallel_loop3A_291 = arith.index_cast %parallel_loop3A_289 : i32 to index
        %parallel_loop3A_292 = arith.index_cast %parallel_loop3A_287 : i32 to index
        %parallel_loop3A_293 = tpu.vector_load %arg8[%parallel_loop3A_290, %parallel_loop3A_291, %parallel_loop3A_292] {strides = array<i32>} : memref<2x8x2048xf32, #tpu.memory_space<vmem>>, vector<16xf32>,
        tpu.vector_store %arg8[%parallel_loop3A_290, %parallel_loop3A_291, %parallel_loop3A_292], %parallel_loop3A_285 {strides = array<i32>} : memref<2x8x2048xf32, #tpu.memory_space<vmem>>, vector<16xf32>,
        %parallel_loop3A_294 = arith.constant 1 : i32
        %parallel_loop3A_295 = vector.broadcast %parallel_loop3A_294 : i32 to vector<16xi32>
        %parallel_loop3A_296 = arith.constant 1 : i32
        %parallel_loop3A_297 = arith.constant 0 : i32
        %parallel_loop3A_298 = arith.constant 0 : i32
        %parallel_loop3A_299 = tpu.memref_slice %arg7[%parallel_loop3A_296, %parallel_loop3A_297, %parallel_loop3A_298] : memref<4x8x2048xf32, #tpu.memory_space<vmem>> -> memref<1x8x2048xf32, #tpu.memory_space<vmem>>
        %parallel_loop3A_300 = tpu.memref_squeeze %parallel_loop3A_299 : memref<1x8x2048xf32, #tpu.memory_space<vmem>> -> memref<8x2048xf32, #tpu.memory_space<vmem>>
        %parallel_loop3A_301 = tpu.vector_load_idx %parallel_loop3A_300[%parallel_loop3A_295, %parallel_loop3A_277] : memref<8x2048xf32, #tpu.memory_space<vmem>>[vector<16xi32>, vector<16xi32>], vector<16xf32>,
        %parallel_loop3A_302 = arith.constant 16 : i32
        %parallel_loop3A_303 = arith.muli %parallel_loop3A_273, %parallel_loop3A_302 : i32
        %parallel_loop3A_304 = arith.constant 1 : i32
        %parallel_loop3A_305 = arith.constant 1 : i32
        %parallel_loop3A_306 = arith.index_cast %parallel_loop3A_304 : i32 to index
        %parallel_loop3A_307 = arith.index_cast %parallel_loop3A_305 : i32 to index
        %parallel_loop3A_308 = arith.index_cast %parallel_loop3A_303 : i32 to index
        %parallel_loop3A_309 = tpu.vector_load %arg8[%parallel_loop3A_306, %parallel_loop3A_307, %parallel_loop3A_308] {strides = array<i32>} : memref<2x8x2048xf32, #tpu.memory_space<vmem>>, vector<16xf32>,
        tpu.vector_store %arg8[%parallel_loop3A_306, %parallel_loop3A_307, %parallel_loop3A_308], %parallel_loop3A_301 {strides = array<i32>} : memref<2x8x2048xf32, #tpu.memory_space<vmem>>, vector<16xf32>,
        %parallel_loop3A_310 = arith.constant 2 : i32
        %parallel_loop3A_311 = vector.broadcast %parallel_loop3A_310 : i32 to vector<16xi32>
        %parallel_loop3A_312 = arith.constant 1 : i32
        %parallel_loop3A_313 = arith.constant 0 : i32
        %parallel_loop3A_314 = arith.constant 0 : i32
        %parallel_loop3A_315 = tpu.memref_slice %arg7[%parallel_loop3A_312, %parallel_loop3A_313, %parallel_loop3A_314] : memref<4x8x2048xf32, #tpu.memory_space<vmem>> -> memref<1x8x2048xf32, #tpu.memory_space<vmem>>
        %parallel_loop3A_316 = tpu.memref_squeeze %parallel_loop3A_315 : memref<1x8x2048xf32, #tpu.memory_space<vmem>> -> memref<8x2048xf32, #tpu.memory_space<vmem>>
        %parallel_loop3A_317 = tpu.vector_load_idx %parallel_loop3A_316[%parallel_loop3A_311, %parallel_loop3A_277] : memref<8x2048xf32, #tpu.memory_space<vmem>>[vector<16xi32>, vector<16xi32>], vector<16xf32>,
        %parallel_loop3A_318 = arith.constant 16 : i32
        %parallel_loop3A_319 = arith.muli %parallel_loop3A_273, %parallel_loop3A_318 : i32
        %parallel_loop3A_320 = arith.constant 1 : i32
        %parallel_loop3A_321 = arith.constant 2 : i32
        %parallel_loop3A_322 = arith.index_cast %parallel_loop3A_320 : i32 to index
        %parallel_loop3A_323 = arith.index_cast %parallel_loop3A_321 : i32 to index
        %parallel_loop3A_324 = arith.index_cast %parallel_loop3A_319 : i32 to index
        %parallel_loop3A_325 = tpu.vector_load %arg8[%parallel_loop3A_322, %parallel_loop3A_323, %parallel_loop3A_324] {strides = array<i32>} : memref<2x8x2048xf32, #tpu.memory_space<vmem>>, vector<16xf32>,
        tpu.vector_store %arg8[%parallel_loop3A_322, %parallel_loop3A_323, %parallel_loop3A_324], %parallel_loop3A_317 {strides = array<i32>} : memref<2x8x2048xf32, #tpu.memory_space<vmem>>, vector<16xf32>,
        %parallel_loop3A_326 = arith.constant 3 : i32
        %parallel_loop3A_327 = vector.broadcast %parallel_loop3A_326 : i32 to vector<16xi32>
        %parallel_loop3A_328 = arith.constant 1 : i32
        %parallel_loop3A_329 = arith.constant 0 : i32
        %parallel_loop3A_330 = arith.constant 0 : i32
        %parallel_loop3A_331 = tpu.memref_slice %arg7[%parallel_loop3A_328, %parallel_loop3A_329, %parallel_loop3A_330] : memref<4x8x2048xf32, #tpu.memory_space<vmem>> -> memref<1x8x2048xf32, #tpu.memory_space<vmem>>
        %parallel_loop3A_332 = tpu.memref_squeeze %parallel_loop3A_331 : memref<1x8x2048xf32, #tpu.memory_space<vmem>> -> memref<8x2048xf32, #tpu.memory_space<vmem>>
        %parallel_loop3A_333 = tpu.vector_load_idx %parallel_loop3A_332[%parallel_loop3A_327, %parallel_loop3A_277] : memref<8x2048xf32, #tpu.memory_space<vmem>>[vector<16xi32>, vector<16xi32>], vector<16xf32>,
        %parallel_loop3A_334 = arith.constant 16 : i32
        %parallel_loop3A_335 = arith.muli %parallel_loop3A_273, %parallel_loop3A_334 : i32
        %parallel_loop3A_336 = arith.constant 1 : i32
        %parallel_loop3A_337 = arith.constant 3 : i32
        %parallel_loop3A_338 = arith.index_cast %parallel_loop3A_336 : i32 to index
        %parallel_loop3A_339 = arith.index_cast %parallel_loop3A_337 : i32 to index
        %parallel_loop3A_340 = arith.index_cast %parallel_loop3A_335 : i32 to index
        %parallel_loop3A_341 = tpu.vector_load %arg8[%parallel_loop3A_338, %parallel_loop3A_339, %parallel_loop3A_340] {strides = array<i32>} : memref<2x8x2048xf32, #tpu.memory_space<vmem>>, vector<16xf32>,
        tpu.vector_store %arg8[%parallel_loop3A_338, %parallel_loop3A_339, %parallel_loop3A_340], %parallel_loop3A_333 {strides = array<i32>} : memref<2x8x2048xf32, #tpu.memory_space<vmem>>, vector<16xf32>,
        %parallel_loop3A_342 = arith.constant 4 : i32
        %parallel_loop3A_343 = vector.broadcast %parallel_loop3A_342 : i32 to vector<16xi32>
        %parallel_loop3A_344 = arith.constant 1 : i32
        %parallel_loop3A_345 = arith.constant 0 : i32
        %parallel_loop3A_346 = arith.constant 0 : i32
        %parallel_loop3A_347 = tpu.memref_slice %arg7[%parallel_loop3A_344, %parallel_loop3A_345, %parallel_loop3A_346] : memref<4x8x2048xf32, #tpu.memory_space<vmem>> -> memref<1x8x2048xf32, #tpu.memory_space<vmem>>
        %parallel_loop3A_348 = tpu.memref_squeeze %parallel_loop3A_347 : memref<1x8x2048xf32, #tpu.memory_space<vmem>> -> memref<8x2048xf32, #tpu.memory_space<vmem>>
        %parallel_loop3A_349 = tpu.vector_load_idx %parallel_loop3A_348[%parallel_loop3A_343, %parallel_loop3A_277] : memref<8x2048xf32, #tpu.memory_space<vmem>>[vector<16xi32>, vector<16xi32>], vector<16xf32>,
        %parallel_loop3A_350 = arith.constant 16 : i32
        %parallel_loop3A_351 = arith.muli %parallel_loop3A_273, %parallel_loop3A_350 : i32
        %parallel_loop3A_352 = arith.constant 1 : i32
        %parallel_loop3A_353 = arith.constant 4 : i32
        %parallel_loop3A_354 = arith.index_cast %parallel_loop3A_352 : i32 to index
        %parallel_loop3A_355 = arith.index_cast %parallel_loop3A_353 : i32 to index
        %parallel_loop3A_356 = arith.index_cast %parallel_loop3A_351 : i32 to index
        %parallel_loop3A_357 = tpu.vector_load %arg8[%parallel_loop3A_354, %parallel_loop3A_355, %parallel_loop3A_356] {strides = array<i32>} : memref<2x8x2048xf32, #tpu.memory_space<vmem>>, vector<16xf32>,
        tpu.vector_store %arg8[%parallel_loop3A_354, %parallel_loop3A_355, %parallel_loop3A_356], %parallel_loop3A_349 {strides = array<i32>} : memref<2x8x2048xf32, #tpu.memory_space<vmem>>, vector<16xf32>,
        %parallel_loop3A_358 = arith.constant 5 : i32
        %parallel_loop3A_359 = vector.broadcast %parallel_loop3A_358 : i32 to vector<16xi32>
        %parallel_loop3A_360 = arith.constant 1 : i32
        %parallel_loop3A_361 = arith.constant 0 : i32
        %parallel_loop3A_362 = arith.constant 0 : i32
        %parallel_loop3A_363 = tpu.memref_slice %arg7[%parallel_loop3A_360, %parallel_loop3A_361, %parallel_loop3A_362] : memref<4x8x2048xf32, #tpu.memory_space<vmem>> -> memref<1x8x2048xf32, #tpu.memory_space<vmem>>
        %parallel_loop3A_364 = tpu.memref_squeeze %parallel_loop3A_363 : memref<1x8x2048xf32, #tpu.memory_space<vmem>> -> memref<8x2048xf32, #tpu.memory_space<vmem>>
        %parallel_loop3A_365 = tpu.vector_load_idx %parallel_loop3A_364[%parallel_loop3A_359, %parallel_loop3A_277] : memref<8x2048xf32, #tpu.memory_space<vmem>>[vector<16xi32>, vector<16xi32>], vector<16xf32>,
        %parallel_loop3A_366 = arith.constant 16 : i32
        %parallel_loop3A_367 = arith.muli %parallel_loop3A_273, %parallel_loop3A_366 : i32
        %parallel_loop3A_368 = arith.constant 1 : i32
        %parallel_loop3A_369 = arith.constant 5 : i32
        %parallel_loop3A_370 = arith.index_cast %parallel_loop3A_368 : i32 to index
        %parallel_loop3A_371 = arith.index_cast %parallel_loop3A_369 : i32 to index
        %parallel_loop3A_372 = arith.index_cast %parallel_loop3A_367 : i32 to index
        %parallel_loop3A_373 = tpu.vector_load %arg8[%parallel_loop3A_370, %parallel_loop3A_371, %parallel_loop3A_372] {strides = array<i32>} : memref<2x8x2048xf32, #tpu.memory_space<vmem>>, vector<16xf32>,
        tpu.vector_store %arg8[%parallel_loop3A_370, %parallel_loop3A_371, %parallel_loop3A_372], %parallel_loop3A_365 {strides = array<i32>} : memref<2x8x2048xf32, #tpu.memory_space<vmem>>, vector<16xf32>,
        %parallel_loop3A_374 = arith.constant 6 : i32
        %parallel_loop3A_375 = vector.broadcast %parallel_loop3A_374 : i32 to vector<16xi32>
        %parallel_loop3A_376 = arith.constant 1 : i32
        %parallel_loop3A_377 = arith.constant 0 : i32
        %parallel_loop3A_378 = arith.constant 0 : i32
        %parallel_loop3A_379 = tpu.memref_slice %arg7[%parallel_loop3A_376, %parallel_loop3A_377, %parallel_loop3A_378] : memref<4x8x2048xf32, #tpu.memory_space<vmem>> -> memref<1x8x2048xf32, #tpu.memory_space<vmem>>
        %parallel_loop3A_380 = tpu.memref_squeeze %parallel_loop3A_379 : memref<1x8x2048xf32, #tpu.memory_space<vmem>> -> memref<8x2048xf32, #tpu.memory_space<vmem>>
        %parallel_loop3A_381 = tpu.vector_load_idx %parallel_loop3A_380[%parallel_loop3A_375, %parallel_loop3A_277] : memref<8x2048xf32, #tpu.memory_space<vmem>>[vector<16xi32>, vector<16xi32>], vector<16xf32>,
        %parallel_loop3A_382 = arith.constant 16 : i32
        %parallel_loop3A_383 = arith.muli %parallel_loop3A_273, %parallel_loop3A_382 : i32
        %parallel_loop3A_384 = arith.constant 1 : i32
        %parallel_loop3A_385 = arith.constant 6 : i32
        %parallel_loop3A_386 = arith.index_cast %parallel_loop3A_384 : i32 to index
        %parallel_loop3A_387 = arith.index_cast %parallel_loop3A_385 : i32 to index
        %parallel_loop3A_388 = arith.index_cast %parallel_loop3A_383 : i32 to index
        %parallel_loop3A_389 = tpu.vector_load %arg8[%parallel_loop3A_386, %parallel_loop3A_387, %parallel_loop3A_388] {strides = array<i32>} : memref<2x8x2048xf32, #tpu.memory_space<vmem>>, vector<16xf32>,
        tpu.vector_store %arg8[%parallel_loop3A_386, %parallel_loop3A_387, %parallel_loop3A_388], %parallel_loop3A_381 {strides = array<i32>} : memref<2x8x2048xf32, #tpu.memory_space<vmem>>, vector<16xf32>,
        %parallel_loop3A_390 = arith.constant 7 : i32
        %parallel_loop3A_391 = vector.broadcast %parallel_loop3A_390 : i32 to vector<16xi32>
        %parallel_loop3A_392 = arith.constant 1 : i32
        %parallel_loop3A_393 = arith.constant 0 : i32
        %parallel_loop3A_394 = arith.constant 0 : i32
        %parallel_loop3A_395 = tpu.memref_slice %arg7[%parallel_loop3A_392, %parallel_loop3A_393, %parallel_loop3A_394] : memref<4x8x2048xf32, #tpu.memory_space<vmem>> -> memref<1x8x2048xf32, #tpu.memory_space<vmem>>
        %parallel_loop3A_396 = tpu.memref_squeeze %parallel_loop3A_395 : memref<1x8x2048xf32, #tpu.memory_space<vmem>> -> memref<8x2048xf32, #tpu.memory_space<vmem>>
        %parallel_loop3A_397 = tpu.vector_load_idx %parallel_loop3A_396[%parallel_loop3A_391, %parallel_loop3A_277] : memref<8x2048xf32, #tpu.memory_space<vmem>>[vector<16xi32>, vector<16xi32>], vector<16xf32>,
        %parallel_loop3A_398 = arith.constant 16 : i32
        %parallel_loop3A_399 = arith.muli %parallel_loop3A_273, %parallel_loop3A_398 : i32
        %parallel_loop3A_400 = arith.constant 1 : i32
        %parallel_loop3A_401 = arith.constant 7 : i32
        %parallel_loop3A_402 = arith.index_cast %parallel_loop3A_400 : i32 to index
        %parallel_loop3A_403 = arith.index_cast %parallel_loop3A_401 : i32 to index
        %parallel_loop3A_404 = arith.index_cast %parallel_loop3A_399 : i32 to index
        %parallel_loop3A_405 = tpu.vector_load %arg8[%parallel_loop3A_402, %parallel_loop3A_403, %parallel_loop3A_404] {strides = array<i32>} : memref<2x8x2048xf32, #tpu.memory_space<vmem>>, vector<16xf32>,
        tpu.vector_store %arg8[%parallel_loop3A_402, %parallel_loop3A_403, %parallel_loop3A_404], %parallel_loop3A_397 {strides = array<i32>} : memref<2x8x2048xf32, #tpu.memory_space<vmem>>, vector<16xf32>,
      } {sc.loop_unroll_factor = 4 : i64, sc.parallel_access}
      %mul3A_139 = arith.constant 8 : i32
      %mul3A_140 = arith.muli %add3A_119, %mul3A_139 : i32
      %add3A_141 = arith.addi %mul3A_2, %mul3A_140 : i32
      %dma_start3A_142 = arith.constant 1 : i32
      %dma_start3A_143 = arith.constant 0 : i32
      %dma_start3A_144 = arith.constant 0 : i32
      %dma_start3A_145 = tpu.memref_slice %arg8[%dma_start3A_142, %dma_start3A_143, %dma_start3A_144] : memref<2x8x2048xf32, #tpu.memory_space<vmem>> -> memref<1x8x2048xf32, #tpu.memory_space<vmem>>
      %dma_start3A_146 = tpu.memref_squeeze %dma_start3A_145 : memref<1x8x2048xf32, #tpu.memory_space<vmem>> -> memref<8x2048xf32, #tpu.memory_space<vmem>>
      %dma_start3A_147 = arith.constant 0 : i32
      %dma_start3A_148 = tpu.memref_slice %arg5[%add3A_141, %dma_start3A_147] : memref<16384x2048xf32, #tpu.memory_space<hbm>> -> memref<8x2048xf32, #tpu.memory_space<hbm>>
      %dma_start3A_149 = arith.constant 0 : i32
      %dma_start3A_150 = tpu.memref_slice %arg5[%add3A_141, %dma_start3A_149] : memref<16384x2048xf32, #tpu.memory_space<hbm>> -> memref<8x2048xf32, #tpu.memory_space<hbm>>
      %dma_start3A_151 = arith.constant 0 : i32
      %dma_start3A_152 = arith.constant 0 : i32
      %dma_start3A_153 = tpu.memref_slice %arg8[%dma_start3A_142, %dma_start3A_151, %dma_start3A_152] : memref<2x8x2048xf32, #tpu.memory_space<vmem>> -> memref<1x8x2048xf32, #tpu.memory_space<vmem>>
      %dma_start3A_154 = tpu.memref_squeeze %dma_start3A_153 : memref<1x8x2048xf32, #tpu.memory_space<vmem>> -> memref<8x2048xf32, #tpu.memory_space<vmem>>
      tpu.enqueue_dma source(%dma_start3A_154 : memref<8x2048xf32, #tpu.memory_space<vmem>>) target(%dma_start3A_150 : memref<8x2048xf32, #tpu.memory_space<hbm>>) target_semaphore(%arg15 : memref<!tpu.dma_semaphore, #tpu.memory_space<semaphore_mem>>)
      %lt3A_155 = arith.constant 15 : i32
      %lt3A_156 = arith.cmpi slt, %scan3A_76, %lt3A_155 : i32
      %convert_element_type3A_157 = arith.extui %lt3A_156 : i1 to i32
      %cond3A_158 = arith.constant 0 : i32
      %cond3A_159 = arith.cmpi ne, %convert_element_type3A_157, %cond3A_158 : i32
      scf.if %cond3A_159 {
        %add3A_273 = arith.constant 4 : i32
        %add3A_274 = arith.addi %add3A_119, %add3A_273 : i32
        %mul3A_275 = arith.constant 8 : i32
        %mul3A_276 = arith.muli %add3A_274, %mul3A_275 : i32
        %dma_start3A_277 = arith.constant 1 : i32
        %dma_start3A_278 = arith.constant 0 : i32
        %dma_start3A_279 = arith.constant 0 : i32
        %dma_start3A_280 = tpu.memref_slice %arg7[%dma_start3A_277, %dma_start3A_278, %dma_start3A_279] : memref<4x8x2048xf32, #tpu.memory_space<vmem>> -> memref<1x8x2048xf32, #tpu.memory_space<vmem>>
        %dma_start3A_281 = tpu.memref_squeeze %dma_start3A_280 : memref<1x8x2048xf32, #tpu.memory_space<vmem>> -> memref<8x2048xf32, #tpu.memory_space<vmem>>
        %dma_start3A_282 = tpu.memref_slice %arg6[%mul3A_276] : memref<512xi32, #tpu.memory_space<vmem>> -> memref<8xi32, #tpu.memory_space<vmem>>
        %dma_start3A_283 = arith.constant 0 : i32
        %dma_start3A_284 = arith.constant 0 : i32
        %dma_start3A_285 = tpu.memref_slice %arg2[%dma_start3A_283, %dma_start3A_284] : memref<16384x2048xf32, #tpu.memory_space<hbm>> -> memref<16384x2048xf32, #tpu.memory_space<hbm>>
        tpu.enqueue_indirect_dma source(%dma_start3A_285 : memref<16384x2048xf32, #tpu.memory_space<hbm>>) target(%dma_start3A_281 : memref<8x2048xf32, #tpu.memory_space<vmem>>) offsets(%dma_start3A_282 : memref<8xi32, #tpu.memory_space<vmem>>) semaphore(%arg11 : memref<!tpu.dma_semaphore, #tpu.memory_space<semaphore_mem>>)
      } else {
      }
      %mul3A_160 = arith.constant 4 : i32
      %mul3A_161 = arith.muli %mul3A_160, %scan3A_76 : i32
      %add3A_162 = arith.constant 2 : i32
      %add3A_163 = arith.addi %mul3A_161, %add3A_162 : i32
      %mul3A_164 = arith.constant 8 : i32
      %mul3A_165 = arith.muli %add3A_163, %mul3A_164 : i32
      %dma_wait3A_166 = arith.constant 2 : i32
      %dma_wait3A_167 = arith.constant 0 : i32
      %dma_wait3A_168 = arith.constant 0 : i32
      %dma_wait3A_169 = tpu.memref_slice %arg7[%dma_wait3A_166, %dma_wait3A_167, %dma_wait3A_168] : memref<4x8x2048xf32, #tpu.memory_space<vmem>> -> memref<1x8x2048xf32, #tpu.memory_space<vmem>>
      %dma_wait3A_170 = tpu.memref_squeeze %dma_wait3A_169 : memref<1x8x2048xf32, #tpu.memory_space<vmem>> -> memref<8x2048xf32, #tpu.memory_space<vmem>>
      %dma_wait3A_171 = tpu.memref_slice %arg6[%mul3A_165] : memref<512xi32, #tpu.memory_space<vmem>> -> memref<8xi32, #tpu.memory_space<vmem>>
      %dma_wait3A_172 = arith.constant 0 : i32
      %dma_wait3A_173 = arith.constant 0 : i32
      %dma_wait3A_174 = tpu.memref_slice %arg2[%dma_wait3A_172, %dma_wait3A_173] : memref<16384x2048xf32, #tpu.memory_space<hbm>> -> memref<16384x2048xf32, #tpu.memory_space<hbm>>
      tpu.wait_indirect_dma semaphore(%arg12 : memref<!tpu.dma_semaphore, #tpu.memory_space<semaphore_mem>>) src(%dma_wait3A_174 : memref<16384x2048xf32, #tpu.memory_space<hbm>>) dst(%dma_wait3A_170 : memref<8x2048xf32, #tpu.memory_space<vmem>>)
      %sub3A = arith.constant 2 : i32
      %sub3A_175 = arith.subi %add3A_163, %sub3A : i32
      %mul3A_176 = arith.constant 8 : i32
      %mul3A_177 = arith.muli %sub3A_175, %mul3A_176 : i32
      %add3A_178 = arith.addi %mul3A_2, %mul3A_177 : i32
      %dma_wait3A_179 = arith.constant 0 : i32
      %dma_wait3A_180 = arith.constant 0 : i32
      %dma_wait3A_181 = arith.constant 0 : i32
      %dma_wait3A_182 = tpu.memref_slice %arg8[%dma_wait3A_179, %dma_wait3A_180, %dma_wait3A_181] : memref<2x8x2048xf32, #tpu.memory_space<vmem>> -> memref<1x8x2048xf32, #tpu.memory_space<vmem>>
      %dma_wait3A_183 = tpu.memref_squeeze %dma_wait3A_182 : memref<1x8x2048xf32, #tpu.memory_space<vmem>> -> memref<8x2048xf32, #tpu.memory_space<vmem>>
      %dma_wait3A_184 = arith.constant 0 : i32
      %dma_wait3A_185 = tpu.memref_slice %arg5[%add3A_178, %dma_wait3A_184] : memref<16384x2048xf32, #tpu.memory_space<hbm>> -> memref<8x2048xf32, #tpu.memory_space<hbm>>
      %dma_wait3A_186 = arith.constant 0 : i32
      %dma_wait3A_187 = tpu.memref_slice %arg5[%add3A_178, %dma_wait3A_186] : memref<16384x2048xf32, #tpu.memory_space<hbm>> -> memref<8x2048xf32, #tpu.memory_space<hbm>>
      %dma_wait3A_188 = arith.constant 0 : i32
      %dma_wait3A_189 = arith.constant 0 : i32
      %dma_wait3A_190 = tpu.memref_slice %arg8[%dma_wait3A_179, %dma_wait3A_188, %dma_wait3A_189] : memref<2x8x2048xf32, #tpu.memory_space<vmem>> -> memref<1x8x2048xf32, #tpu.memory_space<vmem>>
      %dma_wait3A_191 = tpu.memref_squeeze %dma_wait3A_190 : memref<1x8x2048xf32, #tpu.memory_space<vmem>> -> memref<8x2048xf32, #tpu.memory_space<vmem>>
      tpu.wait_dma2 semaphore(%arg14 : memref<!tpu.dma_semaphore, #tpu.memory_space<semaphore_mem>>) src(%dma_wait3A_191 : memref<8x2048xf32, #tpu.memory_space<vmem>>) dst(%dma_wait3A_187 : memref<8x2048xf32, #tpu.memory_space<hbm>>)
      %parallel_loop3A_192 = arith.constant 0 : i32
      %parallel_loop3A_193 = arith.constant 128 : i32
      %parallel_loop3A_194 = arith.constant 1 : i32
      scf.for %parallel_loop3A_273 = %parallel_loop3A_192 to %parallel_loop3A_193 step %parallel_loop3A_194  : i32 {
        %parallel_loop3A_274 = arith.constant 16 : i32
        %parallel_loop3A_275 = arith.muli %parallel_loop3A_273, %parallel_loop3A_274 : i32
        %parallel_loop3A_276 = arith.index_cast %parallel_loop3A_275 : i32 to index
        %parallel_loop3A_277 = tpu.vector_load %arg9[%parallel_loop3A_276] {strides = array<i32>} : memref<2048xi32, #tpu.memory_space<vmem>>, vector<16xi32>,
        %parallel_loop3A_278 = arith.constant 0 : i32
        %parallel_loop3A_279 = vector.broadcast %parallel_loop3A_278 : i32 to vector<16xi32>
        %parallel_loop3A_280 = arith.constant 2 : i32
        %parallel_loop3A_281 = arith.constant 0 : i32
        %parallel_loop3A_282 = arith.constant 0 : i32
        %parallel_loop3A_283 = tpu.memref_slice %arg7[%parallel_loop3A_280, %parallel_loop3A_281, %parallel_loop3A_282] : memref<4x8x2048xf32, #tpu.memory_space<vmem>> -> memref<1x8x2048xf32, #tpu.memory_space<vmem>>
        %parallel_loop3A_284 = tpu.memref_squeeze %parallel_loop3A_283 : memref<1x8x2048xf32, #tpu.memory_space<vmem>> -> memref<8x2048xf32, #tpu.memory_space<vmem>>
        %parallel_loop3A_285 = tpu.vector_load_idx %parallel_loop3A_284[%parallel_loop3A_279, %parallel_loop3A_277] : memref<8x2048xf32, #tpu.memory_space<vmem>>[vector<16xi32>, vector<16xi32>], vector<16xf32>,
        %parallel_loop3A_286 = arith.constant 16 : i32
        %parallel_loop3A_287 = arith.muli %parallel_loop3A_273, %parallel_loop3A_286 : i32
        %parallel_loop3A_288 = arith.constant 0 : i32
        %parallel_loop3A_289 = arith.constant 0 : i32
        %parallel_loop3A_290 = arith.index_cast %parallel_loop3A_288 : i32 to index
        %parallel_loop3A_291 = arith.index_cast %parallel_loop3A_289 : i32 to index
        %parallel_loop3A_292 = arith.index_cast %parallel_loop3A_287 : i32 to index
        %parallel_loop3A_293 = tpu.vector_load %arg8[%parallel_loop3A_290, %parallel_loop3A_291, %parallel_loop3A_292] {strides = array<i32>} : memref<2x8x2048xf32, #tpu.memory_space<vmem>>, vector<16xf32>,
        tpu.vector_store %arg8[%parallel_loop3A_290, %parallel_loop3A_291, %parallel_loop3A_292], %parallel_loop3A_285 {strides = array<i32>} : memref<2x8x2048xf32, #tpu.memory_space<vmem>>, vector<16xf32>,
        %parallel_loop3A_294 = arith.constant 1 : i32
        %parallel_loop3A_295 = vector.broadcast %parallel_loop3A_294 : i32 to vector<16xi32>
        %parallel_loop3A_296 = arith.constant 2 : i32
        %parallel_loop3A_297 = arith.constant 0 : i32
        %parallel_loop3A_298 = arith.constant 0 : i32
        %parallel_loop3A_299 = tpu.memref_slice %arg7[%parallel_loop3A_296, %parallel_loop3A_297, %parallel_loop3A_298] : memref<4x8x2048xf32, #tpu.memory_space<vmem>> -> memref<1x8x2048xf32, #tpu.memory_space<vmem>>
        %parallel_loop3A_300 = tpu.memref_squeeze %parallel_loop3A_299 : memref<1x8x2048xf32, #tpu.memory_space<vmem>> -> memref<8x2048xf32, #tpu.memory_space<vmem>>
        %parallel_loop3A_301 = tpu.vector_load_idx %parallel_loop3A_300[%parallel_loop3A_295, %parallel_loop3A_277] : memref<8x2048xf32, #tpu.memory_space<vmem>>[vector<16xi32>, vector<16xi32>], vector<16xf32>,
        %parallel_loop3A_302 = arith.constant 16 : i32
        %parallel_loop3A_303 = arith.muli %parallel_loop3A_273, %parallel_loop3A_302 : i32
        %parallel_loop3A_304 = arith.constant 0 : i32
        %parallel_loop3A_305 = arith.constant 1 : i32
        %parallel_loop3A_306 = arith.index_cast %parallel_loop3A_304 : i32 to index
        %parallel_loop3A_307 = arith.index_cast %parallel_loop3A_305 : i32 to index
        %parallel_loop3A_308 = arith.index_cast %parallel_loop3A_303 : i32 to index
        %parallel_loop3A_309 = tpu.vector_load %arg8[%parallel_loop3A_306, %parallel_loop3A_307, %parallel_loop3A_308] {strides = array<i32>} : memref<2x8x2048xf32, #tpu.memory_space<vmem>>, vector<16xf32>,
        tpu.vector_store %arg8[%parallel_loop3A_306, %parallel_loop3A_307, %parallel_loop3A_308], %parallel_loop3A_301 {strides = array<i32>} : memref<2x8x2048xf32, #tpu.memory_space<vmem>>, vector<16xf32>,
        %parallel_loop3A_310 = arith.constant 2 : i32
        %parallel_loop3A_311 = vector.broadcast %parallel_loop3A_310 : i32 to vector<16xi32>
        %parallel_loop3A_312 = arith.constant 2 : i32
        %parallel_loop3A_313 = arith.constant 0 : i32
        %parallel_loop3A_314 = arith.constant 0 : i32
        %parallel_loop3A_315 = tpu.memref_slice %arg7[%parallel_loop3A_312, %parallel_loop3A_313, %parallel_loop3A_314] : memref<4x8x2048xf32, #tpu.memory_space<vmem>> -> memref<1x8x2048xf32, #tpu.memory_space<vmem>>
        %parallel_loop3A_316 = tpu.memref_squeeze %parallel_loop3A_315 : memref<1x8x2048xf32, #tpu.memory_space<vmem>> -> memref<8x2048xf32, #tpu.memory_space<vmem>>
        %parallel_loop3A_317 = tpu.vector_load_idx %parallel_loop3A_316[%parallel_loop3A_311, %parallel_loop3A_277] : memref<8x2048xf32, #tpu.memory_space<vmem>>[vector<16xi32>, vector<16xi32>], vector<16xf32>,
        %parallel_loop3A_318 = arith.constant 16 : i32
        %parallel_loop3A_319 = arith.muli %parallel_loop3A_273, %parallel_loop3A_318 : i32
        %parallel_loop3A_320 = arith.constant 0 : i32
        %parallel_loop3A_321 = arith.constant 2 : i32
        %parallel_loop3A_322 = arith.index_cast %parallel_loop3A_320 : i32 to index
        %parallel_loop3A_323 = arith.index_cast %parallel_loop3A_321 : i32 to index
        %parallel_loop3A_324 = arith.index_cast %parallel_loop3A_319 : i32 to index
        %parallel_loop3A_325 = tpu.vector_load %arg8[%parallel_loop3A_322, %parallel_loop3A_323, %parallel_loop3A_324] {strides = array<i32>} : memref<2x8x2048xf32, #tpu.memory_space<vmem>>, vector<16xf32>,
        tpu.vector_store %arg8[%parallel_loop3A_322, %parallel_loop3A_323, %parallel_loop3A_324], %parallel_loop3A_317 {strides = array<i32>} : memref<2x8x2048xf32, #tpu.memory_space<vmem>>, vector<16xf32>,
        %parallel_loop3A_326 = arith.constant 3 : i32
        %parallel_loop3A_327 = vector.broadcast %parallel_loop3A_326 : i32 to vector<16xi32>
        %parallel_loop3A_328 = arith.constant 2 : i32
        %parallel_loop3A_329 = arith.constant 0 : i32
        %parallel_loop3A_330 = arith.constant 0 : i32
        %parallel_loop3A_331 = tpu.memref_slice %arg7[%parallel_loop3A_328, %parallel_loop3A_329, %parallel_loop3A_330] : memref<4x8x2048xf32, #tpu.memory_space<vmem>> -> memref<1x8x2048xf32, #tpu.memory_space<vmem>>
        %parallel_loop3A_332 = tpu.memref_squeeze %parallel_loop3A_331 : memref<1x8x2048xf32, #tpu.memory_space<vmem>> -> memref<8x2048xf32, #tpu.memory_space<vmem>>
        %parallel_loop3A_333 = tpu.vector_load_idx %parallel_loop3A_332[%parallel_loop3A_327, %parallel_loop3A_277] : memref<8x2048xf32, #tpu.memory_space<vmem>>[vector<16xi32>, vector<16xi32>], vector<16xf32>,
        %parallel_loop3A_334 = arith.constant 16 : i32
        %parallel_loop3A_335 = arith.muli %parallel_loop3A_273, %parallel_loop3A_334 : i32
        %parallel_loop3A_336 = arith.constant 0 : i32
        %parallel_loop3A_337 = arith.constant 3 : i32
        %parallel_loop3A_338 = arith.index_cast %parallel_loop3A_336 : i32 to index
        %parallel_loop3A_339 = arith.index_cast %parallel_loop3A_337 : i32 to index
        %parallel_loop3A_340 = arith.index_cast %parallel_loop3A_335 : i32 to index
        %parallel_loop3A_341 = tpu.vector_load %arg8[%parallel_loop3A_338, %parallel_loop3A_339, %parallel_loop3A_340] {strides = array<i32>} : memref<2x8x2048xf32, #tpu.memory_space<vmem>>, vector<16xf32>,
        tpu.vector_store %arg8[%parallel_loop3A_338, %parallel_loop3A_339, %parallel_loop3A_340], %parallel_loop3A_333 {strides = array<i32>} : memref<2x8x2048xf32, #tpu.memory_space<vmem>>, vector<16xf32>,
        %parallel_loop3A_342 = arith.constant 4 : i32
        %parallel_loop3A_343 = vector.broadcast %parallel_loop3A_342 : i32 to vector<16xi32>
        %parallel_loop3A_344 = arith.constant 2 : i32
        %parallel_loop3A_345 = arith.constant 0 : i32
        %parallel_loop3A_346 = arith.constant 0 : i32
        %parallel_loop3A_347 = tpu.memref_slice %arg7[%parallel_loop3A_344, %parallel_loop3A_345, %parallel_loop3A_346] : memref<4x8x2048xf32, #tpu.memory_space<vmem>> -> memref<1x8x2048xf32, #tpu.memory_space<vmem>>
        %parallel_loop3A_348 = tpu.memref_squeeze %parallel_loop3A_347 : memref<1x8x2048xf32, #tpu.memory_space<vmem>> -> memref<8x2048xf32, #tpu.memory_space<vmem>>
        %parallel_loop3A_349 = tpu.vector_load_idx %parallel_loop3A_348[%parallel_loop3A_343, %parallel_loop3A_277] : memref<8x2048xf32, #tpu.memory_space<vmem>>[vector<16xi32>, vector<16xi32>], vector<16xf32>,
        %parallel_loop3A_350 = arith.constant 16 : i32
        %parallel_loop3A_351 = arith.muli %parallel_loop3A_273, %parallel_loop3A_350 : i32
        %parallel_loop3A_352 = arith.constant 0 : i32
        %parallel_loop3A_353 = arith.constant 4 : i32
        %parallel_loop3A_354 = arith.index_cast %parallel_loop3A_352 : i32 to index
        %parallel_loop3A_355 = arith.index_cast %parallel_loop3A_353 : i32 to index
        %parallel_loop3A_356 = arith.index_cast %parallel_loop3A_351 : i32 to index
        %parallel_loop3A_357 = tpu.vector_load %arg8[%parallel_loop3A_354, %parallel_loop3A_355, %parallel_loop3A_356] {strides = array<i32>} : memref<2x8x2048xf32, #tpu.memory_space<vmem>>, vector<16xf32>,
        tpu.vector_store %arg8[%parallel_loop3A_354, %parallel_loop3A_355, %parallel_loop3A_356], %parallel_loop3A_349 {strides = array<i32>} : memref<2x8x2048xf32, #tpu.memory_space<vmem>>, vector<16xf32>,
        %parallel_loop3A_358 = arith.constant 5 : i32
        %parallel_loop3A_359 = vector.broadcast %parallel_loop3A_358 : i32 to vector<16xi32>
        %parallel_loop3A_360 = arith.constant 2 : i32
        %parallel_loop3A_361 = arith.constant 0 : i32
        %parallel_loop3A_362 = arith.constant 0 : i32
        %parallel_loop3A_363 = tpu.memref_slice %arg7[%parallel_loop3A_360, %parallel_loop3A_361, %parallel_loop3A_362] : memref<4x8x2048xf32, #tpu.memory_space<vmem>> -> memref<1x8x2048xf32, #tpu.memory_space<vmem>>
        %parallel_loop3A_364 = tpu.memref_squeeze %parallel_loop3A_363 : memref<1x8x2048xf32, #tpu.memory_space<vmem>> -> memref<8x2048xf32, #tpu.memory_space<vmem>>
        %parallel_loop3A_365 = tpu.vector_load_idx %parallel_loop3A_364[%parallel_loop3A_359, %parallel_loop3A_277] : memref<8x2048xf32, #tpu.memory_space<vmem>>[vector<16xi32>, vector<16xi32>], vector<16xf32>,
        %parallel_loop3A_366 = arith.constant 16 : i32
        %parallel_loop3A_367 = arith.muli %parallel_loop3A_273, %parallel_loop3A_366 : i32
        %parallel_loop3A_368 = arith.constant 0 : i32
        %parallel_loop3A_369 = arith.constant 5 : i32
        %parallel_loop3A_370 = arith.index_cast %parallel_loop3A_368 : i32 to index
        %parallel_loop3A_371 = arith.index_cast %parallel_loop3A_369 : i32 to index
        %parallel_loop3A_372 = arith.index_cast %parallel_loop3A_367 : i32 to index
        %parallel_loop3A_373 = tpu.vector_load %arg8[%parallel_loop3A_370, %parallel_loop3A_371, %parallel_loop3A_372] {strides = array<i32>} : memref<2x8x2048xf32, #tpu.memory_space<vmem>>, vector<16xf32>,
        tpu.vector_store %arg8[%parallel_loop3A_370, %parallel_loop3A_371, %parallel_loop3A_372], %parallel_loop3A_365 {strides = array<i32>} : memref<2x8x2048xf32, #tpu.memory_space<vmem>>, vector<16xf32>,
        %parallel_loop3A_374 = arith.constant 6 : i32
        %parallel_loop3A_375 = vector.broadcast %parallel_loop3A_374 : i32 to vector<16xi32>
        %parallel_loop3A_376 = arith.constant 2 : i32
        %parallel_loop3A_377 = arith.constant 0 : i32
        %parallel_loop3A_378 = arith.constant 0 : i32
        %parallel_loop3A_379 = tpu.memref_slice %arg7[%parallel_loop3A_376, %parallel_loop3A_377, %parallel_loop3A_378] : memref<4x8x2048xf32, #tpu.memory_space<vmem>> -> memref<1x8x2048xf32, #tpu.memory_space<vmem>>
        %parallel_loop3A_380 = tpu.memref_squeeze %parallel_loop3A_379 : memref<1x8x2048xf32, #tpu.memory_space<vmem>> -> memref<8x2048xf32, #tpu.memory_space<vmem>>
        %parallel_loop3A_381 = tpu.vector_load_idx %parallel_loop3A_380[%parallel_loop3A_375, %parallel_loop3A_277] : memref<8x2048xf32, #tpu.memory_space<vmem>>[vector<16xi32>, vector<16xi32>], vector<16xf32>,
        %parallel_loop3A_382 = arith.constant 16 : i32
        %parallel_loop3A_383 = arith.muli %parallel_loop3A_273, %parallel_loop3A_382 : i32
        %parallel_loop3A_384 = arith.constant 0 : i32
        %parallel_loop3A_385 = arith.constant 6 : i32
        %parallel_loop3A_386 = arith.index_cast %parallel_loop3A_384 : i32 to index
        %parallel_loop3A_387 = arith.index_cast %parallel_loop3A_385 : i32 to index
        %parallel_loop3A_388 = arith.index_cast %parallel_loop3A_383 : i32 to index
        %parallel_loop3A_389 = tpu.vector_load %arg8[%parallel_loop3A_386, %parallel_loop3A_387, %parallel_loop3A_388] {strides = array<i32>} : memref<2x8x2048xf32, #tpu.memory_space<vmem>>, vector<16xf32>,
        tpu.vector_store %arg8[%parallel_loop3A_386, %parallel_loop3A_387, %parallel_loop3A_388], %parallel_loop3A_381 {strides = array<i32>} : memref<2x8x2048xf32, #tpu.memory_space<vmem>>, vector<16xf32>,
        %parallel_loop3A_390 = arith.constant 7 : i32
        %parallel_loop3A_391 = vector.broadcast %parallel_loop3A_390 : i32 to vector<16xi32>
        %parallel_loop3A_392 = arith.constant 2 : i32
        %parallel_loop3A_393 = arith.constant 0 : i32
        %parallel_loop3A_394 = arith.constant 0 : i32
        %parallel_loop3A_395 = tpu.memref_slice %arg7[%parallel_loop3A_392, %parallel_loop3A_393, %parallel_loop3A_394] : memref<4x8x2048xf32, #tpu.memory_space<vmem>> -> memref<1x8x2048xf32, #tpu.memory_space<vmem>>
        %parallel_loop3A_396 = tpu.memref_squeeze %parallel_loop3A_395 : memref<1x8x2048xf32, #tpu.memory_space<vmem>> -> memref<8x2048xf32, #tpu.memory_space<vmem>>
        %parallel_loop3A_397 = tpu.vector_load_idx %parallel_loop3A_396[%parallel_loop3A_391, %parallel_loop3A_277] : memref<8x2048xf32, #tpu.memory_space<vmem>>[vector<16xi32>, vector<16xi32>], vector<16xf32>,
        %parallel_loop3A_398 = arith.constant 16 : i32
        %parallel_loop3A_399 = arith.muli %parallel_loop3A_273, %parallel_loop3A_398 : i32
        %parallel_loop3A_400 = arith.constant 0 : i32
        %parallel_loop3A_401 = arith.constant 7 : i32
        %parallel_loop3A_402 = arith.index_cast %parallel_loop3A_400 : i32 to index
        %parallel_loop3A_403 = arith.index_cast %parallel_loop3A_401 : i32 to index
        %parallel_loop3A_404 = arith.index_cast %parallel_loop3A_399 : i32 to index
        %parallel_loop3A_405 = tpu.vector_load %arg8[%parallel_loop3A_402, %parallel_loop3A_403, %parallel_loop3A_404] {strides = array<i32>} : memref<2x8x2048xf32, #tpu.memory_space<vmem>>, vector<16xf32>,
        tpu.vector_store %arg8[%parallel_loop3A_402, %parallel_loop3A_403, %parallel_loop3A_404], %parallel_loop3A_397 {strides = array<i32>} : memref<2x8x2048xf32, #tpu.memory_space<vmem>>, vector<16xf32>,
      } {sc.loop_unroll_factor = 4 : i64, sc.parallel_access}
      %mul3A_195 = arith.constant 8 : i32
      %mul3A_196 = arith.muli %add3A_163, %mul3A_195 : i32
      %add3A_197 = arith.addi %mul3A_2, %mul3A_196 : i32
      %dma_start3A_198 = arith.constant 0 : i32
      %dma_start3A_199 = arith.constant 0 : i32
      %dma_start3A_200 = arith.constant 0 : i32
      %dma_start3A_201 = tpu.memref_slice %arg8[%dma_start3A_198, %dma_start3A_199, %dma_start3A_200] : memref<2x8x2048xf32, #tpu.memory_space<vmem>> -> memref<1x8x2048xf32, #tpu.memory_space<vmem>>
      %dma_start3A_202 = tpu.memref_squeeze %dma_start3A_201 : memref<1x8x2048xf32, #tpu.memory_space<vmem>> -> memref<8x2048xf32, #tpu.memory_space<vmem>>
      %dma_start3A_203 = arith.constant 0 : i32
      %dma_start3A_204 = tpu.memref_slice %arg5[%add3A_197, %dma_start3A_203] : memref<16384x2048xf32, #tpu.memory_space<hbm>> -> memref<8x2048xf32, #tpu.memory_space<hbm>>
      %dma_start3A_205 = arith.constant 0 : i32
      %dma_start3A_206 = tpu.memref_slice %arg5[%add3A_197, %dma_start3A_205] : memref<16384x2048xf32, #tpu.memory_space<hbm>> -> memref<8x2048xf32, #tpu.memory_space<hbm>>
      %dma_start3A_207 = arith.constant 0 : i32
      %dma_start3A_208 = arith.constant 0 : i32
      %dma_start3A_209 = tpu.memref_slice %arg8[%dma_start3A_198, %dma_start3A_207, %dma_start3A_208] : memref<2x8x2048xf32, #tpu.memory_space<vmem>> -> memref<1x8x2048xf32, #tpu.memory_space<vmem>>
      %dma_start3A_210 = tpu.memref_squeeze %dma_start3A_209 : memref<1x8x2048xf32, #tpu.memory_space<vmem>> -> memref<8x2048xf32, #tpu.memory_space<vmem>>
      tpu.enqueue_dma source(%dma_start3A_210 : memref<8x2048xf32, #tpu.memory_space<vmem>>) target(%dma_start3A_206 : memref<8x2048xf32, #tpu.memory_space<hbm>>) target_semaphore(%arg14 : memref<!tpu.dma_semaphore, #tpu.memory_space<semaphore_mem>>)
      %lt3A_211 = arith.constant 15 : i32
      %lt3A_212 = arith.cmpi slt, %scan3A_76, %lt3A_211 : i32
      %convert_element_type3A_213 = arith.extui %lt3A_212 : i1 to i32
      %cond3A_214 = arith.constant 0 : i32
      %cond3A_215 = arith.cmpi ne, %convert_element_type3A_213, %cond3A_214 : i32
      scf.if %cond3A_215 {
        %add3A_273 = arith.constant 4 : i32
        %add3A_274 = arith.addi %add3A_163, %add3A_273 : i32
        %mul3A_275 = arith.constant 8 : i32
        %mul3A_276 = arith.muli %add3A_274, %mul3A_275 : i32
        %dma_start3A_277 = arith.constant 2 : i32
        %dma_start3A_278 = arith.constant 0 : i32
        %dma_start3A_279 = arith.constant 0 : i32
        %dma_start3A_280 = tpu.memref_slice %arg7[%dma_start3A_277, %dma_start3A_278, %dma_start3A_279] : memref<4x8x2048xf32, #tpu.memory_space<vmem>> -> memref<1x8x2048xf32, #tpu.memory_space<vmem>>
        %dma_start3A_281 = tpu.memref_squeeze %dma_start3A_280 : memref<1x8x2048xf32, #tpu.memory_space<vmem>> -> memref<8x2048xf32, #tpu.memory_space<vmem>>
        %dma_start3A_282 = tpu.memref_slice %arg6[%mul3A_276] : memref<512xi32, #tpu.memory_space<vmem>> -> memref<8xi32, #tpu.memory_space<vmem>>
        %dma_start3A_283 = arith.constant 0 : i32
        %dma_start3A_284 = arith.constant 0 : i32
        %dma_start3A_285 = tpu.memref_slice %arg2[%dma_start3A_283, %dma_start3A_284] : memref<16384x2048xf32, #tpu.memory_space<hbm>> -> memref<16384x2048xf32, #tpu.memory_space<hbm>>
        tpu.enqueue_indirect_dma source(%dma_start3A_285 : memref<16384x2048xf32, #tpu.memory_space<hbm>>) target(%dma_start3A_281 : memref<8x2048xf32, #tpu.memory_space<vmem>>) offsets(%dma_start3A_282 : memref<8xi32, #tpu.memory_space<vmem>>) semaphore(%arg12 : memref<!tpu.dma_semaphore, #tpu.memory_space<semaphore_mem>>)
      } else {
      }
      %mul3A_216 = arith.constant 4 : i32
      %mul3A_217 = arith.muli %mul3A_216, %scan3A_76 : i32
      %add3A_218 = arith.constant 3 : i32
      %add3A_219 = arith.addi %mul3A_217, %add3A_218 : i32
      %mul3A_220 = arith.constant 8 : i32
      %mul3A_221 = arith.muli %add3A_219, %mul3A_220 : i32
      %dma_wait3A_222 = arith.constant 3 : i32
      %dma_wait3A_223 = arith.constant 0 : i32
      %dma_wait3A_224 = arith.constant 0 : i32
      %dma_wait3A_225 = tpu.memref_slice %arg7[%dma_wait3A_222, %dma_wait3A_223, %dma_wait3A_224] : memref<4x8x2048xf32, #tpu.memory_space<vmem>> -> memref<1x8x2048xf32, #tpu.memory_space<vmem>>
      %dma_wait3A_226 = tpu.memref_squeeze %dma_wait3A_225 : memref<1x8x2048xf32, #tpu.memory_space<vmem>> -> memref<8x2048xf32, #tpu.memory_space<vmem>>
      %dma_wait3A_227 = tpu.memref_slice %arg6[%mul3A_221] : memref<512xi32, #tpu.memory_space<vmem>> -> memref<8xi32, #tpu.memory_space<vmem>>
      %dma_wait3A_228 = arith.constant 0 : i32
      %dma_wait3A_229 = arith.constant 0 : i32
      %dma_wait3A_230 = tpu.memref_slice %arg2[%dma_wait3A_228, %dma_wait3A_229] : memref<16384x2048xf32, #tpu.memory_space<hbm>> -> memref<16384x2048xf32, #tpu.memory_space<hbm>>
      tpu.wait_indirect_dma semaphore(%arg13 : memref<!tpu.dma_semaphore, #tpu.memory_space<semaphore_mem>>) src(%dma_wait3A_230 : memref<16384x2048xf32, #tpu.memory_space<hbm>>) dst(%dma_wait3A_226 : memref<8x2048xf32, #tpu.memory_space<vmem>>)
      %sub3A_231 = arith.constant 2 : i32
      %sub3A_232 = arith.subi %add3A_219, %sub3A_231 : i32
      %mul3A_233 = arith.constant 8 : i32
      %mul3A_234 = arith.muli %sub3A_232, %mul3A_233 : i32
      %add3A_235 = arith.addi %mul3A_2, %mul3A_234 : i32
      %dma_wait3A_236 = arith.constant 1 : i32
      %dma_wait3A_237 = arith.constant 0 : i32
      %dma_wait3A_238 = arith.constant 0 : i32
      %dma_wait3A_239 = tpu.memref_slice %arg8[%dma_wait3A_236, %dma_wait3A_237, %dma_wait3A_238] : memref<2x8x2048xf32, #tpu.memory_space<vmem>> -> memref<1x8x2048xf32, #tpu.memory_space<vmem>>
      %dma_wait3A_240 = tpu.memref_squeeze %dma_wait3A_239 : memref<1x8x2048xf32, #tpu.memory_space<vmem>> -> memref<8x2048xf32, #tpu.memory_space<vmem>>
      %dma_wait3A_241 = arith.constant 0 : i32
      %dma_wait3A_242 = tpu.memref_slice %arg5[%add3A_235, %dma_wait3A_241] : memref<16384x2048xf32, #tpu.memory_space<hbm>> -> memref<8x2048xf32, #tpu.memory_space<hbm>>
      %dma_wait3A_243 = arith.constant 0 : i32
      %dma_wait3A_244 = tpu.memref_slice %arg5[%add3A_235, %dma_wait3A_243] : memref<16384x2048xf32, #tpu.memory_space<hbm>> -> memref<8x2048xf32, #tpu.memory_space<hbm>>
      %dma_wait3A_245 = arith.constant 0 : i32
      %dma_wait3A_246 = arith.constant 0 : i32
      %dma_wait3A_247 = tpu.memref_slice %arg8[%dma_wait3A_236, %dma_wait3A_245, %dma_wait3A_246] : memref<2x8x2048xf32, #tpu.memory_space<vmem>> -> memref<1x8x2048xf32, #tpu.memory_space<vmem>>
      %dma_wait3A_248 = tpu.memref_squeeze %dma_wait3A_247 : memref<1x8x2048xf32, #tpu.memory_space<vmem>> -> memref<8x2048xf32, #tpu.memory_space<vmem>>
      tpu.wait_dma2 semaphore(%arg15 : memref<!tpu.dma_semaphore, #tpu.memory_space<semaphore_mem>>) src(%dma_wait3A_248 : memref<8x2048xf32, #tpu.memory_space<vmem>>) dst(%dma_wait3A_244 : memref<8x2048xf32, #tpu.memory_space<hbm>>)
      %parallel_loop3A_249 = arith.constant 0 : i32
      %parallel_loop3A_250 = arith.constant 128 : i32
      %parallel_loop3A_251 = arith.constant 1 : i32
      scf.for %parallel_loop3A_273 = %parallel_loop3A_249 to %parallel_loop3A_250 step %parallel_loop3A_251  : i32 {
        %parallel_loop3A_274 = arith.constant 16 : i32
        %parallel_loop3A_275 = arith.muli %parallel_loop3A_273, %parallel_loop3A_274 : i32
        %parallel_loop3A_276 = arith.index_cast %parallel_loop3A_275 : i32 to index
        %parallel_loop3A_277 = tpu.vector_load %arg9[%parallel_loop3A_276] {strides = array<i32>} : memref<2048xi32, #tpu.memory_space<vmem>>, vector<16xi32>,
        %parallel_loop3A_278 = arith.constant 0 : i32
        %parallel_loop3A_279 = vector.broadcast %parallel_loop3A_278 : i32 to vector<16xi32>
        %parallel_loop3A_280 = arith.constant 3 : i32
        %parallel_loop3A_281 = arith.constant 0 : i32
        %parallel_loop3A_282 = arith.constant 0 : i32
        %parallel_loop3A_283 = tpu.memref_slice %arg7[%parallel_loop3A_280, %parallel_loop3A_281, %parallel_loop3A_282] : memref<4x8x2048xf32, #tpu.memory_space<vmem>> -> memref<1x8x2048xf32, #tpu.memory_space<vmem>>
        %parallel_loop3A_284 = tpu.memref_squeeze %parallel_loop3A_283 : memref<1x8x2048xf32, #tpu.memory_space<vmem>> -> memref<8x2048xf32, #tpu.memory_space<vmem>>
        %parallel_loop3A_285 = tpu.vector_load_idx %parallel_loop3A_284[%parallel_loop3A_279, %parallel_loop3A_277] : memref<8x2048xf32, #tpu.memory_space<vmem>>[vector<16xi32>, vector<16xi32>], vector<16xf32>,
        %parallel_loop3A_286 = arith.constant 16 : i32
        %parallel_loop3A_287 = arith.muli %parallel_loop3A_273, %parallel_loop3A_286 : i32
        %parallel_loop3A_288 = arith.constant 1 : i32
        %parallel_loop3A_289 = arith.constant 0 : i32
        %parallel_loop3A_290 = arith.index_cast %parallel_loop3A_288 : i32 to index
        %parallel_loop3A_291 = arith.index_cast %parallel_loop3A_289 : i32 to index
        %parallel_loop3A_292 = arith.index_cast %parallel_loop3A_287 : i32 to index
        %parallel_loop3A_293 = tpu.vector_load %arg8[%parallel_loop3A_290, %parallel_loop3A_291, %parallel_loop3A_292] {strides = array<i32>} : memref<2x8x2048xf32, #tpu.memory_space<vmem>>, vector<16xf32>,
        tpu.vector_store %arg8[%parallel_loop3A_290, %parallel_loop3A_291, %parallel_loop3A_292], %parallel_loop3A_285 {strides = array<i32>} : memref<2x8x2048xf32, #tpu.memory_space<vmem>>, vector<16xf32>,
        %parallel_loop3A_294 = arith.constant 1 : i32
        %parallel_loop3A_295 = vector.broadcast %parallel_loop3A_294 : i32 to vector<16xi32>
        %parallel_loop3A_296 = arith.constant 3 : i32
        %parallel_loop3A_297 = arith.constant 0 : i32
        %parallel_loop3A_298 = arith.constant 0 : i32
        %parallel_loop3A_299 = tpu.memref_slice %arg7[%parallel_loop3A_296, %parallel_loop3A_297, %parallel_loop3A_298] : memref<4x8x2048xf32, #tpu.memory_space<vmem>> -> memref<1x8x2048xf32, #tpu.memory_space<vmem>>
        %parallel_loop3A_300 = tpu.memref_squeeze %parallel_loop3A_299 : memref<1x8x2048xf32, #tpu.memory_space<vmem>> -> memref<8x2048xf32, #tpu.memory_space<vmem>>
        %parallel_loop3A_301 = tpu.vector_load_idx %parallel_loop3A_300[%parallel_loop3A_295, %parallel_loop3A_277] : memref<8x2048xf32, #tpu.memory_space<vmem>>[vector<16xi32>, vector<16xi32>], vector<16xf32>,
        %parallel_loop3A_302 = arith.constant 16 : i32
        %parallel_loop3A_303 = arith.muli %parallel_loop3A_273, %parallel_loop3A_302 : i32
        %parallel_loop3A_304 = arith.constant 1 : i32
        %parallel_loop3A_305 = arith.constant 1 : i32
        %parallel_loop3A_306 = arith.index_cast %parallel_loop3A_304 : i32 to index
        %parallel_loop3A_307 = arith.index_cast %parallel_loop3A_305 : i32 to index
        %parallel_loop3A_308 = arith.index_cast %parallel_loop3A_303 : i32 to index
        %parallel_loop3A_309 = tpu.vector_load %arg8[%parallel_loop3A_306, %parallel_loop3A_307, %parallel_loop3A_308] {strides = array<i32>} : memref<2x8x2048xf32, #tpu.memory_space<vmem>>, vector<16xf32>,
        tpu.vector_store %arg8[%parallel_loop3A_306, %parallel_loop3A_307, %parallel_loop3A_308], %parallel_loop3A_301 {strides = array<i32>} : memref<2x8x2048xf32, #tpu.memory_space<vmem>>, vector<16xf32>,
        %parallel_loop3A_310 = arith.constant 2 : i32
        %parallel_loop3A_311 = vector.broadcast %parallel_loop3A_310 : i32 to vector<16xi32>
        %parallel_loop3A_312 = arith.constant 3 : i32
        %parallel_loop3A_313 = arith.constant 0 : i32
        %parallel_loop3A_314 = arith.constant 0 : i32
        %parallel_loop3A_315 = tpu.memref_slice %arg7[%parallel_loop3A_312, %parallel_loop3A_313, %parallel_loop3A_314] : memref<4x8x2048xf32, #tpu.memory_space<vmem>> -> memref<1x8x2048xf32, #tpu.memory_space<vmem>>
        %parallel_loop3A_316 = tpu.memref_squeeze %parallel_loop3A_315 : memref<1x8x2048xf32, #tpu.memory_space<vmem>> -> memref<8x2048xf32, #tpu.memory_space<vmem>>
        %parallel_loop3A_317 = tpu.vector_load_idx %parallel_loop3A_316[%parallel_loop3A_311, %parallel_loop3A_277] : memref<8x2048xf32, #tpu.memory_space<vmem>>[vector<16xi32>, vector<16xi32>], vector<16xf32>,
        %parallel_loop3A_318 = arith.constant 16 : i32
        %parallel_loop3A_319 = arith.muli %parallel_loop3A_273, %parallel_loop3A_318 : i32
        %parallel_loop3A_320 = arith.constant 1 : i32
        %parallel_loop3A_321 = arith.constant 2 : i32
        %parallel_loop3A_322 = arith.index_cast %parallel_loop3A_320 : i32 to index
        %parallel_loop3A_323 = arith.index_cast %parallel_loop3A_321 : i32 to index
        %parallel_loop3A_324 = arith.index_cast %parallel_loop3A_319 : i32 to index
        %parallel_loop3A_325 = tpu.vector_load %arg8[%parallel_loop3A_322, %parallel_loop3A_323, %parallel_loop3A_324] {strides = array<i32>} : memref<2x8x2048xf32, #tpu.memory_space<vmem>>, vector<16xf32>,
        tpu.vector_store %arg8[%parallel_loop3A_322, %parallel_loop3A_323, %parallel_loop3A_324], %parallel_loop3A_317 {strides = array<i32>} : memref<2x8x2048xf32, #tpu.memory_space<vmem>>, vector<16xf32>,
        %parallel_loop3A_326 = arith.constant 3 : i32
        %parallel_loop3A_327 = vector.broadcast %parallel_loop3A_326 : i32 to vector<16xi32>
        %parallel_loop3A_328 = arith.constant 3 : i32
        %parallel_loop3A_329 = arith.constant 0 : i32
        %parallel_loop3A_330 = arith.constant 0 : i32
        %parallel_loop3A_331 = tpu.memref_slice %arg7[%parallel_loop3A_328, %parallel_loop3A_329, %parallel_loop3A_330] : memref<4x8x2048xf32, #tpu.memory_space<vmem>> -> memref<1x8x2048xf32, #tpu.memory_space<vmem>>
        %parallel_loop3A_332 = tpu.memref_squeeze %parallel_loop3A_331 : memref<1x8x2048xf32, #tpu.memory_space<vmem>> -> memref<8x2048xf32, #tpu.memory_space<vmem>>
        %parallel_loop3A_333 = tpu.vector_load_idx %parallel_loop3A_332[%parallel_loop3A_327, %parallel_loop3A_277] : memref<8x2048xf32, #tpu.memory_space<vmem>>[vector<16xi32>, vector<16xi32>], vector<16xf32>,
        %parallel_loop3A_334 = arith.constant 16 : i32
        %parallel_loop3A_335 = arith.muli %parallel_loop3A_273, %parallel_loop3A_334 : i32
        %parallel_loop3A_336 = arith.constant 1 : i32
        %parallel_loop3A_337 = arith.constant 3 : i32
        %parallel_loop3A_338 = arith.index_cast %parallel_loop3A_336 : i32 to index
        %parallel_loop3A_339 = arith.index_cast %parallel_loop3A_337 : i32 to index
        %parallel_loop3A_340 = arith.index_cast %parallel_loop3A_335 : i32 to index
        %parallel_loop3A_341 = tpu.vector_load %arg8[%parallel_loop3A_338, %parallel_loop3A_339, %parallel_loop3A_340] {strides = array<i32>} : memref<2x8x2048xf32, #tpu.memory_space<vmem>>, vector<16xf32>,
        tpu.vector_store %arg8[%parallel_loop3A_338, %parallel_loop3A_339, %parallel_loop3A_340], %parallel_loop3A_333 {strides = array<i32>} : memref<2x8x2048xf32, #tpu.memory_space<vmem>>, vector<16xf32>,
        %parallel_loop3A_342 = arith.constant 4 : i32
        %parallel_loop3A_343 = vector.broadcast %parallel_loop3A_342 : i32 to vector<16xi32>
        %parallel_loop3A_344 = arith.constant 3 : i32
        %parallel_loop3A_345 = arith.constant 0 : i32
        %parallel_loop3A_346 = arith.constant 0 : i32
        %parallel_loop3A_347 = tpu.memref_slice %arg7[%parallel_loop3A_344, %parallel_loop3A_345, %parallel_loop3A_346] : memref<4x8x2048xf32, #tpu.memory_space<vmem>> -> memref<1x8x2048xf32, #tpu.memory_space<vmem>>
        %parallel_loop3A_348 = tpu.memref_squeeze %parallel_loop3A_347 : memref<1x8x2048xf32, #tpu.memory_space<vmem>> -> memref<8x2048xf32, #tpu.memory_space<vmem>>
        %parallel_loop3A_349 = tpu.vector_load_idx %parallel_loop3A_348[%parallel_loop3A_343, %parallel_loop3A_277] : memref<8x2048xf32, #tpu.memory_space<vmem>>[vector<16xi32>, vector<16xi32>], vector<16xf32>,
        %parallel_loop3A_350 = arith.constant 16 : i32
        %parallel_loop3A_351 = arith.muli %parallel_loop3A_273, %parallel_loop3A_350 : i32
        %parallel_loop3A_352 = arith.constant 1 : i32
        %parallel_loop3A_353 = arith.constant 4 : i32
        %parallel_loop3A_354 = arith.index_cast %parallel_loop3A_352 : i32 to index
        %parallel_loop3A_355 = arith.index_cast %parallel_loop3A_353 : i32 to index
        %parallel_loop3A_356 = arith.index_cast %parallel_loop3A_351 : i32 to index
        %parallel_loop3A_357 = tpu.vector_load %arg8[%parallel_loop3A_354, %parallel_loop3A_355, %parallel_loop3A_356] {strides = array<i32>} : memref<2x8x2048xf32, #tpu.memory_space<vmem>>, vector<16xf32>,
        tpu.vector_store %arg8[%parallel_loop3A_354, %parallel_loop3A_355, %parallel_loop3A_356], %parallel_loop3A_349 {strides = array<i32>} : memref<2x8x2048xf32, #tpu.memory_space<vmem>>, vector<16xf32>,
        %parallel_loop3A_358 = arith.constant 5 : i32
        %parallel_loop3A_359 = vector.broadcast %parallel_loop3A_358 : i32 to vector<16xi32>
        %parallel_loop3A_360 = arith.constant 3 : i32
        %parallel_loop3A_361 = arith.constant 0 : i32
        %parallel_loop3A_362 = arith.constant 0 : i32
        %parallel_loop3A_363 = tpu.memref_slice %arg7[%parallel_loop3A_360, %parallel_loop3A_361, %parallel_loop3A_362] : memref<4x8x2048xf32, #tpu.memory_space<vmem>> -> memref<1x8x2048xf32, #tpu.memory_space<vmem>>
        %parallel_loop3A_364 = tpu.memref_squeeze %parallel_loop3A_363 : memref<1x8x2048xf32, #tpu.memory_space<vmem>> -> memref<8x2048xf32, #tpu.memory_space<vmem>>
        %parallel_loop3A_365 = tpu.vector_load_idx %parallel_loop3A_364[%parallel_loop3A_359, %parallel_loop3A_277] : memref<8x2048xf32, #tpu.memory_space<vmem>>[vector<16xi32>, vector<16xi32>], vector<16xf32>,
        %parallel_loop3A_366 = arith.constant 16 : i32
        %parallel_loop3A_367 = arith.muli %parallel_loop3A_273, %parallel_loop3A_366 : i32
        %parallel_loop3A_368 = arith.constant 1 : i32
        %parallel_loop3A_369 = arith.constant 5 : i32
        %parallel_loop3A_370 = arith.index_cast %parallel_loop3A_368 : i32 to index
        %parallel_loop3A_371 = arith.index_cast %parallel_loop3A_369 : i32 to index
        %parallel_loop3A_372 = arith.index_cast %parallel_loop3A_367 : i32 to index
        %parallel_loop3A_373 = tpu.vector_load %arg8[%parallel_loop3A_370, %parallel_loop3A_371, %parallel_loop3A_372] {strides = array<i32>} : memref<2x8x2048xf32, #tpu.memory_space<vmem>>, vector<16xf32>,
        tpu.vector_store %arg8[%parallel_loop3A_370, %parallel_loop3A_371, %parallel_loop3A_372], %parallel_loop3A_365 {strides = array<i32>} : memref<2x8x2048xf32, #tpu.memory_space<vmem>>, vector<16xf32>,
        %parallel_loop3A_374 = arith.constant 6 : i32
        %parallel_loop3A_375 = vector.broadcast %parallel_loop3A_374 : i32 to vector<16xi32>
        %parallel_loop3A_376 = arith.constant 3 : i32
        %parallel_loop3A_377 = arith.constant 0 : i32
        %parallel_loop3A_378 = arith.constant 0 : i32
        %parallel_loop3A_379 = tpu.memref_slice %arg7[%parallel_loop3A_376, %parallel_loop3A_377, %parallel_loop3A_378] : memref<4x8x2048xf32, #tpu.memory_space<vmem>> -> memref<1x8x2048xf32, #tpu.memory_space<vmem>>
        %parallel_loop3A_380 = tpu.memref_squeeze %parallel_loop3A_379 : memref<1x8x2048xf32, #tpu.memory_space<vmem>> -> memref<8x2048xf32, #tpu.memory_space<vmem>>
        %parallel_loop3A_381 = tpu.vector_load_idx %parallel_loop3A_380[%parallel_loop3A_375, %parallel_loop3A_277] : memref<8x2048xf32, #tpu.memory_space<vmem>>[vector<16xi32>, vector<16xi32>], vector<16xf32>,
        %parallel_loop3A_382 = arith.constant 16 : i32
        %parallel_loop3A_383 = arith.muli %parallel_loop3A_273, %parallel_loop3A_382 : i32
        %parallel_loop3A_384 = arith.constant 1 : i32
        %parallel_loop3A_385 = arith.constant 6 : i32
        %parallel_loop3A_386 = arith.index_cast %parallel_loop3A_384 : i32 to index
        %parallel_loop3A_387 = arith.index_cast %parallel_loop3A_385 : i32 to index
        %parallel_loop3A_388 = arith.index_cast %parallel_loop3A_383 : i32 to index
        %parallel_loop3A_389 = tpu.vector_load %arg8[%parallel_loop3A_386, %parallel_loop3A_387, %parallel_loop3A_388] {strides = array<i32>} : memref<2x8x2048xf32, #tpu.memory_space<vmem>>, vector<16xf32>,
        tpu.vector_store %arg8[%parallel_loop3A_386, %parallel_loop3A_387, %parallel_loop3A_388], %parallel_loop3A_381 {strides = array<i32>} : memref<2x8x2048xf32, #tpu.memory_space<vmem>>, vector<16xf32>,
        %parallel_loop3A_390 = arith.constant 7 : i32
        %parallel_loop3A_391 = vector.broadcast %parallel_loop3A_390 : i32 to vector<16xi32>
        %parallel_loop3A_392 = arith.constant 3 : i32
        %parallel_loop3A_393 = arith.constant 0 : i32
        %parallel_loop3A_394 = arith.constant 0 : i32
        %parallel_loop3A_395 = tpu.memref_slice %arg7[%parallel_loop3A_392, %parallel_loop3A_393, %parallel_loop3A_394] : memref<4x8x2048xf32, #tpu.memory_space<vmem>> -> memref<1x8x2048xf32, #tpu.memory_space<vmem>>
        %parallel_loop3A_396 = tpu.memref_squeeze %parallel_loop3A_395 : memref<1x8x2048xf32, #tpu.memory_space<vmem>> -> memref<8x2048xf32, #tpu.memory_space<vmem>>
        %parallel_loop3A_397 = tpu.vector_load_idx %parallel_loop3A_396[%parallel_loop3A_391, %parallel_loop3A_277] : memref<8x2048xf32, #tpu.memory_space<vmem>>[vector<16xi32>, vector<16xi32>], vector<16xf32>,
        %parallel_loop3A_398 = arith.constant 16 : i32
        %parallel_loop3A_399 = arith.muli %parallel_loop3A_273, %parallel_loop3A_398 : i32
        %parallel_loop3A_400 = arith.constant 1 : i32
        %parallel_loop3A_401 = arith.constant 7 : i32
        %parallel_loop3A_402 = arith.index_cast %parallel_loop3A_400 : i32 to index
        %parallel_loop3A_403 = arith.index_cast %parallel_loop3A_401 : i32 to index
        %parallel_loop3A_404 = arith.index_cast %parallel_loop3A_399 : i32 to index
        %parallel_loop3A_405 = tpu.vector_load %arg8[%parallel_loop3A_402, %parallel_loop3A_403, %parallel_loop3A_404] {strides = array<i32>} : memref<2x8x2048xf32, #tpu.memory_space<vmem>>, vector<16xf32>,
        tpu.vector_store %arg8[%parallel_loop3A_402, %parallel_loop3A_403, %parallel_loop3A_404], %parallel_loop3A_397 {strides = array<i32>} : memref<2x8x2048xf32, #tpu.memory_space<vmem>>, vector<16xf32>,
      } {sc.loop_unroll_factor = 4 : i64, sc.parallel_access}
      %mul3A_252 = arith.constant 8 : i32
      %mul3A_253 = arith.muli %add3A_219, %mul3A_252 : i32
      %add3A_254 = arith.addi %mul3A_2, %mul3A_253 : i32
      %dma_start3A_255 = arith.constant 1 : i32
      %dma_start3A_256 = arith.constant 0 : i32
      %dma_start3A_257 = arith.constant 0 : i32
      %dma_start3A_258 = tpu.memref_slice %arg8[%dma_start3A_255, %dma_start3A_256, %dma_start3A_257] : memref<2x8x2048xf32, #tpu.memory_space<vmem>> -> memref<1x8x2048xf32, #tpu.memory_space<vmem>>
      %dma_start3A_259 = tpu.memref_squeeze %dma_start3A_258 : memref<1x8x2048xf32, #tpu.memory_space<vmem>> -> memref<8x2048xf32, #tpu.memory_space<vmem>>
      %dma_start3A_260 = arith.constant 0 : i32
      %dma_start3A_261 = tpu.memref_slice %arg5[%add3A_254, %dma_start3A_260] : memref<16384x2048xf32, #tpu.memory_space<hbm>> -> memref<8x2048xf32, #tpu.memory_space<hbm>>
      %dma_start3A_262 = arith.constant 0 : i32
      %dma_start3A_263 = tpu.memref_slice %arg5[%add3A_254, %dma_start3A_262] : memref<16384x2048xf32, #tpu.memory_space<hbm>> -> memref<8x2048xf32, #tpu.memory_space<hbm>>
      %dma_start3A_264 = arith.constant 0 : i32
      %dma_start3A_265 = arith.constant 0 : i32
      %dma_start3A_266 = tpu.memref_slice %arg8[%dma_start3A_255, %dma_start3A_264, %dma_start3A_265] : memref<2x8x2048xf32, #tpu.memory_space<vmem>> -> memref<1x8x2048xf32, #tpu.memory_space<vmem>>
      %dma_start3A_267 = tpu.memref_squeeze %dma_start3A_266 : memref<1x8x2048xf32, #tpu.memory_space<vmem>> -> memref<8x2048xf32, #tpu.memory_space<vmem>>
      tpu.enqueue_dma source(%dma_start3A_267 : memref<8x2048xf32, #tpu.memory_space<vmem>>) target(%dma_start3A_263 : memref<8x2048xf32, #tpu.memory_space<hbm>>) target_semaphore(%arg15 : memref<!tpu.dma_semaphore, #tpu.memory_space<semaphore_mem>>)
      %lt3A_268 = arith.constant 15 : i32
      %lt3A_269 = arith.cmpi slt, %scan3A_76, %lt3A_268 : i32
      %convert_element_type3A_270 = arith.extui %lt3A_269 : i1 to i32
      %cond3A_271 = arith.constant 0 : i32
      %cond3A_272 = arith.cmpi ne, %convert_element_type3A_270, %cond3A_271 : i32
      scf.if %cond3A_272 {
        %add3A_273 = arith.constant 4 : i32
        %add3A_274 = arith.addi %add3A_219, %add3A_273 : i32
        %mul3A_275 = arith.constant 8 : i32
        %mul3A_276 = arith.muli %add3A_274, %mul3A_275 : i32
        %dma_start3A_277 = arith.constant 3 : i32
        %dma_start3A_278 = arith.constant 0 : i32
        %dma_start3A_279 = arith.constant 0 : i32
        %dma_start3A_280 = tpu.memref_slice %arg7[%dma_start3A_277, %dma_start3A_278, %dma_start3A_279] : memref<4x8x2048xf32, #tpu.memory_space<vmem>> -> memref<1x8x2048xf32, #tpu.memory_space<vmem>>
        %dma_start3A_281 = tpu.memref_squeeze %dma_start3A_280 : memref<1x8x2048xf32, #tpu.memory_space<vmem>> -> memref<8x2048xf32, #tpu.memory_space<vmem>>
        %dma_start3A_282 = tpu.memref_slice %arg6[%mul3A_276] : memref<512xi32, #tpu.memory_space<vmem>> -> memref<8xi32, #tpu.memory_space<vmem>>
        %dma_start3A_283 = arith.constant 0 : i32
        %dma_start3A_284 = arith.constant 0 : i32
        %dma_start3A_285 = tpu.memref_slice %arg2[%dma_start3A_283, %dma_start3A_284] : memref<16384x2048xf32, #tpu.memory_space<hbm>> -> memref<16384x2048xf32, #tpu.memory_space<hbm>>
        tpu.enqueue_indirect_dma source(%dma_start3A_285 : memref<16384x2048xf32, #tpu.memory_space<hbm>>) target(%dma_start3A_281 : memref<8x2048xf32, #tpu.memory_space<vmem>>) offsets(%dma_start3A_282 : memref<8xi32, #tpu.memory_space<vmem>>) semaphore(%arg13 : memref<!tpu.dma_semaphore, #tpu.memory_space<semaphore_mem>>)
      } else {
      }
    }
    %scan3A_46 = arith.constant 16 : i32
    %add3A_47 = arith.constant 496 : i32
    %add3A_48 = arith.addi %mul3A_2, %add3A_47 : i32
    %dma_wait3A = arith.constant 0 : i32
    %dma_wait3A_49 = arith.constant 0 : i32
    %dma_wait3A_50 = arith.constant 0 : i32
    %dma_wait3A_51 = tpu.memref_slice %arg8[%dma_wait3A, %dma_wait3A_49, %dma_wait3A_50] : memref<2x8x2048xf32, #tpu.memory_space<vmem>> -> memref<1x8x2048xf32, #tpu.memory_space<vmem>>
    %dma_wait3A_52 = tpu.memref_squeeze %dma_wait3A_51 : memref<1x8x2048xf32, #tpu.memory_space<vmem>> -> memref<8x2048xf32, #tpu.memory_space<vmem>>
    %dma_wait3A_53 = arith.constant 0 : i32
    %dma_wait3A_54 = tpu.memref_slice %arg5[%add3A_48, %dma_wait3A_53] : memref<16384x2048xf32, #tpu.memory_space<hbm>> -> memref<8x2048xf32, #tpu.memory_space<hbm>>
    %dma_wait3A_55 = arith.constant 0 : i32
    %dma_wait3A_56 = tpu.memref_slice %arg5[%add3A_48, %dma_wait3A_55] : memref<16384x2048xf32, #tpu.memory_space<hbm>> -> memref<8x2048xf32, #tpu.memory_space<hbm>>
    %dma_wait3A_57 = arith.constant 0 : i32
    %dma_wait3A_58 = arith.constant 0 : i32
    %dma_wait3A_59 = tpu.memref_slice %arg8[%dma_wait3A, %dma_wait3A_57, %dma_wait3A_58] : memref<2x8x2048xf32, #tpu.memory_space<vmem>> -> memref<1x8x2048xf32, #tpu.memory_space<vmem>>
    %dma_wait3A_60 = tpu.memref_squeeze %dma_wait3A_59 : memref<1x8x2048xf32, #tpu.memory_space<vmem>> -> memref<8x2048xf32, #tpu.memory_space<vmem>>
    tpu.wait_dma2 semaphore(%arg14 : memref<!tpu.dma_semaphore, #tpu.memory_space<semaphore_mem>>) src(%dma_wait3A_60 : memref<8x2048xf32, #tpu.memory_space<vmem>>) dst(%dma_wait3A_56 : memref<8x2048xf32, #tpu.memory_space<hbm>>)
    %add3A_61 = arith.constant 504 : i32
    %add3A_62 = arith.addi %mul3A_2, %add3A_61 : i32
    %dma_wait3A_63 = arith.constant 1 : i32
    %dma_wait3A_64 = arith.constant 0 : i32
    %dma_wait3A_65 = arith.constant 0 : i32
    %dma_wait3A_66 = tpu.memref_slice %arg8[%dma_wait3A_63, %dma_wait3A_64, %dma_wait3A_65] : memref<2x8x2048xf32, #tpu.memory_space<vmem>> -> memref<1x8x2048xf32, #tpu.memory_space<vmem>>
    %dma_wait3A_67 = tpu.memref_squeeze %dma_wait3A_66 : memref<1x8x2048xf32, #tpu.memory_space<vmem>> -> memref<8x2048xf32, #tpu.memory_space<vmem>>
    %dma_wait3A_68 = arith.constant 0 : i32
    %dma_wait3A_69 = tpu.memref_slice %arg5[%add3A_62, %dma_wait3A_68] : memref<16384x2048xf32, #tpu.memory_space<hbm>> -> memref<8x2048xf32, #tpu.memory_space<hbm>>
    %dma_wait3A_70 = arith.constant 0 : i32
    %dma_wait3A_71 = tpu.memref_slice %arg5[%add3A_62, %dma_wait3A_70] : memref<16384x2048xf32, #tpu.memory_space<hbm>> -> memref<8x2048xf32, #tpu.memory_space<hbm>>
    %dma_wait3A_72 = arith.constant 0 : i32
    %dma_wait3A_73 = arith.constant 0 : i32
    %dma_wait3A_74 = tpu.memref_slice %arg8[%dma_wait3A_63, %dma_wait3A_72, %dma_wait3A_73] : memref<2x8x2048xf32, #tpu.memory_space<vmem>> -> memref<1x8x2048xf32, #tpu.memory_space<vmem>>
    %dma_wait3A_75 = tpu.memref_squeeze %dma_wait3A_74 : memref<1x8x2048xf32, #tpu.memory_space<vmem>> -> memref<8x2048xf32, #tpu.memory_space<vmem>>
    tpu.wait_dma2 semaphore(%arg15 : memref<!tpu.dma_semaphore, #tpu.memory_space<semaphore_mem>>) src(%dma_wait3A_75 : memref<8x2048xf32, #tpu.memory_space<vmem>>) dst(%dma_wait3A_71 : memref<8x2048xf32, #tpu.memory_space<hbm>>)
    return
  }
}

</mosaic_0001>

<sc_bundles>
// kernel: kernel.3.cloned.1.call-start
scs
__scs_entry_jumppad:
0x0: {  	(pc) =	sbr.rel $0x88, $3  }
0x1: {  	(tag) =	ssettag $0x0;
	lr =	simm.s32 $0x1  }
0x2: {  	[smem:$0x3FA0] =	sst lr;
	_ =	strace $0xD0000000  }
0x3: {  	_ = 	snop  }
0x4: {  	_ = 	snop  }
0x5: {  	_ = 	snop  }
0x6: {  	_ = 	snop  }
0x7: {  	_ = 	snop  }
__scs_overlays_trampoline_lowered:
0x8: {  	[smem:$0x3FAF] =	sst s0  }
0x9: {  	[smem:$0x3FB0] =	sst s1  }
0xa: {  	[smem:$0x3FB1] =	sst s2  }
0xb: {  	[smem:$0x3FB2] =	sst s3  }
0xc: {  	[smem:$0x3FB3] =	sst s4  }
0xd: {  	[smem:$0x3FB4] =	sst s5  }
0xe: {  	[smem:$0x3FB5] =	sst s6  }
0xf: {  	[smem:$0x3FB6] =	sst s7  }
0x10: {  	[smem:$0x3FB7] =	sst s8  }
0x11: {  	[smem:$0x3FB8] =	sst s9;
	s0 =	simm.s32 @!p0 $0x0  }
0x12: {  	s1 =	sld [smem:$0x3F9E];
	s0 =	simm.s32 @p0 $0x1  }
0x13: {  	[smem:$0x3FB9] =	sst s0;
	s0 =	simm.s32 @!p1 $0x0  }
0x14: {  	s2 =	sld [smem:$0x3F9D];
	s0 =	simm.s32 @p1 $0x1  }
0x15: {  	[smem:$0x3FBA] =	sst s0;
	s0 =	simm.s32 @!p2 $0x0  }
0x16: {  	s3 =	sld [smem:$0x3FDB];
	s0 =	simm.s32 @p2 $0x1  }
0x17: {  	s4 =	simm.s32 $0x1BF5;
	[smem:$0x3FBC] =	sst s0  }
0x18: {  	s0 =	sld [smem:$0x3F9F];
	_ =	swait.ge [sflag:s4], $0x0  }
0x19: {  	s7 =	sld [smem:$0x3FA0]  }
0x1a: {  	s8 =	sadd.s32 $0xFFFFE003, lr  }
0x1b: {  	s9 =	sadd.s32 $0xFFFFFEF7, lr;
	s5 =	simm.s32 $0xFFFFFFFF;
	p2 =	slt.u32 s8, $0xFFFFF086  }
0x1c: {  	p1 =	slt.u32 s9, $0xF7A;
	s5 =	simm.s32 @!p2 $0x0  }
0x1d: {  	s5 =	simm.s32 @p1 $0x1;
	p0 =	seq.s32 s7, s2  }
0x1e: {  	s7 =	smul.u32 @!p0 $0xF7A, s2;
	p2 =	seq.s32 @!p0 s5, $0x0  }
0x1f: {  	s9 =	smul.u32 $0xF7A, s1;
	s8 =	simm.s32 @!p0 $0x1BF5;
	p2 =	por !p2, p0  }
0x20: {  	[sflag:s8] =	ssyncset.s32 @!p0 $0xFFFFF086;
	s6 =	sadd.s32 @!p0 s3, s7;
	s7 =	simm.s32 @!p0 $0x108  }
0x21: {  	s3 =	sadd.s32 s3, s9;
	s6 =	sadd.s32 @!p0 $0x88, s6;
	s7 =	simm.s32 @p2 $0x1082  }
0x22: {  	[simem:s7], [sflag:s8] =	dma.local @!p0 [hbm:s6], $0xF7A  }
0x23: {  	s9 =	sor.u32 $0xD0000000, s2;
	s6 =	simm.s32 $0x108;
	_ =	swait.ge @!p0 [sflag:s8], $0x0  }
0x24: {  	s3 =	sadd.s32 $0x88, s3;
	s6 =	simm.s32 @!p1 $0x1082;
	[sflag:s4] =	ssyncset.s32 $0xFFFFF086  }
0x25: {  	[simem:s6], [sflag:s4] =	dma.local [hbm:s3], $0xF7A  }
0x26: {  	[smem:$0x3FA0] =	sst s1;
	(tag) =	ssettag s2;
	_ =	strace s9  }
0x27: {  	s1 =	sld [smem:$0x3FB0]  }
0x28: {  	s2 =	sld [smem:$0x3FB1]  }
0x29: {  	s4 =	sld [smem:$0x3FB3]  }
0x2a: {  	p0 =	seq.s32 s5, $0x0;
	s5 =	sld [smem:$0x3FB4]  }
0x2b: {  	s6 =	sld [smem:$0x3FB5]  }
0x2c: {  	s7 =	sld [smem:$0x3FB6]  }
0x2d: {  	s3 =	simm.s32 $0x108;
	s8 =	sld [smem:$0x3FB7]  }
0x2e: {  	s3 =	simm.s32 @!p0 $0x1082;
	s9 =	sld [smem:$0x3FB8]  }
0x2f: {  	lr =	sadd.s32 s0, s3;
	s0 =	sld [smem:$0x3FAF]  }
0x30: {  	s3 =	sld [smem:$0x3FB2]  }
0x31: {  	[smem:$0x3FBB] =	sst s10  }
0x32: {  	s10 =	sld [smem:$0x3FB9];
	_ =	sdelay $0x3  }
0x33: {  	p0 =	seq.s32 s10, $0x1;
	s10 =	sld [smem:$0x3FBB];
	_ =	sdelay $0x3  }
0x34: {  	[smem:$0x3FBB] =	sst s10  }
0x35: {  	s10 =	sld [smem:$0x3FBA];
	_ =	sdelay $0x3  }
0x36: {  	p1 =	seq.s32 s10, $0x1;
	s10 =	sld [smem:$0x3FBB];
	_ =	sdelay $0x3  }
0x37: {  	[smem:$0x3FBB] =	sst s10  }
0x38: {  	s10 =	sld [smem:$0x3FBC]  }
0x39: {  	_ = 	snop;
	(pc) =	sbr.ind lr, $3  }
0x3a: {  	_ = 	snop  }
0x3b: {  	_ = 	snop  }
0x3c: {  	p2 =	seq.s32 s10, $0x1;
	s10 =	sld [smem:$0x3FBB]  }
0x3d: {  	_ =	shalt  }
0x3e: {  	_ =	shalt  }
0x3f: {  	_ =	shalt  }
0x40: {  	_ =	shalt  }
0x41: {  	_ =	shalt  }
0x42: {  	_ =	shalt  }
0x43: {  	_ =	shalt  }
0x44: {  	_ =	shalt  }
0x45: {  	_ =	shalt  }
0x46: {  	_ =	shalt  }
0x47: {  	_ =	shalt  }
0x48: {  	_ =	shalt  }
0x49: {  	_ =	shalt  }
0x4a: {  	_ =	shalt  }
0x4b: {  	_ =	shalt  }
0x4c: {  	_ =	shalt  }
0x4d: {  	_ =	shalt  }
0x4e: {  	_ =	shalt  }
0x4f: {  	_ =	shalt  }
0x50: {  	_ =	shalt  }
0x51: {  	_ =	shalt  }
0x52: {  	_ =	shalt  }
0x53: {  	_ =	shalt  }
0x54: {  	_ =	shalt  }
0x55: {  	_ =	shalt  }
0x56: {  	_ =	shalt  }
0x57: {  	_ =	shalt  }
0x58: {  	_ =	shalt  }
0x59: {  	_ =	shalt  }
0x5a: {  	_ =	shalt  }
0x5b: {  	_ =	shalt  }
0x5c: {  	_ =	shalt  }
0x5d: {  	_ =	shalt  }
0x5e: {  	_ =	shalt  }
0x5f: {  	_ =	shalt  }
0x60: {  	_ =	shalt  }
0x61: {  	_ =	shalt  }
0x62: {  	_ =	shalt  }
0x63: {  	_ =	shalt  }
0x64: {  	_ =	shalt  }
0x65: {  	_ =	shalt  }
0x66: {  	_ =	shalt  }
0x67: {  	_ =	shalt  }
0x68: {  	_ =	shalt  }
0x69: {  	_ =	shalt  }
0x6a: {  	_ =	shalt  }
0x6b: {  	_ =	shalt  }
0x6c: {  	_ =	shalt  }
0x6d: {  	_ =	shalt  }
0x6e: {  	_ =	shalt  }
0x6f: {  	_ =	shalt  }
0x70: {  	_ =	shalt  }
0x71: {  	_ =	shalt  }
0x72: {  	_ =	shalt  }
0x73: {  	_ =	shalt  }
0x74: {  	_ =	shalt  }
0x75: {  	_ =	shalt  }
0x76: {  	_ =	shalt  }
0x77: {  	_ =	shalt  }
0x78: {  	_ =	shalt  }
0x79: {  	_ =	shalt  }
0x7a: {  	_ =	shalt  }
0x7b: {  	_ =	shalt  }
0x7c: {  	_ =	shalt  }
0x7d: {  	_ =	shalt  }
0x7e: {  	_ =	shalt  }
0x7f: {  	_ =	shalt  }
0x80: {  	_ =	shalt  }
0x81: {  	_ =	shalt  }
0x82: {  	_ =	shalt  }
0x83: {  	_ =	shalt  }
0x84: {  	_ =	shalt  }
0x85: {  	_ =	shalt  }
0x86: {  	_ =	shalt  }
0x87: {  	_ =	shalt  }
.Lfunc_end0:
.L_simem_size_0:
called_computation_lowered:
.L_overlay_start_0:
0x88: {  	s2 =	sld [smem:$0x3FD9]  }
0x89: {  	s3 =	sld [smem:$0x3FFE];
	_ =	sdelay $0x1  }
0x8a: {  	s1 =	srdreg.scid  }
0x8b: {  	s0 =	sand.u32 $0x1, s1  }
0x8c: {  	s17 =	sshll.u32 s0, $0xA;
	s2 =	sadd.s32 s3, s2  }
0x8d: {  	s2 =	sadd.s32 s2, s17  }
0x8e: {  	[smem:$0x3FC7] =	sst s2  }
0x8f: {  	_ = 	snop  }
0x90: {  	s2 =	sld [smem:$0x3FC9]  }
0x91: {  	s18 =	sld [smem:$0x3FD0];
	(tm) =	ssettm $0x1  }
0x92: {  	s4 =	sld [smem:$0x3FFB];
	_ =	sdelay $0x3  }
0x93: {  	_ =	strace s4  }
0x94: {  	s4 =	sld [smem:$0x3FFC];
	_ =	sdelay $0x3  }
0x95: {  	_ =	strace s4  }
0x96: {  	s4 =	sld [smem:$0x3FFD];
	_ =	sdelay $0x3  }
0x97: {  	_ =	strace s4  }
0x98: {  	_ =	strace $0x8FFFFFFF  }
0x99: {  	s19 =	sld [smem:$0x3FDB];
	_ =	sdelay $0x1  }
0x9a: {  	s5 =	simm.s32 $_scs_section_size  }
0x9b: {  	s6 =	simm.s32 $_size__tile_overlayer_lowered;
	s7 =	simm.s32 $_tile_overlayer_lowered  }
0x9c: {  	s22 =	simm.s32 $0x1BFF;
	s21 =	sshll.u32 s7, $0x1;
	s4 =	sadd.s32 s5, s19  }
0x9d: {  	s8 =	simm.s32 $0x0;
	s20 =	sshll.u32 s6, $0x1;
	s6 =	sadd.s32 s21, s4  }
0x9e: {  	[timem:s8], [sflag:s22] =	dma.local [hbm:s6], s20  }
0x9f: {  	_ =	swait.ge [sflag:s22], s20  }
0xa0: {  	s5 =	ssub.s32 $0x0, s20;
	[sflag:s22] =	ssyncset.done $0x0  }
0xa1: {  	[sflag:s22] =	ssyncadd.s32 s5;
	_ =	sdelay $0x1  }
0xa2: {  	s23 =	simm.s32 $0x1B8B  }
0xa3: {  	_ =	swait.ge [sflag:s23], $0x1  }
0xa4: {  	[sflag:s23] =	ssyncset.done $0x0  }
0xa5: {  	s25 =	simm.s32 $0x1B8E;
	s24 =	sld [smem:$0x3FFE];
	[sflag:s23] =	ssyncadd.s32 $0xFFFFFFFF  }
0xa6: {  	s26 =	simm.s32 $execute0_lowered;
	[smem:$0x3FD2] =	sst s25  }
0xa7: {  	s6 =	sshll.u32 s26, $0x1;
	_ =	strace $0x80000046;
	[dreg:$0x1] =	wrdreg $0xFFFFFFFF  }
0xa8: {  	s28 =	simm.s32 $_size_execute0_lowered;
	s4 =	sadd.s32 s4, s6;
	[dreg:$0x0] =	wrdreg $0x0  }
0xa9: {  	s6 =	sshll.u32 s28, $0x1;
	[dreg:$0x2] =	wrdreg s4  }
0xaa: {  	[dreg:$0x3] =	wrdreg s6  }
0xab: {  	[dreg:$0x4] =	wrdreg $0xC0  }
0xac: {  	_ =	task [dreg:s8], $0x5FFFF  }
0xad: {  	[dreg:$0x1] =	wrdreg $0xFFFFFFFF  }
0xae: {  	[dreg:$0x0] =	wrdreg $0x60  }
0xaf: {  	[dreg:$0x2] =	wrdreg s2  }
0xb0: {  	[dreg:$0x3] =	wrdreg s24  }
0xb1: {  	[dreg:$0x4] =	wrdreg s18  }
0xb2: {  	[dreg:$0x5] =	wrdreg $0x9  }
0xb3: {  	_ =	task.clear_ibuf [dreg:s8], $0x6FFFF;
	_ =	strace $0x90000046  }
0xb4: {  	s29 =	simm.s32 $0x9;
	_ =	strace $0x80000048  }
0xb5: {  	_ =	swait.ge [sflag:s29], $0x1  }
0xb6: {  	[sflag:s29] =	ssyncadd.s32 $0xFFFFFFFF  }
0xb7: {  	_ =	strace $0x90000048  }
0xb8: {  	_ =	sfence  }
0xb9: {  	s30 =	sld [smem:$0x0];
	_ =	sdelay $0x2  }
0xba: {  	s31 =	sshll.u32 s1, $0xD;
	s1 =	sshrl.u32 s1, $0x2  }
0xbb: {  	s3 =	sand.u32 $0x4000, s31;
	s1 =	sadd.s32 s1, s30  }
0xbc: {  	s0 =	sor.u32 s3, s0;
	s1 =	sshll.u32 s1, $0x11  }
0xbd: {  	s0 =	sor.u32 s1, s0  }
0xbe: {  	s0 =	sadd.s32 $0x8F2B, s0  }
0xbf: {  	[sflag:s0] =	ssyncadd.remote.s32 $0x1  }
0xc0: {  	_ =	sfence.sel $0xFFFF  }
0xc1: {  	[dreg:$0x0] =	wrdreg $0xFFFFFFFF;
	(pc) =	sbr.abs _section_cstart, $3  }
0xc2: {  	[dreg:$0x1] =	wrdreg $0xFFFFFFFF  }
0xc3: {  	_ =	task.clear_ibuf [dreg:s8], $0x2FFFF;
	_ =	strace $0x9FFFFFFF  }
0xc4: {  	(tm) =	ssettm $0x7FFFFFFF  }
0xc5: {  	_ =	shalt  }
tec
execute0_lowered:
.L_overlay_start_1:
0x0: {  	(tag) =	ssettag $0x1  }
0x1: {  	s3 =	rddreg [dreg:$0x0]  }
0x2: {  	s4 =	rddreg [dreg:$0x1]  }
0x3: {  	s0 =	srdreg.scid;
	s6 =	rddreg [dreg:$0x2]  }
0x4: {  	s1 =	stileid.u32;
	s5 =	simm.s32 $0x0;
	s19 =	simm.s32 $0x200  }
0x5: {  	s28 =	simm.s32 $0x4200;
	[smem:$0x7FF] =	sst s5;
	s21 =	sadd.s32 $0x100, s3  }
0x6: {  	s22 =	sadd.s32 $0x200, s3;
	_ =	strace $0x80000047;
	[dreg:$0x6] =	wrdreg s21  }
0x7: {  	s30 =	simm.s32 $0x8200;
	s23 =	sadd.s32 $0x300, s3;
	[dreg:$0x7] =	wrdreg s22  }
0x8: {  	s0 =	sand.u32 $0x1, s0;
	s24 =	sadd.s32 $0x400, s3;
	[dreg:$0x8] =	wrdreg s23  }
0x9: {  	s1 =	sshll.u32 s1, $0xA;
	s25 =	sadd.s32 $0x500, s3;
	[dreg:$0x9] =	wrdreg s24  }
0xa: {  	s26 =	sadd.s32 $0x600, s3;
	s29 =	sadd.s32 $0x700, s3;
	[dreg:$0xa] =	wrdreg s25  }
0xb: {  	s2 =	sshll.u32 s0, $0x9;
	s0 =	ssub.s32 $0x2, s0;
	[dreg:$0xb] =	wrdreg s26  }
0xc: {  	[dreg:$0xc] =	wrdreg s29;
	s7 =	sor.u32 s2, s1;
	s20 =	sshrl.u32 s0, $0x1  }
.Ltmp0:
0xd: {  	s1 =	sshrl.u32 s7, $0x3;
	s0 =	ssub.s32 s0, s20;
	(pc) =	sbr.rel .LBB2_1-.Ltmp0, $4  }
0xe: {  	[dreg:$0x4] =	wrdreg s7;
	s1 =	sadd.s32 s1, s4;
	s0 =	smax.u32 s0, $0x1  }
0xf: {  	v0 =	vlaneseq.u32;
	s31 =	sshll.u32 s7, $0x8;
	s1 =	sadd.s32 $0x200, s1;
	[dreg:$0xe] =	wrdreg s0  }
0x10: {  	s11 =	simm.s32 $0x5;
	v1 =	vshrl.u32 v0, $0x3;
	[dreg:$0x5] =	wrdreg s1;
	s1 =	sadd.s32 s6, s31  }
0x11: {  	vm0 =	vmmov $0xffff;
	v0 =	vand.u32 $0x7, v0;
	s3 =	simm.s32 $0x0;
	v1 =	vmul.u32 $0x8, v1;
	[dreg:$0xd] =	wrdreg s1;
	s1 =	simm.s32 $0xC200  }
.LBB2_16:
0x12: {  	s11 =	simm.s32 $0x5  }
0x13: {  	_ =	swait.ge [sflag:s11], $0x4000  }
0x14: {  	[sflag:s11] =	ssyncset.done $0x0  }
0x15: {  	s2 =	simm.s32 $0x6;
	[sflag:s11] =	ssyncadd.s32 $0xFFFFC000  }
0x16: {  	_ =	swait.ge [sflag:s2], $0x4000  }
0x17: {  	s3 =	rddreg [dreg:$0xf]  }
0x18: {  	s0 =	rddreg [dreg:$0xe];
	s3 =	sadd.s32 $0x1, s3  }
0x19: {  	p0 =	sne.s32 s3, s0  }
.Ltmp1:
0x1a: {  	_ = 	snop;
	(pc) =	sbr.rel @!p0 .LBB2_17-.Ltmp1, $3  }
0x1b: {  	_ =	sdelay $0x1  }
0x1c: {  	[sflag:s2] =	ssyncset.done $0x0  }
0x1d: {  	[sflag:s2] =	ssyncadd.s32 $0xFFFFC000  }
.LBB2_1:
0x1e: {  	[dreg:$0xf] =	wrdreg s3  }
0x1f: {  	s0 =	rddreg [dreg:$0x1];
	s2 =	simm.s32 $0x18200  }
0x20: {  	[tilespmem:s2], [sflag:$0x5] =	stream.linear.gather [hbm4b:s0+s5], $0x800, $0x38;
	[tilespmem:$0x18A00] =	vst v63  }
0x21: {  	s21 =	rddreg [dreg:$0x5];
	s22 =	simm.s32 $0x7  }
0x22: {  	[tilespmem:s5], [sflag:$0x7] =	stream.linear.gather [hbm4b:s21+s5], $0x200, $0x38;
	[tilespmem:$0x18A00] =	vst v63  }
0x23: {  	_ =	swait.ge [sflag:s22], $0x200  }
0x24: {  	[sflag:s22] =	ssyncset.done $0x0  }
0x25: {  	[sflag:s22] =	ssyncadd.s32 $0xFFFFFE00  }
0x26: {  	v2 =	vld.msk [tilespmem:$0x0], $0xff;
	_ =	sdelay $0x4  }
0x27: {  	v3 =	vshll.u32 v2, $0x4  }
0x28: {  	v2 =	vand.u32 $0x7, v2;
	v3 =	vand.u32 $0xFFFFFF80, v3  }
0x29: {  	v2 =	vor.u32 v2, v3  }
0x2a: {  	v2 =	vperm.xlane v2, v0;
	_ =	sdelay $0x1  }
0x2b: {  	v2 =	vadd.s32 v1, v2;
	_ =	sdelay $0x3  }
0x2c: {  	s0 =	rddreg [dreg:$0x0]  }
0x2d: {  	[tilespmem:s19], [sflag:$0x1] =	stream.indirect_vreg.gather [hbm4b:s0+s5], $0x80, v2, vm0, $0xb8;
	[tilespmem:$0x18A00] =	vst v63  }
0x2e: {  	s23 =	simm.s32 $0xA00;
	s2 =	rddreg [dreg:$0x6]  }
0x2f: {  	[tilespmem:s23], [sflag:$0x1] =	stream.indirect_vreg.gather [hbm4b:s2+s5], $0x80, v2, vm0, $0xb8;
	[tilespmem:$0x18A00] =	vst v63  }
0x30: {  	s4 =	simm.s32 $0x1200;
	s3 =	rddreg [dreg:$0x7]  }
0x31: {  	[tilespmem:s4], [sflag:$0x1] =	stream.indirect_vreg.gather [hbm4b:s3+s5], $0x80, v2, vm0, $0xb8;
	[tilespmem:$0x18A00] =	vst v63  }
0x32: {  	s6 =	simm.s32 $0x1A00;
	s4 =	rddreg [dreg:$0x8]  }
0x33: {  	[tilespmem:s6], [sflag:$0x1] =	stream.indirect_vreg.gather [hbm4b:s4+s5], $0x80, v2, vm0, $0xb8;
	[tilespmem:$0x18A00] =	vst v63  }
0x34: {  	s7 =	simm.s32 $0x2200;
	s6 =	rddreg [dreg:$0x9]  }
0x35: {  	[tilespmem:s7], [sflag:$0x1] =	stream.indirect_vreg.gather [hbm4b:s6+s5], $0x80, v2, vm0, $0xb8;
	[tilespmem:$0x18A00] =	vst v63  }
0x36: {  	s8 =	simm.s32 $0x2A00;
	s7 =	rddreg [dreg:$0xa]  }
0x37: {  	[tilespmem:s8], [sflag:$0x1] =	stream.indirect_vreg.gather [hbm4b:s7+s5], $0x80, v2, vm0, $0xb8;
	[tilespmem:$0x18A00] =	vst v63  }
0x38: {  	s9 =	simm.s32 $0x3200;
	s8 =	rddreg [dreg:$0xb]  }
0x39: {  	[tilespmem:s9], [sflag:$0x1] =	stream.indirect_vreg.gather [hbm4b:s8+s5], $0x80, v2, vm0, $0xb8;
	[tilespmem:$0x18A00] =	vst v63  }
0x3a: {  	s10 =	simm.s32 $0x3A00;
	s9 =	rddreg [dreg:$0xc]  }
0x3b: {  	[tilespmem:s10], [sflag:$0x1] =	stream.indirect_vreg.gather [hbm4b:s9+s5], $0x80, v2, vm0, $0xb8;
	[tilespmem:$0x18A00] =	vst v63  }
0x3c: {  	v2 =	vld.msk [tilespmem:$0x8], $0xff;
	_ =	sdelay $0x4  }
0x3d: {  	v3 =	vshll.u32 v2, $0x4  }
0x3e: {  	v2 =	vand.u32 $0x7, v2;
	v3 =	vand.u32 $0xFFFFFF80, v3  }
0x3f: {  	v2 =	vor.u32 v2, v3  }
0x40: {  	v2 =	vperm.xlane v2, v0;
	_ =	sdelay $0x1  }
0x41: {  	v2 =	vadd.s32 v1, v2;
	_ =	sdelay $0x4  }
0x42: {  	[tilespmem:s28], [sflag:$0x2] =	stream.indirect_vreg.gather [hbm4b:s0+s5], $0x80, v2, vm0, $0xb8;
	[tilespmem:$0x18A00] =	vst v63  }
0x43: {  	s24 =	simm.s32 $0x4A00  }
0x44: {  	[tilespmem:s24], [sflag:$0x2] =	stream.indirect_vreg.gather [hbm4b:s2+s5], $0x80, v2, vm0, $0xb8;
	[tilespmem:$0x18A00] =	vst v63  }
0x45: {  	s25 =	simm.s32 $0x5200  }
0x46: {  	[tilespmem:s25], [sflag:$0x2] =	stream.indirect_vreg.gather [hbm4b:s3+s5], $0x80, v2, vm0, $0xb8;
	[tilespmem:$0x18A00] =	vst v63  }
0x47: {  	s26 =	simm.s32 $0x5A00  }
0x48: {  	[tilespmem:s26], [sflag:$0x2] =	stream.indirect_vreg.gather [hbm4b:s4+s5], $0x80, v2, vm0, $0xb8;
	[tilespmem:$0x18A00] =	vst v63  }
0x49: {  	s29 =	simm.s32 $0x6200  }
0x4a: {  	[tilespmem:s29], [sflag:$0x2] =	stream.indirect_vreg.gather [hbm4b:s6+s5], $0x80, v2, vm0, $0xb8;
	[tilespmem:$0x18A00] =	vst v63  }
0x4b: {  	s31 =	simm.s32 $0x6A00  }
0x4c: {  	[tilespmem:s31], [sflag:$0x2] =	stream.indirect_vreg.gather [hbm4b:s7+s5], $0x80, v2, vm0, $0xb8;
	[tilespmem:$0x18A00] =	vst v63  }
0x4d: {  	s12 =	simm.s32 $0x7200  }
0x4e: {  	[tilespmem:s12], [sflag:$0x2] =	stream.indirect_vreg.gather [hbm4b:s8+s5], $0x80, v2, vm0, $0xb8;
	[tilespmem:$0x18A00] =	vst v63  }
0x4f: {  	s13 =	simm.s32 $0x7A00  }
0x50: {  	[tilespmem:s13], [sflag:$0x2] =	stream.indirect_vreg.gather [hbm4b:s9+s5], $0x80, v2, vm0, $0xb8;
	[tilespmem:$0x18A00] =	vst v63  }
0x51: {  	v2 =	vld.msk [tilespmem:$0x10], $0xff;
	_ =	sdelay $0x4  }
0x52: {  	v3 =	vshll.u32 v2, $0x4  }
0x53: {  	v2 =	vand.u32 $0x7, v2;
	v3 =	vand.u32 $0xFFFFFF80, v3  }
0x54: {  	v2 =	vor.u32 v2, v3  }
0x55: {  	v2 =	vperm.xlane v2, v0;
	_ =	sdelay $0x1  }
0x56: {  	v2 =	vadd.s32 v1, v2;
	_ =	sdelay $0x4  }
0x57: {  	[tilespmem:s30], [sflag:$0x3] =	stream.indirect_vreg.gather [hbm4b:s0+s5], $0x80, v2, vm0, $0xb8;
	[tilespmem:$0x18A00] =	vst v63  }
0x58: {  	s14 =	simm.s32 $0x8A00  }
0x59: {  	[tilespmem:s14], [sflag:$0x3] =	stream.indirect_vreg.gather [hbm4b:s2+s5], $0x80, v2, vm0, $0xb8;
	[tilespmem:$0x18A00] =	vst v63  }
0x5a: {  	s15 =	simm.s32 $0x9200  }
0x5b: {  	[tilespmem:s15], [sflag:$0x3] =	stream.indirect_vreg.gather [hbm4b:s3+s5], $0x80, v2, vm0, $0xb8;
	[tilespmem:$0x18A00] =	vst v63  }
0x5c: {  	s16 =	simm.s32 $0x9A00  }
0x5d: {  	[tilespmem:s16], [sflag:$0x3] =	stream.indirect_vreg.gather [hbm4b:s4+s5], $0x80, v2, vm0, $0xb8;
	[tilespmem:$0x18A00] =	vst v63  }
0x5e: {  	s17 =	simm.s32 $0xA200  }
0x5f: {  	[tilespmem:s17], [sflag:$0x3] =	stream.indirect_vreg.gather [hbm4b:s6+s5], $0x80, v2, vm0, $0xb8;
	[tilespmem:$0x18A00] =	vst v63  }
0x60: {  	s18 =	simm.s32 $0xAA00  }
0x61: {  	[tilespmem:s18], [sflag:$0x3] =	stream.indirect_vreg.gather [hbm4b:s7+s5], $0x80, v2, vm0, $0xb8;
	[tilespmem:$0x18A00] =	vst v63  }
0x62: {  	s20 =	simm.s32 $0xB200  }
0x63: {  	[tilespmem:s20], [sflag:$0x3] =	stream.indirect_vreg.gather [hbm4b:s8+s5], $0x80, v2, vm0, $0xb8;
	[tilespmem:$0x18A00] =	vst v63  }
0x64: {  	s21 =	simm.s32 $0xBA00  }
0x65: {  	[tilespmem:s21], [sflag:$0x3] =	stream.indirect_vreg.gather [hbm4b:s9+s5], $0x80, v2, vm0, $0xb8;
	[tilespmem:$0x18A00] =	vst v63  }
0x66: {  	v2 =	vld.msk [tilespmem:$0x18], $0xff;
	_ =	sdelay $0x4  }
0x67: {  	v3 =	vshll.u32 v2, $0x4  }
0x68: {  	v2 =	vand.u32 $0x7, v2;
	v3 =	vand.u32 $0xFFFFFF80, v3  }
0x69: {  	v2 =	vor.u32 v2, v3  }
0x6a: {  	v2 =	vperm.xlane v2, v0;
	_ =	sdelay $0x1  }
0x6b: {  	v2 =	vadd.s32 v1, v2;
	_ =	sdelay $0x4  }
0x6c: {  	[tilespmem:s1], [sflag:$0x4] =	stream.indirect_vreg.gather [hbm4b:s0+s5], $0x80, v2, vm0, $0xb8;
	[tilespmem:$0x18A00] =	vst v63  }
0x6d: {  	s22 =	simm.s32 $0xCA00  }
0x6e: {  	[tilespmem:s22], [sflag:$0x4] =	stream.indirect_vreg.gather [hbm4b:s2+s5], $0x80, v2, vm0, $0xb8;
	[tilespmem:$0x18A00] =	vst v63  }
0x6f: {  	s23 =	simm.s32 $0xD200  }
0x70: {  	[tilespmem:s23], [sflag:$0x4] =	stream.indirect_vreg.gather [hbm4b:s3+s5], $0x80, v2, vm0, $0xb8;
	[tilespmem:$0x18A00] =	vst v63  }
0x71: {  	s24 =	simm.s32 $0xDA00  }
0x72: {  	[tilespmem:s24], [sflag:$0x4] =	stream.indirect_vreg.gather [hbm4b:s4+s5], $0x80, v2, vm0, $0xb8;
	[tilespmem:$0x18A00] =	vst v63  }
0x73: {  	s25 =	simm.s32 $0xE200  }
0x74: {  	[tilespmem:s25], [sflag:$0x4] =	stream.indirect_vreg.gather [hbm4b:s6+s5], $0x80, v2, vm0, $0xb8;
	[tilespmem:$0x18A00] =	vst v63  }
0x75: {  	s26 =	simm.s32 $0xEA00  }
0x76: {  	[tilespmem:s26], [sflag:$0x4] =	stream.indirect_vreg.gather [hbm4b:s7+s5], $0x80, v2, vm0, $0xb8;
	[tilespmem:$0x18A00] =	vst v63  }
0x77: {  	s29 =	simm.s32 $0xF200  }
0x78: {  	[tilespmem:s29], [sflag:$0x4] =	stream.indirect_vreg.gather [hbm4b:s8+s5], $0x80, v2, vm0, $0xb8;
	[tilespmem:$0x18A00] =	vst v63  }
0x79: {  	s31 =	simm.s32 $0xFA00  }
0x7a: {  	[tilespmem:s31], [sflag:$0x4] =	stream.indirect_vreg.gather [hbm4b:s9+s5], $0x80, v2, vm0, $0xb8;
	[tilespmem:$0x18A00] =	vst v63  }
0x7b: {  	_ =	swait.ge [sflag:s11], $0x800  }
0x7c: {  	[sflag:s11] =	ssyncset.done $0x0  }
0x7d: {  	s4 =	simm.s32 $0x0;
	[sflag:s11] =	ssyncadd.s32 $0xFFFFF800  }
.LBB2_2:
0x7e: {  	s0 =	simm.s32 $0x1  }
0x7f: {  	_ =	swait.ge [sflag:s0], $0x4000  }
0x80: {  	p0 =	seq.s32 s4, $0x0;
	[sflag:s0] =	ssyncset.done $0x0  }
0x81: {  	s2 =	simm.s32 $0x0;
	[sflag:s0] =	ssyncadd.s32 $0xFFFFC000;
	s0 =	simm.s32 @!p0 $0x5  }
0x82: {  	s3 =	sand.u32 $0x40, s2;
	s6 =	sand.u32 $0x780, s2;
	_ =	swait.ge @!p0 [sflag:s0], $0x4000  }
0x83: {  	s6 =	sadd.s32 $0x18200, s6;
	s7 =	sor.u32 $0x30, s3;
	[sflag:s0] =	ssyncset.done @!p0 $0x0  }
0x84: {  	s15 =	sor.u32 s7, s6;
	[sflag:s0] =	ssyncadd.s32 @!p0 $0xFFFFC000  }
0x85: {  	s8 =	simm.s32 $0x18200;
	v2 =	vld [tilespmem:s15+$0x0]  }
0x86: {  	s16 =	sor.u32 $0x10, s3;
	v3 =	vld [tilespmem:s8+$0x0]  }
0x87: {  	s17 =	sor.u32 $0x20, s3;
	s9 =	sor.u32 s16, s6  }
0x88: {  	s6 =	sor.u32 s17, s6;
	v4 =	vld [tilespmem:s9+$0x0]  }
0x89: {  	v5 =	vld [tilespmem:s6+$0x0]  }
0x8a: {  	v6 =	vshll.u32 v2, $0x3  }
0x8b: {  	v7 =	vshll.u32 v3, $0x3;
	v2 =	vand.u32 $0x7F, v2;
	v6 =	vand.u32 $0xFFFFFC00, v6  }
0x8c: {  	v3 =	vand.u32 $0x7F, v3;
	v8 =	vand.u32 $0xFFFFFC00, v7;
	v7 =	vor.u32 v2, v6  }
0x8d: {  	v2 =	vor.u32 v3, v8;
	v3 =	vshll.u32 v4, $0x3  }
0x8e: {  	v6 =	vshll.u32 v5, $0x3;
	v4 =	vand.u32 $0x7F, v4;
	v3 =	vand.u32 $0xFFFFFC00, v3  }
0x8f: {  	v8 =	vand.u32 $0xFFFFFC00, v6;
	v6 =	vor.u32 v4, v3;
	v3 =	vand.u32 $0x7F, v5  }
0x90: {  	v5 =	vor.u32 v3, v8  }
0x91: {  	v3 =	vld.idx.msk [tilespmem:v7+s19+$0x0], $0xffff  }
0x92: {  	v8 =	vor.u32 $0x80, v7;
	v4 =	vld.idx.msk [tilespmem:v2+s19+$0x0], $0xffff  }
0x93: {  	s2 =	sand.u32 $0x3C00, s2;
	v9 =	vor.u32 $0x80, v2  }
0x94: {  	s18 =	sor.u32 $0x10200, s2;
	v10 =	vld.idx.msk [tilespmem:v6+s19+$0x0], $0xffff  }
0x95: {  	s10 =	sor.u32 s7, s18;
	v11 =	vor.u32 $0x80, v6;
	v12 =	vld.idx.msk [tilespmem:v5+s19+$0x0], $0xffff  }
0x96: {  	s2 =	sor.u32 s3, s18;
	v13 =	vor.u32 $0x80, v5;
	[tilespmem:s10+$0x0] =	vst v3  }
0x97: {  	[tilespmem:s2+$0x0] =	vst v4;
	v3 =	vld.idx.msk [tilespmem:v8+s19+$0x0], $0xffff  }
0x98: {  	s12 =	sor.u32 s16, s18;
	v4 =	vld.idx.msk [tilespmem:v9+s19+$0x0], $0xffff;
	v8 =	vor.u32 $0x100, v7  }
0x99: {  	s20 =	sor.u32 s17, s18;
	v9 =	vor.u32 $0x100, v2;
	[tilespmem:s12+$0x0] =	vst v10  }
0x9a: {  	v10 =	vld.idx.msk [tilespmem:v11+s19+$0x0], $0xffff;
	[tilespmem:s20+$0x0] =	vst v12  }
0x9b: {  	v11 =	vor.u32 $0x100, v6;
	v12 =	vld.idx.msk [tilespmem:v13+s19+$0x0], $0xffff  }
0x9c: {  	v13 =	vor.u32 $0x100, v5;
	[tilespmem:s10+$0x80] =	vst v3  }
0x9d: {  	[tilespmem:s2+$0x80] =	vst v4;
	v3 =	vld.idx.msk [tilespmem:v8+s19+$0x0], $0xffff  }
0x9e: {  	v4 =	vld.idx.msk [tilespmem:v9+s19+$0x0], $0xffff;
	v8 =	vor.u32 $0x180, v7  }
0x9f: {  	v9 =	vor.u32 $0x180, v2;
	[tilespmem:s12+$0x80] =	vst v10  }
0xa0: {  	v10 =	vld.idx.msk [tilespmem:v11+s19+$0x0], $0xffff;
	[tilespmem:s20+$0x80] =	vst v12  }
0xa1: {  	s21 =	simm.s32 $0x18240;
	s0 =	simm.s32 $0x40;
	v11 =	vor.u32 $0x180, v6;
	v12 =	vld.idx.msk [tilespmem:v13+s19+$0x0], $0xffff  }
0xa2: {  	s22 =	sand.u32 $0x40, s0;
	s23 =	sand.u32 $0x780, s0;
	v13 =	vld [tilespmem:s21+$0x0];
	[tilespmem:s10+$0x100] =	vst v3  }
0xa3: {  	s6 =	sadd.s32 $0x18200, s23;
	s11 =	sor.u32 $0x30, s22;
	[tilespmem:s2+$0x100] =	vst v4;
	v3 =	vld.idx.msk [tilespmem:v8+s19+$0x0], $0xffff  }
0xa4: {  	s24 =	sor.u32 s11, s6;
	v4 =	vor.u32 $0x180, v5;
	v8 =	vld.idx.msk [tilespmem:v9+s19+$0x0], $0xffff  }
0xa5: {  	s25 =	sor.u32 $0x10, s22;
	v9 =	vor.u32 $0x200, v7;
	[tilespmem:s12+$0x100] =	vst v10;
	v10 =	vld [tilespmem:s24+$0x0]  }
0xa6: {  	s26 =	sor.u32 $0x20, s22;
	s13 =	sor.u32 s25, s6;
	v11 =	vld.idx.msk [tilespmem:v11+s19+$0x0], $0xffff  }
0xa7: {  	s6 =	sor.u32 s26, s6;
	v15 =	vld [tilespmem:s13+$0x0];
	v14 =	vor.u32 $0x200, v6;
	v16 =	vshll.u32 v13, $0x3  }
0xa8: {  	v17 =	vld [tilespmem:s6+$0x0];
	[tilespmem:s20+$0x100] =	vst v12;
	v12 =	vor.u32 $0x200, v2;
	v13 =	vand.u32 $0x7F, v13;
	v16 =	vand.u32 $0xFFFFFC00, v16  }
0xa9: {  	p1 =	por $0x0, $0x0;
	s6 =	simm.s32 $0x1;
	v18 =	vld.idx.msk [tilespmem:v4+s19+$0x0], $0xffff;
	[tilespmem:s10+$0x180] =	vst v3;
	v3 =	vor.u32 v13, v16  }
0xaa: {  	s6 =	simm.s32 @!p1 $0x0;
	v13 =	vor.u32 $0x200, v5;
	v9 =	vld.idx.msk [tilespmem:v9+s19+$0x0], $0xffff;
	v4 =	vshll.u32 v10, $0x3  }
0xab: {  	s6 =	sshll.u32 s6, $0x6;
	v10 =	vand.u32 $0x7F, v10;
	[tilespmem:s12+$0x180] =	vst v11;
	v4 =	vand.u32 $0xFFFFFC00, v4;
	v11 =	vor.u32 $0x280, v7  }
0xac: {  	v16 =	vor.u32 $0x280, v6;
	[tilespmem:s2+$0x180] =	vst v8;
	s2 =	sadd.s32 $0x0, s6;
	v8 =	vld.idx.msk [tilespmem:v14+s19+$0x0], $0xffff;
	v14 =	vshll.u32 v15, $0x3;
	v4 =	vor.u32 v10, v4  }
0xad: {  	s6 =	sadd.s32 $0x30, s2;
	v10 =	vld.idx.msk [tilespmem:v12+s19+$0x0], $0xffff;
	v12 =	vshll.u32 v17, $0x3;
	v15 =	vand.u32 $0x7F, v15;
	v14 =	vand.u32 $0xFFFFFC00, v14  }
0xae: {  	s29 =	sor.u32 $0x200, s6;
	v12 =	vand.u32 $0xFFFFFC00, v12;
	[tilespmem:s20+$0x180] =	vst v18;
	v19 =	vld.idx.msk [tilespmem:v3+s19+$0x0], $0xffff;
	v23 =	vor.u32 v15, v14;
	v14 =	vand.u32 $0x7F, v17  }
0xaf: {  	s31 =	sadd.s32 $0x10, s2;
	v13 =	vld.idx.msk [tilespmem:v13+s19+$0x0], $0xffff;
	v12 =	vor.u32 v14, v12;
	[tilespmem:s29+$0x10200] =	vst v9  }
0xb0: {  	s16 =	sor.u32 $0x200, s31;
	v9 =	vor.u32 $0x280, v2;
	v11 =	vld.idx.msk [tilespmem:v11+s19+$0x0], $0xffff  }
0xb1: {  	s3 =	simm.s32 $0x200;
	s17 =	sor.u32 $0x200, s2;
	v14 =	vor.u32 $0x280, v5;
	v15 =	vld.idx.msk [tilespmem:v4+s19+$0x0], $0xffff;
	[tilespmem:s16+$0x10200] =	vst v8  }
0xb2: {  	s18 =	sand.u32 $0x3C00, s3;
	s12 =	sadd.s32 $0x20, s2;
	[tilespmem:s17+$0x10200] =	vst v10;
	v10 =	vor.u32 $0x80, v3;
	v8 =	vld.idx.msk [tilespmem:v16+s19+$0x0], $0xffff  }
0xb3: {  	s13 =	sor.u32 $0x10200, s18;
	s14 =	sor.u32 $0x200, s12;
	v16 =	vor.u32 $0x300, v7;
	v17 =	vld.idx.msk [tilespmem:v23+s19+$0x0], $0xffff  }
0xb4: {  	s22 =	sor.u32 s22, s13;
	v18 =	vor.u32 $0x80, v4;
	[tilespmem:s14+$0x10200] =	vst v13;
	v20 =	vld.idx.msk [tilespmem:v12+s19+$0x0], $0xffff  }
0xb5: {  	s20 =	sor.u32 $0x280, s6;
	v21 =	vor.u32 $0x80, v23;
	[tilespmem:s22+$0x0] =	vst v19;
	v24 =	vld.idx.msk [tilespmem:v9+s19+$0x0], $0xffff  }
0xb6: {  	s18 =	sor.u32 s11, s13;
	v9 =	vor.u32 $0x80, v12;
	v13 =	vld.idx.msk [tilespmem:v14+s19+$0x0], $0xffff;
	[tilespmem:s20+$0x10200] =	vst v11  }
0xb7: {  	s21 =	sor.u32 $0x280, s31;
	v11 =	vor.u32 $0x300, v6;
	[tilespmem:s18+$0x0] =	vst v15;
	v10 =	vld.idx.msk [tilespmem:v10+s19+$0x0], $0xffff  }
0xb8: {  	s25 =	sor.u32 s25, s13;
	v15 =	vor.u32 $0x300, v5;
	v14 =	vld.idx.msk [tilespmem:v16+s19+$0x0], $0xffff;
	[tilespmem:s21+$0x10200] =	vst v8  }
0xb9: {  	s16 =	sor.u32 s26, s13;
	v7 =	vor.u32 $0x380, v7;
	v18 =	vld.idx.msk [tilespmem:v18+s19+$0x0], $0xffff;
	[tilespmem:s25+$0x0] =	vst v17  }
0xba: {  	s23 =	sor.u32 $0x280, s12;
	v19 =	vor.u32 $0x100, v4;
	v17 =	vld.idx.msk [tilespmem:v21+s19+$0x0], $0xffff;
	[tilespmem:s16+$0x0] =	vst v20  }
0xbb: {  	s26 =	sor.u32 $0x280, s2;
	v20 =	vor.u32 $0x100, v3;
	[tilespmem:s23+$0x10200] =	vst v13;
	v9 =	vld.idx.msk [tilespmem:v9+s19+$0x0], $0xffff  }
0xbc: {  	s24 =	sor.u32 $0x300, s6;
	v8 =	vor.u32 $0x100, v23;
	[tilespmem:s26+$0x10200] =	vst v24;
	v25 =	vld.idx.msk [tilespmem:v11+s19+$0x0], $0xffff  }
0xbd: {  	v22 =	vor.u32 $0x100, v12;
	v16 =	vld.idx.msk [tilespmem:v15+s19+$0x0], $0xffff;
	[tilespmem:s24+$0x10200] =	vst v14  }
0xbe: {  	[tilespmem:s18+$0x80] =	vst v18;
	v18 =	vor.u32 $0x300, v2;
	v26 =	vld.idx.msk [tilespmem:v7+s19+$0x0], $0xffff  }
0xbf: {  	v27 =	vor.u32 $0x380, v6;
	[tilespmem:s22+$0x80] =	vst v10;
	v21 =	vld.idx.msk [tilespmem:v19+s19+$0x0], $0xffff  }
0xc0: {  	v6 =	vor.u32 $0x380, v23;
	v19 =	vld.idx.msk [tilespmem:v20+s19+$0x0], $0xffff;
	[tilespmem:s25+$0x80] =	vst v17  }
0xc1: {  	v13 =	vor.u32 $0x200, v23;
	v24 =	vor.u32 $0x180, v4;
	v15 =	vor.u32 $0x180, v23;
	v20 =	vld.idx.msk [tilespmem:v8+s19+$0x0], $0xffff;
	[tilespmem:s16+$0x80] =	vst v9  }
0xc2: {  	s15 =	simm.s32 $0x4;
	s7 =	sor.u32 $0x380, s12;
	s29 =	sor.u32 $0x300, s31;
	v10 =	vor.u32 $0x280, v23;
	v8 =	vor.u32 $0x300, v23;
	v23 =	vor.u32 $0x180, v3;
	v22 =	vld.idx.msk [tilespmem:v22+s19+$0x0], $0xffff  }
0xc3: {  	s17 =	simm.s32 $0x18280;
	s20 =	sor.u32 $0x380, s31;
	s31 =	sor.u32 $0x380, s6;
	v5 =	vor.u32 $0x380, v5;
	v11 =	vor.u32 $0x200, v12;
	v14 =	vor.u32 $0x180, v12;
	[tilespmem:s29+$0x10200] =	vst v25;
	v17 =	vld.idx.msk [tilespmem:v18+s19+$0x0], $0xffff  }
0xc4: {  	s6 =	sor.u32 $0x380, s2;
	s21 =	sor.u32 $0x300, s2;
	s24 =	sor.u32 $0x300, s12;
	v7 =	vor.u32 $0x300, v12;
	v9 =	vor.u32 $0x280, v12;
	v12 =	vor.u32 $0x380, v12;
	v18 =	vld.idx.msk [tilespmem:v27+s19+$0x0], $0xffff;
	[tilespmem:s31+$0x10200] =	vst v26  }
.LBB2_3:
0xc5: {  	v25 =	vld [tilespmem:s17+$0x0];
	[tilespmem:s18+$0x100] =	vst v21;
	s0 =	sadd.s32 $0x40, s0  }
0xc6: {  	s15 =	sadd.s32 $0x4, s15;
	s2 =	sand.u32 $0x40, s0;
	s8 =	sand.u32 $0x780, s0;
	[tilespmem:s22+$0x100] =	vst v19;
	v19 =	vld.idx.msk [tilespmem:v24+s19+$0x0], $0xffff  }
0xc7: {  	p2 =	slt.u32 s15, $0x7C;
	s9 =	sadd.s32 $0x18200, s8;
	s23 =	sor.u32 $0x30, s2;
	v21 =	vld.idx.msk [tilespmem:v23+s19+$0x0], $0xffff;
	[tilespmem:s25+$0x100] =	vst v20  }
0xc8: {  	s8 =	sor.u32 $0x10, s2;
	s26 =	sor.u32 $0x20, s2;
	v20 =	vor.u32 $0x200, v4;
	s10 =	sor.u32 s23, s9;
	v15 =	vld.idx.msk [tilespmem:v15+s19+$0x0], $0xffff;
	[tilespmem:s16+$0x100] =	vst v22  }
0xc9: {  	v23 =	vor.u32 $0x200, v3;
	s11 =	sor.u32 s8, s9;
	s9 =	sor.u32 s26, s9;
	v22 =	vld [tilespmem:s10+$0x0];
	[tilespmem:s24+$0x10200] =	vst v16  }
0xca: {  	v16 =	vld [tilespmem:s11+$0x0];
	[tilespmem:s21+$0x10200] =	vst v17  }
0xcb: {  	v17 =	vshll.u32 v25, $0x3;
	v24 =	vld [tilespmem:s9+$0x0];
	[tilespmem:s20+$0x10200] =	vst v18  }
0xcc: {  	v18 =	vand.u32 $0x7F, v25;
	v17 =	vand.u32 $0xFFFFFC00, v17;
	v14 =	vld.idx.msk [tilespmem:v14+s19+$0x0], $0xffff;
	[tilespmem:s18+$0x180] =	vst v19;
	v19 =	vor.u32 $0x380, v2;
	v2 =	vmovc v3  }
0xcd: {  	p1 =	por !p1, !p1;
	s9 =	simm.s32 $0x1;
	v3 =	vor.u32 v18, v17;
	[tilespmem:s22+$0x180] =	vst v21;
	v17 =	vld.idx.msk [tilespmem:v20+s19+$0x0], $0xffff  }
0xce: {  	s9 =	simm.s32 @!p1 $0x0;
	v18 =	vshll.u32 v22, $0x3;
	v20 =	vld.idx.msk [tilespmem:v23+s19+$0x0], $0xffff;
	[tilespmem:s25+$0x180] =	vst v15  }
0xcf: {  	s9 =	sshll.u32 s9, $0x6;
	v15 =	vand.u32 $0x7F, v22;
	v18 =	vand.u32 $0xFFFFFC00, v18;
	v21 =	vld.idx.msk [tilespmem:v13+s19+$0x0], $0xffff;
	v13 =	vor.u32 $0x280, v4  }
0xd0: {  	s14 =	sadd.s32 s9, s3;
	v22 =	vshll.u32 v16, $0x3;
	v23 =	vshll.u32 v24, $0x3;
	v18 =	vor.u32 v15, v18;
	v25 =	vld.idx.msk [tilespmem:v5+s19+$0x0], $0xffff;
	v5 =	vmovc v12  }
0xd1: {  	s18 =	sadd.s32 $0x10, s14;
	s22 =	sadd.s32 $0x20, s14;
	s9 =	sadd.s32 $0x30, s14;
	v12 =	vand.u32 $0x7F, v16;
	v15 =	vand.u32 $0xFFFFFC00, v22;
	v16 =	vand.u32 $0xFFFFFC00, v23;
	v19 =	vld.idx.msk [tilespmem:v19+s19+$0x0], $0xffff  }
0xd2: {  	s20 =	sor.u32 $0x200, s18;
	s10 =	sor.u32 $0x200, s9;
	v12 =	vor.u32 v12, v15;
	v15 =	vand.u32 $0x7F, v24;
	v23 =	vor.u32 $0x280, v2;
	v22 =	vld.idx.msk [tilespmem:v3+s19+$0x0], $0xffff;
	[tilespmem:s16+$0x180] =	vst v14;
	s16 =	sor.u32 $0x200, s22  }
0xd3: {  	s11 =	sor.u32 $0x200, s14;
	s13 =	sor.u32 $0x280, s18;
	s12 =	sor.u32 $0x280, s22;
	v24 =	vor.u32 $0x80, v12;
	v26 =	vor.u32 $0x100, v12;
	v16 =	vor.u32 v15, v16;
	v27 =	vld.idx.msk [tilespmem:v11+s19+$0x0], $0xffff;
	[tilespmem:s10+$0x10200] =	vst v17  }
0xd4: {  	s24 =	sor.u32 $0x300, s22;
	v15 =	vor.u32 $0x180, v12;
	v17 =	vor.u32 $0x80, v16;
	v28 =	vor.u32 $0x100, v16;
	s10 =	sor.u32 $0x300, s18;
	[tilespmem:s11+$0x10200] =	vst v20;
	s11 =	sor.u32 $0x280, s14;
	v20 =	vld.idx.msk [tilespmem:v13+s19+$0x0], $0xffff  }
0xd5: {  	s21 =	sor.u32 $0x300, s14;
	v14 =	vor.u32 $0x180, v16;
	v11 =	vor.u32 $0x200, v16;
	v13 =	vor.u32 $0x200, v12;
	v29 =	vld.idx.msk [tilespmem:v18+s19+$0x0], $0xffff;
	[tilespmem:s20+$0x10200] =	vst v21;
	s20 =	sor.u32 $0x380, s18;
	s18 =	sor.u32 $0x380, s22  }
0xd6: {  	v31 =	vor.u32 $0x300, v4;
	s14 =	sor.u32 $0x380, s14;
	v21 =	vor.u32 $0x280, v16;
	v30 =	vld.idx.msk [tilespmem:v10+s19+$0x0], $0xffff;
	v10 =	vor.u32 $0x280, v12;
	[tilespmem:s7+$0x10200] =	vst v25;
	s7 =	smov.u32 s18  }
0xd7: {  	s3 =	sadd.s32 $0x200, s3;
	v34 =	vor.u32 $0x80, v18;
	v32 =	vor.u32 $0x300, v12;
	v33 =	vor.u32 $0x300, v16;
	v25 =	vld.idx.msk [tilespmem:v12+s19+$0x0], $0xffff;
	[tilespmem:s6+$0x10200] =	vst v19;
	s6 =	smov.u32 s14  }
0xd8: {  	v35 =	vor.u32 $0x380, v12;
	s14 =	sand.u32 $0x3C00, s3;
	v19 =	vor.u32 $0x80, v3;
	v12 =	vor.u32 $0x380, v16;
	v36 =	vld.idx.msk [tilespmem:v16+s19+$0x0], $0xffff  }
0xd9: {  	s14 =	sor.u32 $0x10200, s14;
	v37 =	vld.idx.msk [tilespmem:v23+s19+$0x0], $0xffff;
	[tilespmem:s16+$0x10200] =	vst v27;
	s16 =	sor.u32 $0x280, s9  }
0xda: {  	s22 =	sor.u32 s2, s14;
	s25 =	sor.u32 s8, s14;
	s18 =	sor.u32 s23, s14;
	v16 =	vld.idx.msk [tilespmem:v9+s19+$0x0], $0xffff;
	[tilespmem:s16+$0x10200] =	vst v20;
	v9 =	vmov v21  }
0xdb: {  	s16 =	sor.u32 s26, s14;
	[tilespmem:s18+$0x0] =	vst v29;
	v20 =	vld.idx.msk [tilespmem:v31+s19+$0x0], $0xffff  }
0xdc: {  	[tilespmem:s22+$0x0] =	vst v22;
	v21 =	vld.idx.msk [tilespmem:v34+s19+$0x0], $0xffff  }
0xdd: {  	v22 =	vor.u32 $0x380, v4;
	v4 =	vmov v18;
	v19 =	vld.idx.msk [tilespmem:v19+s19+$0x0], $0xffff;
	[tilespmem:s25+$0x0] =	vst v25  }
0xde: {  	v23 =	vor.u32 $0x100, v4;
	v18 =	vld.idx.msk [tilespmem:v24+s19+$0x0], $0xffff;
	[tilespmem:s16+$0x0] =	vst v36  }
0xdf: {  	v24 =	vor.u32 $0x100, v3;
	v17 =	vld.idx.msk [tilespmem:v17+s19+$0x0], $0xffff;
	[tilespmem:s13+$0x10200] =	vst v30  }
0xe0: {  	s2 =	sor.u32 $0x300, s9;
	v25 =	vld.idx.msk [tilespmem:v8+s19+$0x0], $0xffff;
	[tilespmem:s12+$0x10200] =	vst v16;
	v8 =	vmov v32  }
0xe1: {  	v16 =	vld.idx.msk [tilespmem:v7+s19+$0x0], $0xffff;
	[tilespmem:s2+$0x10200] =	vst v20;
	v7 =	vmov v33  }
0xe2: {  	v27 =	vor.u32 $0x300, v2;
	[tilespmem:s18+$0x80] =	vst v21;
	v29 =	vld.idx.msk [tilespmem:v22+s19+$0x0], $0xffff  }
0xe3: {  	[tilespmem:s22+$0x80] =	vst v19;
	v21 =	vld.idx.msk [tilespmem:v23+s19+$0x0], $0xffff  }
.Ltmp2:
0xe4: {  	v19 =	vld.idx.msk [tilespmem:v24+s19+$0x0], $0xffff;
	[tilespmem:s25+$0x80] =	vst v18;
	(pc) =	sbr.rel @p2 .LBB2_3-.Ltmp2, $4  }
0xe5: {  	v24 =	vor.u32 $0x180, v4;
	v20 =	vld.idx.msk [tilespmem:v26+s19+$0x0], $0xffff;
	[tilespmem:s16+$0x80] =	vst v17  }
0xe6: {  	v23 =	vor.u32 $0x180, v3;
	v22 =	vld.idx.msk [tilespmem:v28+s19+$0x0], $0xffff;
	[tilespmem:s11+$0x10200] =	vst v37  }
0xe7: {  	s2 =	sor.u32 $0x380, s9;
	v17 =	vld.idx.msk [tilespmem:v27+s19+$0x0], $0xffff;
	[tilespmem:s10+$0x10200] =	vst v25  }
0xe8: {  	s17 =	sadd.s32 $0x40, s17;
	v18 =	vld.idx.msk [tilespmem:v6+s19+$0x0], $0xffff;
	[tilespmem:s2+$0x10200] =	vst v29;
	v6 =	vmov v35  }
0xe9: {  	_ =	sdelay $0x2  }
0xea: {  	[tilespmem:s18+$0x100] =	vst v21  }
0xeb: {  	[tilespmem:s22+$0x100] =	vst v19;
	v21 =	vld.idx.msk [tilespmem:v24+s19+$0x0], $0xffff  }
0xec: {  	v54 =	vor.u32 $0x200, v4;
	[tilespmem:s25+$0x100] =	vst v20;
	v19 =	vld.idx.msk [tilespmem:v23+s19+$0x0], $0xffff  }
0xed: {  	v55 =	vor.u32 $0x200, v3;
	v15 =	vld.idx.msk [tilespmem:v15+s19+$0x0], $0xffff;
	[tilespmem:s16+$0x100] =	vst v22  }
0xee: {  	v14 =	vld.idx.msk [tilespmem:v14+s19+$0x0], $0xffff;
	_ =	sdelay $0x1  }
0xef: {  	p1 =	por !p1, !p1;
	s0 =	simm.s32 $0x1;
	[tilespmem:s18+$0x180] =	vst v21  }
0xf0: {  	s0 =	simm.s32 @!p1 $0x0;
	[tilespmem:s22+$0x180] =	vst v19;
	v20 =	vld.idx.msk [tilespmem:v54+s19+$0x0], $0xffff  }
0xf1: {  	v56 =	vor.u32 $0x280, v4;
	s0 =	sshll.u32 s0, $0x6;
	[tilespmem:s25+$0x180] =	vst v15;
	v57 =	vld.idx.msk [tilespmem:v55+s19+$0x0], $0xffff  }
0xf2: {  	v58 =	vor.u32 $0x280, v3;
	s0 =	sadd.s32 s0, s3;
	v13 =	vld.idx.msk [tilespmem:v13+s19+$0x0], $0xffff;
	[tilespmem:s16+$0x180] =	vst v14  }
0xf3: {  	s2 =	sadd.s32 $0x30, s0;
	v11 =	vld.idx.msk [tilespmem:v11+s19+$0x0], $0xffff  }
0xf4: {  	s8 =	sor.u32 $0x200, s2  }
0xf5: {  	s3 =	sadd.s32 $0x10, s0;
	s14 =	sor.u32 $0x200, s0;
	[tilespmem:s8+$0x10200] =	vst v20  }
0xf6: {  	s9 =	sadd.s32 $0x20, s0;
	s10 =	sor.u32 $0x200, s3;
	[tilespmem:s14+$0x10200] =	vst v57;
	v15 =	vld.idx.msk [tilespmem:v56+s19+$0x0], $0xffff  }
0xf7: {  	v59 =	vor.u32 $0x300, v4;
	s13 =	sor.u32 $0x200, s9;
	[tilespmem:s10+$0x10200] =	vst v13;
	v60 =	vld.idx.msk [tilespmem:v58+s19+$0x0], $0xffff  }
0xf8: {  	v61 =	vor.u32 $0x300, v3;
	v10 =	vld.idx.msk [tilespmem:v10+s19+$0x0], $0xffff;
	[tilespmem:s13+$0x10200] =	vst v11  }
0xf9: {  	v9 =	vld.idx.msk [tilespmem:v9+s19+$0x0], $0xffff  }
0xfa: {  	[tilespmem:s24+$0x10200] =	vst v16;
	s15 =	sor.u32 $0x280, s2  }
0xfb: {  	s18 =	sor.u32 $0x280, s0;
	[tilespmem:s15+$0x10200] =	vst v15  }
0xfc: {  	v2 =	vor.u32 $0x380, v2;
	s16 =	sor.u32 $0x280, s3;
	[tilespmem:s18+$0x10200] =	vst v60;
	v13 =	vld.idx.msk [tilespmem:v59+s19+$0x0], $0xffff  }
0xfd: {  	v62 =	vor.u32 $0x380, v4;
	s17 =	sor.u32 $0x280, s9;
	[tilespmem:s16+$0x10200] =	vst v10;
	v63 =	vld.idx.msk [tilespmem:v61+s19+$0x0], $0xffff  }
0xfe: {  	v3 =	vor.u32 $0x380, v3;
	v8 =	vld.idx.msk [tilespmem:v8+s19+$0x0], $0xffff;
	[tilespmem:s17+$0x10200] =	vst v9  }
0xff: {  	[tilespmem:s21+$0x10200] =	vst v17;
	v7 =	vld.idx.msk [tilespmem:v7+s19+$0x0], $0xffff  }
0x100: {  	v5 =	vld.idx.msk [tilespmem:v5+s19+$0x0], $0xffff;
	[tilespmem:s20+$0x10200] =	vst v18;
	s22 =	sor.u32 $0x300, s2  }
0x101: {  	v2 =	vld.idx.msk [tilespmem:v2+s19+$0x0], $0xffff;
	s25 =	sor.u32 $0x300, s0;
	[tilespmem:s22+$0x10200] =	vst v13  }
0x102: {  	s23 =	sor.u32 $0x300, s3;
	[tilespmem:s25+$0x10200] =	vst v63;
	v4 =	vld.idx.msk [tilespmem:v62+s19+$0x0], $0xffff  }
0x103: {  	s24 =	sor.u32 $0x300, s9;
	[tilespmem:s23+$0x10200] =	vst v8;
	v3 =	vld.idx.msk [tilespmem:v3+s19+$0x0], $0xffff  }
0x104: {  	v6 =	vld.idx.msk [tilespmem:v6+s19+$0x0], $0xffff;
	[tilespmem:s24+$0x10200] =	vst v7  }
0x105: {  	[tilespmem:s7+$0x10200] =	vst v5;
	v7 =	vld.idx.msk [tilespmem:v12+s19+$0x0], $0xffff  }
0x106: {  	s2 =	sor.u32 $0x380, s2;
	[tilespmem:s6+$0x10200] =	vst v2  }
0x107: {  	s0 =	sor.u32 $0x380, s0;
	[tilespmem:s2+$0x10200] =	vst v4  }
0x108: {  	p1 =	sne.s32 s4, $0xF;
	s3 =	sor.u32 $0x380, s3;
	[tilespmem:s0+$0x10200] =	vst v3  }
.Ltmp3:
0x109: {  	s26 =	sor.u32 $0x380, s9;
	[tilespmem:s3+$0x10200] =	vst v6;
	(pc) =	sbr.rel @p1 .LBB2_6-.Ltmp3, $4  }
0x10a: {  	[tilespmem:s26+$0x10200] =	vst v7  }
0x10b: {  	s29 =	sshll.u32 s4, $0xD;
	s0 =	rddreg [dreg:$0xd]  }
0x10c: {  	s31 =	simm.s32 $0x10200;
	s0 =	sadd.s32 s29, s0  }
0x10d: {  	[hbm4b:s0+s5] =	stream.linear.scatter [tilespmem:s31], [sflag:$0x5], $0x4000, $0x38;
	[tilespmem:$0x18A00] =	vst v63  }
.Ltmp4:
0x10e: {  	(pc) =	sbr.rel .LBB2_7-.Ltmp4, $4  }
0x10f: {  	s0 =	simm.s32 $0x2  }
0x110: {  	_ =	swait.ge [sflag:s0], $0x4000  }
0x111: {  	[sflag:s0] =	ssyncset.done $0x0  }
0x112: {  	[sflag:s0] =	ssyncadd.s32 $0xFFFFC000  }
.LBB2_6:
0x113: {  	s0 =	sshll.u32 s4, $0x5  }
0x114: {  	s0 =	sand.u32 $0x3FFFFFE0, s0  }
0x115: {  	v2 =	vld.msk [tilespmem:s0+$0x20], $0xff;
	_ =	sdelay $0x4  }
0x116: {  	v3 =	vshll.u32 v2, $0x4  }
0x117: {  	v2 =	vand.u32 $0x7, v2;
	v3 =	vand.u32 $0xFFFFFF80, v3  }
0x118: {  	v2 =	vor.u32 v2, v3  }
0x119: {  	v2 =	vperm.xlane v2, v0;
	_ =	sdelay $0x1  }
0x11a: {  	v2 =	vadd.s32 v1, v2;
	_ =	sdelay $0x2  }
0x11b: {  	s13 =	rddreg [dreg:$0x0]  }
0x11c: {  	s14 =	rddreg [dreg:$0x6]  }
0x11d: {  	[tilespmem:s19], [sflag:$0x1] =	stream.indirect_vreg.gather [hbm4b:s13+s5], $0x80, v2, vm0, $0xb8;
	[tilespmem:$0x18A00] =	vst v63  }
0x11e: {  	s2 =	simm.s32 $0xA00;
	s15 =	rddreg [dreg:$0x7]  }
0x11f: {  	[tilespmem:s2], [sflag:$0x1] =	stream.indirect_vreg.gather [hbm4b:s14+s5], $0x80, v2, vm0, $0xb8;
	[tilespmem:$0x18A00] =	vst v63  }
0x120: {  	s16 =	simm.s32 $0x1200;
	s17 =	rddreg [dreg:$0x8]  }
0x121: {  	[tilespmem:s16], [sflag:$0x1] =	stream.indirect_vreg.gather [hbm4b:s15+s5], $0x80, v2, vm0, $0xb8;
	[tilespmem:$0x18A00] =	vst v63  }
0x122: {  	s18 =	simm.s32 $0x1A00;
	s20 =	rddreg [dreg:$0x9]  }
0x123: {  	[tilespmem:s18], [sflag:$0x1] =	stream.indirect_vreg.gather [hbm4b:s17+s5], $0x80, v2, vm0, $0xb8;
	[tilespmem:$0x18A00] =	vst v63  }
0x124: {  	s21 =	simm.s32 $0x2200;
	s22 =	rddreg [dreg:$0xa]  }
0x125: {  	[tilespmem:s21], [sflag:$0x1] =	stream.indirect_vreg.gather [hbm4b:s20+s5], $0x80, v2, vm0, $0xb8;
	[tilespmem:$0x18A00] =	vst v63  }
0x126: {  	s23 =	simm.s32 $0x2A00;
	s24 =	rddreg [dreg:$0xb]  }
0x127: {  	[tilespmem:s23], [sflag:$0x1] =	stream.indirect_vreg.gather [hbm4b:s22+s5], $0x80, v2, vm0, $0xb8;
	[tilespmem:$0x18A00] =	vst v63  }
0x128: {  	s25 =	simm.s32 $0x3200;
	s26 =	rddreg [dreg:$0xc]  }
0x129: {  	[tilespmem:s25], [sflag:$0x1] =	stream.indirect_vreg.gather [hbm4b:s24+s5], $0x80, v2, vm0, $0xb8;
	[tilespmem:$0x18A00] =	vst v63  }
.Ltmp5:
0x12a: {  	s29 =	simm.s32 $0x3A00;
	s31 =	simm.s32 $0x2;
	(pc) =	sbr.rel @p0 .LBB2_8-.Ltmp5, $4  }
0x12b: {  	[tilespmem:s29], [sflag:$0x1] =	stream.indirect_vreg.gather [hbm4b:s26+s5], $0x80, v2, vm0, $0xb8;
	[tilespmem:$0x18A00] =	vst v63  }
0x12c: {  	_ =	swait.ge [sflag:s31], $0x4000  }
0x12d: {  	[sflag:s31] =	ssyncset.done $0x0  }
0x12e: {  	[sflag:s31] =	ssyncadd.s32 $0xFFFFC000  }
.LBB2_7:
0x12f: {  	s0 =	simm.s32 $0x6  }
0x130: {  	_ =	swait.ge [sflag:s0], $0x4000  }
0x131: {  	[sflag:s0] =	ssyncset.done $0x0  }
0x132: {  	[sflag:s0] =	ssyncadd.s32 $0xFFFFC000  }
.LBB2_8:
0x133: {  	s0 =	simm.s32 $0x0  }
0x134: {  	s22 =	sand.u32 $0x40, s0;
	s2 =	sand.u32 $0x780, s0  }
0x135: {  	s2 =	sadd.s32 $0x18200, s2;
	s25 =	sor.u32 $0x30, s22  }
0x136: {  	s3 =	sor.u32 s25, s2  }
0x137: {  	s6 =	simm.s32 $0x18200;
	v2 =	vld [tilespmem:s3+$0x0]  }
0x138: {  	v3 =	vld [tilespmem:s6+$0x0];
	s3 =	sor.u32 $0x10, s22  }
0x139: {  	s17 =	sor.u32 $0x20, s22;
	s21 =	sor.u32 s3, s2  }
0x13a: {  	s2 =	sor.u32 s17, s2;
	v4 =	vld [tilespmem:s21+$0x0]  }
0x13b: {  	v5 =	vld [tilespmem:s2+$0x0]  }
0x13c: {  	v6 =	vshll.u32 v2, $0x3  }
0x13d: {  	v7 =	vshll.u32 v3, $0x3;
	v2 =	vand.u32 $0x7F, v2;
	v6 =	vand.u32 $0xFFFFFC00, v6  }
0x13e: {  	v3 =	vand.u32 $0x7F, v3;
	v8 =	vand.u32 $0xFFFFFC00, v7;
	v7 =	vor.u32 v2, v6  }
0x13f: {  	v2 =	vor.u32 v3, v8;
	v3 =	vshll.u32 v4, $0x3  }
0x140: {  	v6 =	vshll.u32 v5, $0x3;
	v4 =	vand.u32 $0x7F, v4;
	v3 =	vand.u32 $0xFFFFFC00, v3  }
0x141: {  	v8 =	vand.u32 $0xFFFFFC00, v6;
	v6 =	vor.u32 v4, v3;
	v3 =	vand.u32 $0x7F, v5  }
0x142: {  	v5 =	vor.u32 v3, v8  }
0x143: {  	v3 =	vld.idx.msk [tilespmem:v7+s28+$0x0], $0xffff  }
0x144: {  	v8 =	vor.u32 $0x80, v7;
	v4 =	vld.idx.msk [tilespmem:v2+s28+$0x0], $0xffff  }
0x145: {  	s26 =	sand.u32 $0x3C00, s0;
	v9 =	vor.u32 $0x80, v2  }
0x146: {  	s0 =	sor.u32 $0x14200, s26;
	v10 =	vld.idx.msk [tilespmem:v6+s28+$0x0], $0xffff  }
0x147: {  	s23 =	sor.u32 s25, s0;
	v11 =	vor.u32 $0x80, v6;
	v12 =	vld.idx.msk [tilespmem:v5+s28+$0x0], $0xffff  }
0x148: {  	s24 =	sor.u32 s22, s0;
	v13 =	vor.u32 $0x80, v5;
	[tilespmem:s23+$0x0] =	vst v3  }
0x149: {  	[tilespmem:s24+$0x0] =	vst v4;
	v3 =	vld.idx.msk [tilespmem:v8+s28+$0x0], $0xffff  }
0x14a: {  	s7 =	sor.u32 s3, s0;
	v4 =	vld.idx.msk [tilespmem:v9+s28+$0x0], $0xffff;
	v8 =	vor.u32 $0x100, v7  }
0x14b: {  	s0 =	sor.u32 s17, s0;
	v9 =	vor.u32 $0x100, v2;
	[tilespmem:s7+$0x0] =	vst v10  }
0x14c: {  	s8 =	sor.u32 $0x14280, s26;
	v10 =	vld.idx.msk [tilespmem:v11+s28+$0x0], $0xffff;
	[tilespmem:s0+$0x0] =	vst v12  }
0x14d: {  	s9 =	sor.u32 s25, s8;
	v11 =	vor.u32 $0x100, v6;
	v12 =	vld.idx.msk [tilespmem:v13+s28+$0x0], $0xffff  }
0x14e: {  	s10 =	sor.u32 s22, s8;
	v13 =	vor.u32 $0x100, v5;
	[tilespmem:s9+$0x0] =	vst v3  }
0x14f: {  	[tilespmem:s10+$0x0] =	vst v4;
	v3 =	vld.idx.msk [tilespmem:v8+s28+$0x0], $0xffff  }
0x150: {  	s11 =	sor.u32 s3, s8;
	v4 =	vld.idx.msk [tilespmem:v9+s28+$0x0], $0xffff;
	v8 =	vor.u32 $0x180, v7  }
0x151: {  	s0 =	sor.u32 s17, s8;
	v9 =	vor.u32 $0x180, v2;
	[tilespmem:s11+$0x0] =	vst v10  }
0x152: {  	s12 =	sor.u32 $0x14300, s26;
	v10 =	vld.idx.msk [tilespmem:v11+s28+$0x0], $0xffff;
	[tilespmem:s0+$0x0] =	vst v12  }
0x153: {  	s13 =	simm.s32 $0x18240;
	s6 =	simm.s32 $0x40;
	s7 =	sor.u32 s25, s12;
	v11 =	vor.u32 $0x180, v6;
	v12 =	vld.idx.msk [tilespmem:v13+s28+$0x0], $0xffff  }
0x154: {  	s29 =	sand.u32 $0x40, s6;
	s14 =	sand.u32 $0x780, s6;
	s8 =	sor.u32 s22, s12;
	v13 =	vld [tilespmem:s13+$0x0];
	[tilespmem:s7+$0x0] =	vst v3  }
0x155: {  	s15 =	sadd.s32 $0x18200, s14;
	s0 =	sor.u32 $0x30, s29;
	[tilespmem:s8+$0x0] =	vst v4;
	v3 =	vld.idx.msk [tilespmem:v8+s28+$0x0], $0xffff  }
0x156: {  	s16 =	sor.u32 s3, s12;
	s9 =	sor.u32 s0, s15;
	v4 =	vor.u32 $0x180, v5;
	v8 =	vld.idx.msk [tilespmem:v9+s28+$0x0], $0xffff  }
0x157: {  	s7 =	sor.u32 $0x10, s29;
	v9 =	vor.u32 $0x200, v7;
	[tilespmem:s16+$0x0] =	vst v10;
	v10 =	vld [tilespmem:s9+$0x0]  }
0x158: {  	s18 =	sor.u32 s7, s15;
	s16 =	sor.u32 $0x20, s29;
	v11 =	vld.idx.msk [tilespmem:v11+s28+$0x0], $0xffff  }
0x159: {  	s20 =	sor.u32 $0x14380, s26;
	s2 =	sor.u32 s17, s12;
	v14 =	vor.u32 $0x200, v6;
	v15 =	vld [tilespmem:s18+$0x0];
	s8 =	sor.u32 s16, s15;
	v16 =	vshll.u32 v13, $0x3  }
0x15a: {  	s21 =	sor.u32 s25, s20;
	[tilespmem:s2+$0x0] =	vst v12;
	v12 =	vor.u32 $0x200, v2;
	v13 =	vand.u32 $0x7F, v13;
	v17 =	vld [tilespmem:s8+$0x0];
	v16 =	vand.u32 $0xFFFFFC00, v16  }
0x15b: {  	v18 =	vld.idx.msk [tilespmem:v4+s28+$0x0], $0xffff;
	[tilespmem:s21+$0x0] =	vst v3;
	v3 =	vor.u32 v13, v16  }
0x15c: {  	s23 =	sor.u32 s3, s20;
	v13 =	vor.u32 $0x200, v5;
	v9 =	vld.idx.msk [tilespmem:v9+s28+$0x0], $0xffff;
	v4 =	vshll.u32 v10, $0x3  }
0x15d: {  	s24 =	sor.u32 s22, s20;
	v10 =	vand.u32 $0x7F, v10;
	[tilespmem:s23+$0x0] =	vst v11;
	v4 =	vand.u32 $0xFFFFFC00, v4;
	v11 =	vor.u32 $0x280, v7  }
0x15e: {  	v16 =	vor.u32 $0x280, v6;
	[tilespmem:s24+$0x0] =	vst v8;
	v8 =	vld.idx.msk [tilespmem:v14+s28+$0x0], $0xffff;
	v14 =	vshll.u32 v15, $0x3;
	v4 =	vor.u32 v10, v4  }
0x15f: {  	s9 =	sadd.s32 $0x14400, s26;
	s8 =	sor.u32 s17, s20;
	v10 =	vld.idx.msk [tilespmem:v12+s28+$0x0], $0xffff;
	v12 =	vshll.u32 v17, $0x3;
	v15 =	vand.u32 $0x7F, v15;
	v14 =	vand.u32 $0xFFFFFC00, v14  }
0x160: {  	s10 =	sor.u32 s25, s9;
	v12 =	vand.u32 $0xFFFFFC00, v12;
	[tilespmem:s8+$0x0] =	vst v18;
	v19 =	vld.idx.msk [tilespmem:v3+s28+$0x0], $0xffff;
	v23 =	vor.u32 v15, v14;
	v14 =	vand.u32 $0x7F, v17  }
0x161: {  	v13 =	vld.idx.msk [tilespmem:v13+s28+$0x0], $0xffff;
	v12 =	vor.u32 v14, v12;
	[tilespmem:s10+$0x0] =	vst v9  }
0x162: {  	s11 =	sor.u32 s3, s9;
	v9 =	vor.u32 $0x280, v2;
	v11 =	vld.idx.msk [tilespmem:v11+s28+$0x0], $0xffff  }
0x163: {  	s12 =	sor.u32 s22, s9;
	s21 =	simm.s32 $0x200;
	v14 =	vor.u32 $0x280, v5;
	v15 =	vld.idx.msk [tilespmem:v4+s28+$0x0], $0xffff;
	[tilespmem:s11+$0x0] =	vst v8  }
0x164: {  	s15 =	sand.u32 $0x3C00, s21;
	[tilespmem:s12+$0x0] =	vst v10;
	v10 =	vor.u32 $0x80, v3;
	v8 =	vld.idx.msk [tilespmem:v16+s28+$0x0], $0xffff  }
0x165: {  	s13 =	sor.u32 $0x14200, s15;
	s8 =	sor.u32 s17, s9;
	v16 =	vor.u32 $0x300, v7;
	v17 =	vld.idx.msk [tilespmem:v23+s28+$0x0], $0xffff  }
0x166: {  	s2 =	sadd.s32 $0x14480, s26;
	s18 =	sor.u32 s29, s13;
	v18 =	vor.u32 $0x80, v4;
	[tilespmem:s8+$0x0] =	vst v13;
	v20 =	vld.idx.msk [tilespmem:v12+s28+$0x0], $0xffff  }
0x167: {  	s14 =	sor.u32 s25, s2;
	v21 =	vor.u32 $0x80, v23;
	[tilespmem:s18+$0x0] =	vst v19;
	v24 =	vld.idx.msk [tilespmem:v9+s28+$0x0], $0xffff  }
0x168: {  	s10 =	sor.u32 s0, s13;
	v9 =	vor.u32 $0x80, v12;
	v13 =	vld.idx.msk [tilespmem:v14+s28+$0x0], $0xffff;
	[tilespmem:s14+$0x0] =	vst v11  }
0x169: {  	s24 =	sor.u32 s3, s2;
	v11 =	vor.u32 $0x300, v6;
	[tilespmem:s10+$0x0] =	vst v15;
	v10 =	vld.idx.msk [tilespmem:v10+s28+$0x0], $0xffff  }
0x16a: {  	s20 =	sor.u32 s7, s13;
	v15 =	vor.u32 $0x300, v5;
	v14 =	vld.idx.msk [tilespmem:v16+s28+$0x0], $0xffff;
	[tilespmem:s24+$0x0] =	vst v8  }
0x16b: {  	s23 =	sor.u32 s16, s13;
	v7 =	vor.u32 $0x380, v7;
	v18 =	vld.idx.msk [tilespmem:v18+s28+$0x0], $0xffff;
	[tilespmem:s20+$0x0] =	vst v17  }
0x16c: {  	s11 =	sor.u32 s17, s2;
	v19 =	vor.u32 $0x100, v4;
	v17 =	vld.idx.msk [tilespmem:v21+s28+$0x0], $0xffff;
	[tilespmem:s23+$0x0] =	vst v20  }
0x16d: {  	s2 =	sor.u32 s22, s2;
	s10 =	sadd.s32 $0x14500, s26;
	v21 =	vor.u32 $0x100, v3;
	[tilespmem:s11+$0x0] =	vst v13;
	v9 =	vld.idx.msk [tilespmem:v9+s28+$0x0], $0xffff  }
0x16e: {  	s12 =	sor.u32 $0x14280, s15;
	v8 =	vor.u32 $0x100, v23;
	s13 =	sor.u32 s25, s10;
	[tilespmem:s2+$0x0] =	vst v24;
	v25 =	vld.idx.msk [tilespmem:v11+s28+$0x0], $0xffff  }
0x16f: {  	v22 =	vor.u32 $0x100, v12;
	s11 =	sor.u32 s0, s12;
	v16 =	vld.idx.msk [tilespmem:v15+s28+$0x0], $0xffff;
	[tilespmem:s13+$0x0] =	vst v14  }
0x170: {  	s14 =	sor.u32 s29, s12;
	[tilespmem:s11+$0x0] =	vst v18;
	v18 =	vor.u32 $0x300, v2;
	v26 =	vld.idx.msk [tilespmem:v7+s28+$0x0], $0xffff  }
0x171: {  	v27 =	vor.u32 $0x380, v6;
	s18 =	sor.u32 s7, s12;
	[tilespmem:s14+$0x0] =	vst v10;
	v20 =	vld.idx.msk [tilespmem:v19+s28+$0x0], $0xffff  }
0x172: {  	v6 =	vor.u32 $0x380, v23;
	s20 =	sor.u32 s16, s12;
	v19 =	vld.idx.msk [tilespmem:v21+s28+$0x0], $0xffff;
	[tilespmem:s18+$0x0] =	vst v17  }
0x173: {  	s9 =	sor.u32 $0x14300, s15;
	s26 =	sadd.s32 $0x14580, s26;
	s24 =	simm.s32 $0x4;
	v13 =	vor.u32 $0x200, v23;
	v24 =	vor.u32 $0x180, v4;
	v15 =	vor.u32 $0x180, v23;
	v21 =	vld.idx.msk [tilespmem:v8+s28+$0x0], $0xffff;
	[tilespmem:s20+$0x0] =	vst v9  }
0x174: {  	s31 =	sor.u32 s22, s10;
	s8 =	sor.u32 s17, s10;
	s23 =	sor.u32 s3, s10;
	v10 =	vor.u32 $0x280, v23;
	v8 =	vor.u32 $0x300, v23;
	v23 =	vor.u32 $0x180, v3;
	v22 =	vld.idx.msk [tilespmem:v22+s28+$0x0], $0xffff  }
0x175: {  	v5 =	vor.u32 $0x380, v5;
	s22 =	sor.u32 s22, s26;
	s12 =	sor.u32 s25, s26;
	s10 =	sor.u32 s29, s9;
	v11 =	vor.u32 $0x200, v12;
	v14 =	vor.u32 $0x180, v12;
	[tilespmem:s23+$0x0] =	vst v25;
	v17 =	vld.idx.msk [tilespmem:v18+s28+$0x0], $0xffff  }
0x176: {  	s2 =	sor.u32 s7, s9;
	s11 =	sor.u32 s0, s9;
	v7 =	vor.u32 $0x300, v12;
	v9 =	vor.u32 $0x280, v12;
	s20 =	simm.s32 $0x18280;
	v12 =	vor.u32 $0x380, v12;
	v18 =	vld.idx.msk [tilespmem:v27+s28+$0x0], $0xffff;
	[tilespmem:s12+$0x0] =	vst v26  }
.LBB2_9:
0x177: {  	v25 =	vld [tilespmem:s20+$0x0];
	s9 =	sor.u32 s16, s9;
	[tilespmem:s11+$0x0] =	vst v20;
	s6 =	sadd.s32 $0x40, s6;
	s3 =	sor.u32 s3, s26  }
0x178: {  	s24 =	sadd.s32 $0x4, s24;
	s11 =	sand.u32 $0x40, s6;
	s12 =	sand.u32 $0x780, s6;
	[tilespmem:s10+$0x0] =	vst v19;
	v19 =	vld.idx.msk [tilespmem:v24+s28+$0x0], $0xffff  }
0x179: {  	p0 =	slt.u32 s24, $0x7C;
	s10 =	sadd.s32 $0x18200, s12;
	s12 =	sor.u32 $0x30, s11;
	v20 =	vld.idx.msk [tilespmem:v23+s28+$0x0], $0xffff;
	[tilespmem:s2+$0x0] =	vst v21  }
0x17a: {  	s13 =	sor.u32 $0x10, s11;
	s14 =	sor.u32 $0x20, s11;
	v21 =	vor.u32 $0x200, v4;
	s2 =	sor.u32 s12, s10;
	v15 =	vld.idx.msk [tilespmem:v15+s28+$0x0], $0xffff;
	[tilespmem:s9+$0x0] =	vst v22  }
0x17b: {  	v23 =	vor.u32 $0x200, v3;
	s9 =	sor.u32 s13, s10;
	s10 =	sor.u32 s14, s10;
	v22 =	vld [tilespmem:s2+$0x0];
	[tilespmem:s8+$0x0] =	vst v16;
	s8 =	sor.u32 s17, s26  }
0x17c: {  	s18 =	smov.u32 s29;
	s29 =	smov.u32 s11;
	s2 =	sor.u32 $0x14380, s15;
	v16 =	vld [tilespmem:s9+$0x0];
	[tilespmem:s31+$0x0] =	vst v17  }
0x17d: {  	v17 =	vshll.u32 v25, $0x3;
	s9 =	sor.u32 s18, s2;
	s11 =	sor.u32 s0, s2;
	v24 =	vld [tilespmem:s10+$0x0];
	s10 =	sor.u32 s7, s2;
	[tilespmem:s3+$0x0] =	vst v18  }
0x17e: {  	s23 =	sor.u32 s16, s2;
	v18 =	vand.u32 $0x7F, v25;
	v17 =	vand.u32 $0xFFFFFC00, v17;
	s2 =	smov.u32 s0;
	s0 =	smov.u32 s12;
	v14 =	vld.idx.msk [tilespmem:v14+s28+$0x0], $0xffff;
	[tilespmem:s11+$0x0] =	vst v19;
	v19 =	vor.u32 $0x380, v2;
	v2 =	vmovc v3  }
0x17f: {  	s17 =	smov.u32 s16;
	s3 =	smov.u32 s7;
	s7 =	smov.u32 s13;
	v3 =	vor.u32 v18, v17;
	[tilespmem:s9+$0x0] =	vst v20;
	v17 =	vld.idx.msk [tilespmem:v21+s28+$0x0], $0xffff  }
0x180: {  	s16 =	smov.u32 s14;
	v18 =	vshll.u32 v22, $0x3;
	v20 =	vld.idx.msk [tilespmem:v23+s28+$0x0], $0xffff;
	[tilespmem:s10+$0x0] =	vst v15  }
0x181: {  	v15 =	vand.u32 $0x7F, v22;
	v18 =	vand.u32 $0xFFFFFC00, v18;
	v21 =	vld.idx.msk [tilespmem:v13+s28+$0x0], $0xffff;
	v13 =	vor.u32 $0x280, v4  }
0x182: {  	v22 =	vshll.u32 v16, $0x3;
	v23 =	vshll.u32 v24, $0x3;
	v18 =	vor.u32 v15, v18;
	v25 =	vld.idx.msk [tilespmem:v5+s28+$0x0], $0xffff;
	v5 =	vmovc v12  }
0x183: {  	s9 =	sadd.s32 $0x14400, s15;
	v12 =	vand.u32 $0x7F, v16;
	v15 =	vand.u32 $0xFFFFFC00, v22;
	v16 =	vand.u32 $0xFFFFFC00, v23;
	v19 =	vld.idx.msk [tilespmem:v19+s28+$0x0], $0xffff  }
0x184: {  	s10 =	sor.u32 s18, s9;
	s11 =	sor.u32 s3, s9;
	s12 =	sor.u32 s2, s9;
	v12 =	vor.u32 v12, v15;
	v15 =	vand.u32 $0x7F, v24;
	v23 =	vor.u32 $0x280, v2;
	v22 =	vld.idx.msk [tilespmem:v3+s28+$0x0], $0xffff;
	[tilespmem:s23+$0x0] =	vst v14  }
0x185: {  	s13 =	sor.u32 s17, s9;
	v24 =	vor.u32 $0x80, v12;
	v26 =	vor.u32 $0x100, v12;
	v16 =	vor.u32 v15, v16;
	v27 =	vld.idx.msk [tilespmem:v11+s28+$0x0], $0xffff;
	[tilespmem:s12+$0x0] =	vst v17  }
0x186: {  	v15 =	vor.u32 $0x180, v12;
	v17 =	vor.u32 $0x80, v16;
	v28 =	vor.u32 $0x100, v16;
	[tilespmem:s10+$0x0] =	vst v20;
	v20 =	vld.idx.msk [tilespmem:v13+s28+$0x0], $0xffff  }
0x187: {  	v14 =	vor.u32 $0x180, v16;
	v11 =	vor.u32 $0x200, v16;
	v13 =	vor.u32 $0x200, v12;
	v29 =	vld.idx.msk [tilespmem:v18+s28+$0x0], $0xffff;
	[tilespmem:s11+$0x0] =	vst v21  }
0x188: {  	v31 =	vor.u32 $0x300, v4;
	v21 =	vor.u32 $0x280, v16;
	v30 =	vld.idx.msk [tilespmem:v10+s28+$0x0], $0xffff;
	v10 =	vor.u32 $0x280, v12;
	[tilespmem:s8+$0x0] =	vst v25  }
0x189: {  	s21 =	sadd.s32 $0x200, s21;
	v34 =	vor.u32 $0x80, v18;
	v32 =	vor.u32 $0x300, v12;
	v33 =	vor.u32 $0x300, v16;
	v25 =	vld.idx.msk [tilespmem:v12+s28+$0x0], $0xffff;
	[tilespmem:s22+$0x0] =	vst v19  }
0x18a: {  	s9 =	sand.u32 $0x3C00, s21;
	v35 =	vor.u32 $0x380, v12;
	s8 =	sadd.s32 $0x14480, s15;
	v19 =	vor.u32 $0x80, v3;
	v12 =	vor.u32 $0x380, v16;
	v36 =	vld.idx.msk [tilespmem:v16+s28+$0x0], $0xffff  }
0x18b: {  	s11 =	sor.u32 $0x14200, s9;
	s10 =	sor.u32 s18, s8;
	s12 =	sor.u32 s2, s8;
	v37 =	vld.idx.msk [tilespmem:v23+s28+$0x0], $0xffff;
	[tilespmem:s13+$0x0] =	vst v27  }
0x18c: {  	s14 =	sor.u32 s7, s11;
	s22 =	sor.u32 s0, s11;
	s13 =	sor.u32 s29, s11;
	v16 =	vld.idx.msk [tilespmem:v9+s28+$0x0], $0xffff;
	[tilespmem:s12+$0x0] =	vst v20;
	v9 =	vmov v21  }
0x18d: {  	s11 =	sor.u32 s16, s11;
	s12 =	sor.u32 s3, s8;
	s8 =	sor.u32 s17, s8;
	[tilespmem:s22+$0x0] =	vst v29;
	v20 =	vld.idx.msk [tilespmem:v31+s28+$0x0], $0xffff  }
0x18e: {  	[tilespmem:s13+$0x0] =	vst v22;
	v21 =	vld.idx.msk [tilespmem:v34+s28+$0x0], $0xffff  }
0x18f: {  	v22 =	vor.u32 $0x380, v4;
	v4 =	vmov v18;
	v19 =	vld.idx.msk [tilespmem:v19+s28+$0x0], $0xffff;
	[tilespmem:s14+$0x0] =	vst v25  }
0x190: {  	v23 =	vor.u32 $0x100, v4;
	v18 =	vld.idx.msk [tilespmem:v24+s28+$0x0], $0xffff;
	[tilespmem:s11+$0x0] =	vst v36  }
0x191: {  	v24 =	vor.u32 $0x100, v3;
	s11 =	sadd.s32 $0x14500, s15;
	v17 =	vld.idx.msk [tilespmem:v17+s28+$0x0], $0xffff;
	[tilespmem:s12+$0x0] =	vst v30  }
0x192: {  	s12 =	sor.u32 $0x14280, s9;
	s31 =	sor.u32 s18, s11;
	v25 =	vld.idx.msk [tilespmem:v8+s28+$0x0], $0xffff;
	[tilespmem:s8+$0x0] =	vst v16;
	s8 =	sor.u32 s2, s11;
	v8 =	vmov v32  }
0x193: {  	s13 =	sor.u32 s29, s12;
	s14 =	sor.u32 s7, s12;
	s22 =	sor.u32 s0, s12;
	v16 =	vld.idx.msk [tilespmem:v7+s28+$0x0], $0xffff;
	[tilespmem:s8+$0x0] =	vst v20;
	v7 =	vmov v33  }
0x194: {  	v27 =	vor.u32 $0x300, v2;
	s23 =	sor.u32 s3, s11;
	s12 =	sor.u32 s16, s12;
	s8 =	sor.u32 s17, s11;
	[tilespmem:s22+$0x0] =	vst v21;
	v29 =	vld.idx.msk [tilespmem:v22+s28+$0x0], $0xffff  }
0x195: {  	[tilespmem:s13+$0x0] =	vst v19;
	v20 =	vld.idx.msk [tilespmem:v23+s28+$0x0], $0xffff  }
.Ltmp6:
0x196: {  	v19 =	vld.idx.msk [tilespmem:v24+s28+$0x0], $0xffff;
	[tilespmem:s14+$0x0] =	vst v18;
	(pc) =	sbr.rel @p0 .LBB2_9-.Ltmp6, $4  }
0x197: {  	v24 =	vor.u32 $0x180, v4;
	v21 =	vld.idx.msk [tilespmem:v26+s28+$0x0], $0xffff;
	[tilespmem:s12+$0x0] =	vst v17  }
0x198: {  	s20 =	sadd.s32 $0x40, s20;
	s26 =	sadd.s32 $0x14580, s15;
	s15 =	smov.u32 s9;
	v23 =	vor.u32 $0x180, v3;
	v22 =	vld.idx.msk [tilespmem:v28+s28+$0x0], $0xffff;
	[tilespmem:s10+$0x0] =	vst v37  }
0x199: {  	s9 =	sor.u32 $0x14300, s15;
	s22 =	sor.u32 s18, s26;
	s12 =	sor.u32 s2, s26;
	v17 =	vld.idx.msk [tilespmem:v27+s28+$0x0], $0xffff;
	[tilespmem:s23+$0x0] =	vst v25  }
0x19a: {  	s11 =	sor.u32 s0, s9;
	s2 =	sor.u32 s7, s9;
	s10 =	sor.u32 s29, s9;
	v18 =	vld.idx.msk [tilespmem:v6+s28+$0x0], $0xffff;
	[tilespmem:s12+$0x0] =	vst v29;
	v6 =	vmov v35  }
0x19b: {  	_ =	sdelay $0x2  }
0x19c: {  	[tilespmem:s11+$0x0] =	vst v20  }
0x19d: {  	v20 =	vld.idx.msk [tilespmem:v24+s28+$0x0], $0xffff  }
0x19e: {  	[tilespmem:s2+$0x0] =	vst v21;
	v21 =	vor.u32 $0x200, v4  }
0x19f: {  	s6 =	sor.u32 s16, s9;
	v15 =	vld.idx.msk [tilespmem:v15+s28+$0x0], $0xffff  }
0x1a0: {  	s20 =	sor.u32 $0x14380, s15;
	[tilespmem:s6+$0x0] =	vst v22  }
0x1a1: {  	[tilespmem:s10+$0x0] =	vst v19;
	s21 =	sor.u32 s0, s20;
	v14 =	vld.idx.msk [tilespmem:v14+s28+$0x0], $0xffff  }
0x1a2: {  	v19 =	vld.idx.msk [tilespmem:v23+s28+$0x0], $0xffff;
	[tilespmem:s21+$0x0] =	vst v20  }
0x1a3: {  	s23 =	sor.u32 s7, s20;
	v22 =	vor.u32 $0x200, v3;
	v20 =	vld.idx.msk [tilespmem:v21+s28+$0x0], $0xffff  }
0x1a4: {  	[tilespmem:s23+$0x0] =	vst v15;
	v15 =	vor.u32 $0x280, v4  }
0x1a5: {  	s24 =	sor.u32 s16, s20;
	v13 =	vld.idx.msk [tilespmem:v13+s28+$0x0], $0xffff  }
0x1a6: {  	s25 =	sadd.s32 $0x14400, s15;
	s2 =	sor.u32 s29, s20;
	[tilespmem:s24+$0x0] =	vst v14  }
0x1a7: {  	s9 =	sor.u32 s0, s25;
	[tilespmem:s2+$0x0] =	vst v19;
	v11 =	vld.idx.msk [tilespmem:v11+s28+$0x0], $0xffff  }
0x1a8: {  	v14 =	vld.idx.msk [tilespmem:v22+s28+$0x0], $0xffff;
	[tilespmem:s9+$0x0] =	vst v20  }
0x1a9: {  	s10 =	sor.u32 s7, s25;
	v19 =	vor.u32 $0x280, v3;
	v15 =	vld.idx.msk [tilespmem:v15+s28+$0x0], $0xffff  }
0x1aa: {  	[tilespmem:s10+$0x0] =	vst v13;
	v13 =	vor.u32 $0x300, v4  }
0x1ab: {  	[tilespmem:s8+$0x0] =	vst v16;
	s11 =	sor.u32 s16, s25  }
0x1ac: {  	s12 =	sadd.s32 $0x14480, s15;
	v2 =	vor.u32 $0x380, v2;
	s2 =	sor.u32 s29, s25;
	v10 =	vld.idx.msk [tilespmem:v10+s28+$0x0], $0xffff;
	[tilespmem:s11+$0x0] =	vst v11  }
0x1ad: {  	s13 =	sor.u32 s0, s12;
	[tilespmem:s2+$0x0] =	vst v14;
	v9 =	vld.idx.msk [tilespmem:v9+s28+$0x0], $0xffff  }
0x1ae: {  	v11 =	vld.idx.msk [tilespmem:v19+s28+$0x0], $0xffff;
	[tilespmem:s13+$0x0] =	vst v15  }
0x1af: {  	s20 =	sor.u32 s3, s26;
	[tilespmem:s31+$0x0] =	vst v17;
	v14 =	vor.u32 $0x300, v3;
	v13 =	vld.idx.msk [tilespmem:v13+s28+$0x0], $0xffff  }
0x1b0: {  	s14 =	sor.u32 s7, s12;
	v5 =	vld.idx.msk [tilespmem:v5+s28+$0x0], $0xffff;
	[tilespmem:s20+$0x0] =	vst v18;
	v4 =	vor.u32 $0x380, v4  }
0x1b1: {  	s18 =	sor.u32 s16, s12;
	v2 =	vld.idx.msk [tilespmem:v2+s28+$0x0], $0xffff;
	[tilespmem:s14+$0x0] =	vst v10  }
0x1b2: {  	s21 =	sadd.s32 $0x14500, s15;
	s2 =	sor.u32 s29, s12;
	v8 =	vld.idx.msk [tilespmem:v8+s28+$0x0], $0xffff;
	[tilespmem:s18+$0x0] =	vst v9  }
0x1b3: {  	s23 =	sor.u32 s0, s21;
	[tilespmem:s2+$0x0] =	vst v11;
	v7 =	vld.idx.msk [tilespmem:v7+s28+$0x0], $0xffff  }
0x1b4: {  	s6 =	sor.u32 s17, s26;
	v9 =	vld.idx.msk [tilespmem:v14+s28+$0x0], $0xffff;
	[tilespmem:s23+$0x0] =	vst v13  }
0x1b5: {  	[tilespmem:s6+$0x0] =	vst v5;
	v3 =	vor.u32 $0x380, v3;
	v4 =	vld.idx.msk [tilespmem:v4+s28+$0x0], $0xffff  }
0x1b6: {  	s24 =	sor.u32 s7, s21;
	[tilespmem:s22+$0x0] =	vst v2  }
0x1b7: {  	s25 =	sor.u32 s16, s21;
	[tilespmem:s24+$0x0] =	vst v8  }
0x1b8: {  	s8 =	sadd.s32 $0x14580, s15;
	s3 =	sor.u32 s29, s21;
	v6 =	vld.idx.msk [tilespmem:v6+s28+$0x0], $0xffff;
	[tilespmem:s25+$0x0] =	vst v7  }
0x1b9: {  	s9 =	sor.u32 s0, s8;
	[tilespmem:s3+$0x0] =	vst v9;
	v7 =	vld.idx.msk [tilespmem:v12+s28+$0x0], $0xffff  }
0x1ba: {  	v3 =	vld.idx.msk [tilespmem:v3+s28+$0x0], $0xffff;
	[tilespmem:s9+$0x0] =	vst v4  }
0x1bb: {  	s10 =	sshll.u32 s4, $0x5;
	s3 =	rddreg [dreg:$0x4]  }
0x1bc: {  	s11 =	sor.u32 s7, s8;
	[dreg:$0x10] =	wrdreg s10;
	s3 =	sadd.s32 s10, s3  }
0x1bd: {  	s12 =	sor.u32 s16, s8;
	s14 =	rddreg [dreg:$0x2];
	[tilespmem:s11+$0x0] =	vst v6;
	s13 =	sshll.u32 s3, $0x8  }
0x1be: {  	s2 =	sor.u32 s29, s8;
	[tilespmem:s12+$0x0] =	vst v7;
	s29 =	sadd.s32 s14, s13  }
0x1bf: {  	p0 =	seq.s32 s4, $0xF;
	s15 =	simm.s32 $0x14200;
	[tilespmem:s2+$0x0] =	vst v3;
	s0 =	sadd.s32 $0x800, s29  }
0x1c0: {  	[hbm4b:s0+s5] =	stream.linear.scatter [tilespmem:s15], [sflag:$0x6], $0x4000, $0x38;
	[tilespmem:$0x18A00] =	vst v63  }
0x1c1: {  	s0 =	sshll.u32 @!p0 s4, $0x5  }
0x1c2: {  	s31 =	sand.u32 @!p0 $0x3FFFFFE0, s0  }
0x1c3: {  	v2 =	vld.msk @!p0 [tilespmem:s31+$0x28], $0xff;
	_ =	sdelay $0x4  }
0x1c4: {  	v3 =	vshll.u32 @!p0 v2, $0x4  }
0x1c5: {  	v4 =	vlaneseq.u32 @!p0;
	v2 =	vand.u32 @!p0 $0x7, v2;
	v3 =	vand.u32 @!p0 $0xFFFFFF80, v3  }
0x1c6: {  	v2 =	vor.u32 @!p0 v2, v3;
	v3 =	vand.u32 @!p0 $0x7, v4;
	v4 =	vshrl.u32 @!p0 v4, $0x3  }
0x1c7: {  	v2 =	vperm.xlane @!p0 v2, v3;
	v3 =	vmul.u32 @!p0 $0x8, v4;
	_ =	sdelay $0x1  }
0x1c8: {  	v2 =	vadd.s32 @!p0 v3, v2;
	_ =	sdelay $0x3  }
0x1c9: {  	vm1 =	vmmov @!p0 $0xffff;
	s2 =	simm.s32 @!p0 $0x4200;
	s3 =	rddreg [dreg:$0x0];
	s0 =	simm.s32 @!p0 $0x0  }
0x1ca: {  	[tilespmem:s2], [sflag:$0x2] =	stream.indirect_vreg.gather @!p0 [hbm4b:s3+s0], $0x80, v2, vm1, $0xb8;
	[tilespmem:$0x18A00] =	vst v63  }
0x1cb: {  	s2 =	simm.s32 @!p0 $0x4A00;
	s3 =	rddreg [dreg:$0x6]  }
0x1cc: {  	[tilespmem:s2], [sflag:$0x2] =	stream.indirect_vreg.gather @!p0 [hbm4b:s3+s0], $0x80, v2, vm1, $0xb8;
	[tilespmem:$0x18A00] =	vst v63  }
0x1cd: {  	s2 =	simm.s32 @!p0 $0x5200;
	s3 =	rddreg [dreg:$0x7]  }
0x1ce: {  	[tilespmem:s2], [sflag:$0x2] =	stream.indirect_vreg.gather @!p0 [hbm4b:s3+s0], $0x80, v2, vm1, $0xb8;
	[tilespmem:$0x18A00] =	vst v63  }
0x1cf: {  	s2 =	simm.s32 @!p0 $0x5A00;
	s3 =	rddreg [dreg:$0x8]  }
0x1d0: {  	[tilespmem:s2], [sflag:$0x2] =	stream.indirect_vreg.gather @!p0 [hbm4b:s3+s0], $0x80, v2, vm1, $0xb8;
	[tilespmem:$0x18A00] =	vst v63  }
0x1d1: {  	s2 =	simm.s32 @!p0 $0x6200;
	s3 =	rddreg [dreg:$0x9]  }
0x1d2: {  	[tilespmem:s2], [sflag:$0x2] =	stream.indirect_vreg.gather @!p0 [hbm4b:s3+s0], $0x80, v2, vm1, $0xb8;
	[tilespmem:$0x18A00] =	vst v63  }
0x1d3: {  	s2 =	simm.s32 @!p0 $0x6A00;
	s3 =	rddreg [dreg:$0xa]  }
0x1d4: {  	[tilespmem:s2], [sflag:$0x2] =	stream.indirect_vreg.gather @!p0 [hbm4b:s3+s0], $0x80, v2, vm1, $0xb8;
	[tilespmem:$0x18A00] =	vst v63  }
0x1d5: {  	s2 =	simm.s32 @!p0 $0x7200;
	s3 =	rddreg [dreg:$0xb]  }
0x1d6: {  	[tilespmem:s2], [sflag:$0x2] =	stream.indirect_vreg.gather @!p0 [hbm4b:s3+s0], $0x80, v2, vm1, $0xb8;
	[tilespmem:$0x18A00] =	vst v63  }
0x1d7: {  	s16 =	simm.s32 $0x3;
	s2 =	simm.s32 @!p0 $0x7A00;
	s3 =	rddreg [dreg:$0xc]  }
0x1d8: {  	[tilespmem:s2], [sflag:$0x2] =	stream.indirect_vreg.gather @!p0 [hbm4b:s3+s0], $0x80, v2, vm1, $0xb8;
	[tilespmem:$0x18A00] =	vst v63  }
0x1d9: {  	_ =	swait.ge [sflag:s16], $0x4000  }
0x1da: {  	[sflag:s16] =	ssyncset.done $0x0  }
0x1db: {  	s17 =	simm.s32 $0x0;
	s18 =	simm.s32 $0x5;
	[sflag:s16] =	ssyncadd.s32 $0xFFFFC000  }
0x1dc: {  	s20 =	sand.u32 $0x40, s17;
	s21 =	sand.u32 $0x780, s17;
	_ =	swait.ge [sflag:s18], $0x4000  }
0x1dd: {  	s22 =	sor.u32 $0x30, s20;
	s3 =	sadd.s32 $0x18200, s21;
	[sflag:s18] =	ssyncset.done $0x0  }
0x1de: {  	s23 =	sor.u32 s22, s3;
	[sflag:s18] =	ssyncadd.s32 $0xFFFFC000  }
0x1df: {  	s24 =	simm.s32 $0x18200;
	v2 =	vld [tilespmem:s23+$0x0]  }
0x1e0: {  	s25 =	sor.u32 $0x10, s20;
	v3 =	vld [tilespmem:s24+$0x0]  }
0x1e1: {  	s26 =	sor.u32 $0x20, s20;
	s10 =	sor.u32 s25, s3  }
0x1e2: {  	s3 =	sor.u32 s26, s3;
	v4 =	vld [tilespmem:s10+$0x0]  }
0x1e3: {  	v5 =	vld [tilespmem:s3+$0x0]  }
0x1e4: {  	v6 =	vshll.u32 v2, $0x3  }
0x1e5: {  	v7 =	vshll.u32 v3, $0x3;
	v2 =	vand.u32 $0x7F, v2;
	v6 =	vand.u32 $0xFFFFFC00, v6  }
0x1e6: {  	v3 =	vand.u32 $0x7F, v3;
	v8 =	vand.u32 $0xFFFFFC00, v7;
	v7 =	vor.u32 v2, v6  }
0x1e7: {  	v2 =	vor.u32 v3, v8;
	v3 =	vshll.u32 v4, $0x3  }
0x1e8: {  	v6 =	vshll.u32 v5, $0x3;
	v4 =	vand.u32 $0x7F, v4;
	v3 =	vand.u32 $0xFFFFFC00, v3  }
0x1e9: {  	v8 =	vand.u32 $0xFFFFFC00, v6;
	v6 =	vor.u32 v4, v3;
	v3 =	vand.u32 $0x7F, v5  }
0x1ea: {  	v5 =	vor.u32 v3, v8  }
0x1eb: {  	v3 =	vld.idx.msk [tilespmem:v7+s30+$0x0], $0xffff  }
0x1ec: {  	v8 =	vor.u32 $0x80, v7;
	v4 =	vld.idx.msk [tilespmem:v2+s30+$0x0], $0xffff  }
0x1ed: {  	s0 =	sand.u32 $0x3C00, s17;
	v9 =	vor.u32 $0x80, v2  }
0x1ee: {  	s0 =	sor.u32 $0x10200, s0;
	v10 =	vld.idx.msk [tilespmem:v6+s30+$0x0], $0xffff  }
0x1ef: {  	s6 =	sor.u32 s22, s0;
	v11 =	vor.u32 $0x80, v6;
	v12 =	vld.idx.msk [tilespmem:v5+s30+$0x0], $0xffff  }
0x1f0: {  	s2 =	sor.u32 s20, s0;
	v13 =	vor.u32 $0x80, v5;
	[tilespmem:s6+$0x0] =	vst v3  }
0x1f1: {  	[tilespmem:s2+$0x0] =	vst v4;
	v3 =	vld.idx.msk [tilespmem:v8+s30+$0x0], $0xffff  }
0x1f2: {  	s12 =	sor.u32 s25, s0;
	v4 =	vld.idx.msk [tilespmem:v9+s30+$0x0], $0xffff;
	v8 =	vor.u32 $0x100, v7  }
0x1f3: {  	s11 =	sor.u32 s26, s0;
	v9 =	vor.u32 $0x100, v2;
	[tilespmem:s12+$0x0] =	vst v10  }
0x1f4: {  	v10 =	vld.idx.msk [tilespmem:v11+s30+$0x0], $0xffff;
	[tilespmem:s11+$0x0] =	vst v12  }
0x1f5: {  	v11 =	vor.u32 $0x100, v6;
	v12 =	vld.idx.msk [tilespmem:v13+s30+$0x0], $0xffff  }
0x1f6: {  	v13 =	vor.u32 $0x100, v5;
	[tilespmem:s6+$0x80] =	vst v3  }
0x1f7: {  	[tilespmem:s2+$0x80] =	vst v4;
	v3 =	vld.idx.msk [tilespmem:v8+s30+$0x0], $0xffff  }
0x1f8: {  	v4 =	vld.idx.msk [tilespmem:v9+s30+$0x0], $0xffff;
	v8 =	vor.u32 $0x180, v7  }
0x1f9: {  	v9 =	vor.u32 $0x180, v2;
	[tilespmem:s12+$0x80] =	vst v10  }
0x1fa: {  	v10 =	vld.idx.msk [tilespmem:v11+s30+$0x0], $0xffff;
	[tilespmem:s11+$0x80] =	vst v12  }
0x1fb: {  	s14 =	simm.s32 $0x18240;
	s0 =	simm.s32 $0x40;
	v11 =	vor.u32 $0x180, v6;
	v12 =	vld.idx.msk [tilespmem:v13+s30+$0x0], $0xffff  }
0x1fc: {  	s15 =	sand.u32 $0x40, s0;
	s16 =	sand.u32 $0x780, s0;
	v13 =	vld [tilespmem:s14+$0x0];
	[tilespmem:s6+$0x100] =	vst v3  }
0x1fd: {  	s8 =	sadd.s32 $0x18200, s16;
	s17 =	sor.u32 $0x30, s15;
	[tilespmem:s2+$0x100] =	vst v4;
	v3 =	vld.idx.msk [tilespmem:v8+s30+$0x0], $0xffff  }
0x1fe: {  	s18 =	sor.u32 s17, s8;
	v4 =	vor.u32 $0x180, v5;
	v8 =	vld.idx.msk [tilespmem:v9+s30+$0x0], $0xffff  }
0x1ff: {  	s20 =	sor.u32 $0x10, s15;
	v9 =	vor.u32 $0x200, v7;
	[tilespmem:s12+$0x100] =	vst v10;
	v10 =	vld [tilespmem:s18+$0x0]  }
0x200: {  	s21 =	sor.u32 $0x20, s15;
	s13 =	sor.u32 s20, s8;
	v11 =	vld.idx.msk [tilespmem:v11+s30+$0x0], $0xffff  }
0x201: {  	s8 =	sor.u32 s21, s8;
	v15 =	vld [tilespmem:s13+$0x0];
	v14 =	vor.u32 $0x200, v6;
	v16 =	vshll.u32 v13, $0x3  }
0x202: {  	v17 =	vld [tilespmem:s8+$0x0];
	[tilespmem:s11+$0x100] =	vst v12;
	v12 =	vor.u32 $0x200, v2;
	v13 =	vand.u32 $0x7F, v13;
	v16 =	vand.u32 $0xFFFFFC00, v16  }
0x203: {  	p1 =	por $0x0, $0x0;
	v18 =	vld.idx.msk [tilespmem:v4+s30+$0x0], $0xffff;
	[tilespmem:s6+$0x180] =	vst v3;
	v3 =	vor.u32 v13, v16;
	s6 =	simm.s32 $0x1  }
0x204: {  	v13 =	vor.u32 $0x200, v5;
	v9 =	vld.idx.msk [tilespmem:v9+s30+$0x0], $0xffff;
	v4 =	vshll.u32 v10, $0x3;
	s6 =	simm.s32 @!p1 $0x0  }
0x205: {  	v10 =	vand.u32 $0x7F, v10;
	[tilespmem:s12+$0x180] =	vst v11;
	v4 =	vand.u32 $0xFFFFFC00, v4;
	s6 =	sshll.u32 s6, $0x6;
	v11 =	vor.u32 $0x280, v7  }
0x206: {  	v16 =	vor.u32 $0x280, v6;
	[tilespmem:s2+$0x180] =	vst v8;
	v8 =	vld.idx.msk [tilespmem:v14+s30+$0x0], $0xffff;
	v14 =	vshll.u32 v15, $0x3;
	v4 =	vor.u32 v10, v4;
	s2 =	sadd.s32 $0x0, s6  }
0x207: {  	v10 =	vld.idx.msk [tilespmem:v12+s30+$0x0], $0xffff;
	v12 =	vshll.u32 v17, $0x3;
	v15 =	vand.u32 $0x7F, v15;
	v14 =	vand.u32 $0xFFFFFC00, v14;
	s6 =	sadd.s32 $0x30, s2  }
0x208: {  	v12 =	vand.u32 $0xFFFFFC00, v12;
	[tilespmem:s11+$0x180] =	vst v18;
	v19 =	vld.idx.msk [tilespmem:v3+s30+$0x0], $0xffff;
	v23 =	vor.u32 v15, v14;
	v14 =	vand.u32 $0x7F, v17;
	s22 =	sor.u32 $0x200, s6  }
0x209: {  	s8 =	sadd.s32 $0x10, s2;
	v13 =	vld.idx.msk [tilespmem:v13+s30+$0x0], $0xffff;
	v12 =	vor.u32 v14, v12;
	[tilespmem:s22+$0x10200] =	vst v9  }
0x20a: {  	s23 =	sor.u32 $0x200, s8;
	v9 =	vor.u32 $0x280, v2;
	v11 =	vld.idx.msk [tilespmem:v11+s30+$0x0], $0xffff  }
0x20b: {  	s3 =	simm.s32 $0x200;
	s24 =	sor.u32 $0x200, s2;
	v14 =	vor.u32 $0x280, v5;
	v15 =	vld.idx.msk [tilespmem:v4+s30+$0x0], $0xffff;
	[tilespmem:s23+$0x10200] =	vst v8  }
0x20c: {  	s25 =	sand.u32 $0x3C00, s3;
	s12 =	sadd.s32 $0x20, s2;
	[tilespmem:s24+$0x10200] =	vst v10;
	v10 =	vor.u32 $0x80, v3;
	v8 =	vld.idx.msk [tilespmem:v16+s30+$0x0], $0xffff  }
0x20d: {  	s13 =	sor.u32 $0x10200, s25;
	s14 =	sor.u32 $0x200, s12;
	v16 =	vor.u32 $0x300, v7;
	v17 =	vld.idx.msk [tilespmem:v23+s30+$0x0], $0xffff  }
0x20e: {  	v18 =	vor.u32 $0x80, v4;
	s24 =	sor.u32 s15, s13;
	[tilespmem:s14+$0x10200] =	vst v13;
	v20 =	vld.idx.msk [tilespmem:v12+s30+$0x0], $0xffff  }
0x20f: {  	s26 =	sor.u32 $0x280, s6;
	v21 =	vor.u32 $0x80, v23;
	[tilespmem:s24+$0x0] =	vst v19;
	v9 =	vld.idx.msk [tilespmem:v9+s30+$0x0], $0xffff  }
0x210: {  	s18 =	sor.u32 s17, s13;
	v13 =	vor.u32 $0x80, v12;
	v14 =	vld.idx.msk [tilespmem:v14+s30+$0x0], $0xffff;
	[tilespmem:s26+$0x10200] =	vst v11  }
0x211: {  	s15 =	sor.u32 $0x280, s8;
	v11 =	vor.u32 $0x300, v6;
	[tilespmem:s18+$0x0] =	vst v15;
	v10 =	vld.idx.msk [tilespmem:v10+s30+$0x0], $0xffff  }
0x212: {  	s26 =	sor.u32 s20, s13;
	v15 =	vld.idx.msk [tilespmem:v16+s30+$0x0], $0xffff;
	v16 =	vor.u32 $0x300, v5;
	[tilespmem:s15+$0x10200] =	vst v8  }
0x213: {  	s16 =	sor.u32 s21, s13;
	v7 =	vor.u32 $0x380, v7;
	v18 =	vld.idx.msk [tilespmem:v18+s30+$0x0], $0xffff;
	[tilespmem:s26+$0x0] =	vst v17  }
0x214: {  	s17 =	sor.u32 $0x280, s12;
	v19 =	vor.u32 $0x100, v4;
	v17 =	vld.idx.msk [tilespmem:v21+s30+$0x0], $0xffff;
	[tilespmem:s16+$0x0] =	vst v20  }
0x215: {  	v20 =	vor.u32 $0x100, v3;
	[tilespmem:s17+$0x10200] =	vst v14;
	v22 =	vld.idx.msk [tilespmem:v13+s30+$0x0], $0xffff  }
0x216: {  	s20 =	sor.u32 $0x300, s6;
	v8 =	vor.u32 $0x100, v23;
	v24 =	vld.idx.msk [tilespmem:v11+s30+$0x0], $0xffff;
	[tilespmem:s24+$0x80] =	vst v10  }
0x217: {  	v25 =	vor.u32 $0x100, v12;
	v16 =	vld.idx.msk [tilespmem:v16+s30+$0x0], $0xffff;
	[tilespmem:s20+$0x10200] =	vst v15  }
0x218: {  	[tilespmem:s18+$0x80] =	vst v18;
	v18 =	vor.u32 $0x300, v2;
	v26 =	vld.idx.msk [tilespmem:v7+s30+$0x0], $0xffff  }
0x219: {  	v27 =	vor.u32 $0x380, v6;
	v21 =	vld.idx.msk [tilespmem:v19+s30+$0x0], $0xffff;
	[tilespmem:s26+$0x80] =	vst v17  }
0x21a: {  	s22 =	sor.u32 $0x300, s8;
	v6 =	vor.u32 $0x380, v23;
	v19 =	vld.idx.msk [tilespmem:v20+s30+$0x0], $0xffff;
	[tilespmem:s16+$0x80] =	vst v22  }
0x21b: {  	s21 =	sor.u32 $0x280, s2;
	v13 =	vor.u32 $0x200, v23;
	v10 =	vor.u32 $0x280, v23;
	v20 =	vld.idx.msk [tilespmem:v8+s30+$0x0], $0xffff;
	[tilespmem:s22+$0x10200] =	vst v24;
	v24 =	vor.u32 $0x180, v4  }
0x21c: {  	s25 =	sor.u32 $0x300, s12;
	s7 =	sor.u32 $0x380, s12;
	[tilespmem:s21+$0x10200] =	vst v9;
	v15 =	vor.u32 $0x180, v23;
	v8 =	vor.u32 $0x300, v23;
	v23 =	vor.u32 $0x180, v3;
	v22 =	vld.idx.msk [tilespmem:v25+s30+$0x0], $0xffff  }
0x21d: {  	s23 =	sor.u32 $0x380, s6;
	s6 =	sor.u32 $0x380, s2;
	v5 =	vor.u32 $0x380, v5;
	s15 =	simm.s32 $0x4;
	v14 =	vor.u32 $0x180, v12;
	v9 =	vor.u32 $0x280, v12;
	v17 =	vld.idx.msk [tilespmem:v18+s30+$0x0], $0xffff  }
0x21e: {  	s21 =	sor.u32 $0x380, s8;
	v11 =	vor.u32 $0x200, v12;
	s20 =	simm.s32 $0x18280;
	v7 =	vor.u32 $0x300, v12;
	v12 =	vor.u32 $0x380, v12;
	s22 =	sor.u32 $0x300, s2;
	v18 =	vld.idx.msk [tilespmem:v27+s30+$0x0], $0xffff;
	[tilespmem:s23+$0x10200] =	vst v26  }
.LBB2_11:
0x21f: {  	v25 =	vld [tilespmem:s20+$0x0];
	[tilespmem:s18+$0x100] =	vst v21;
	s0 =	sadd.s32 $0x40, s0  }
0x220: {  	s15 =	sadd.s32 $0x4, s15;
	s2 =	sand.u32 $0x40, s0;
	s8 =	sand.u32 $0x780, s0;
	[tilespmem:s24+$0x100] =	vst v19;
	v19 =	vld.idx.msk [tilespmem:v24+s30+$0x0], $0xffff  }
0x221: {  	p2 =	slt.u32 s15, $0x7C;
	s10 =	sadd.s32 $0x18200, s8;
	s23 =	sor.u32 $0x30, s2;
	v21 =	vld.idx.msk [tilespmem:v23+s30+$0x0], $0xffff;
	[tilespmem:s26+$0x100] =	vst v20  }
0x222: {  	s9 =	sor.u32 $0x10, s2;
	s8 =	sor.u32 $0x20, s2;
	v20 =	vor.u32 $0x200, v4;
	s11 =	sor.u32 s23, s10;
	v15 =	vld.idx.msk [tilespmem:v15+s30+$0x0], $0xffff;
	[tilespmem:s16+$0x100] =	vst v22  }
0x223: {  	v23 =	vor.u32 $0x200, v3;
	s12 =	sor.u32 s9, s10;
	s10 =	sor.u32 s8, s10;
	v22 =	vld [tilespmem:s11+$0x0];
	[tilespmem:s25+$0x10200] =	vst v16  }
0x224: {  	v16 =	vld [tilespmem:s12+$0x0];
	[tilespmem:s22+$0x10200] =	vst v17  }
0x225: {  	v17 =	vshll.u32 v25, $0x3;
	v24 =	vld [tilespmem:s10+$0x0];
	[tilespmem:s21+$0x10200] =	vst v18  }
0x226: {  	v18 =	vand.u32 $0x7F, v25;
	v17 =	vand.u32 $0xFFFFFC00, v17;
	v14 =	vld.idx.msk [tilespmem:v14+s30+$0x0], $0xffff;
	[tilespmem:s18+$0x180] =	vst v19;
	v19 =	vor.u32 $0x380, v2;
	v2 =	vmovc v3  }
0x227: {  	p1 =	por !p1, !p1;
	s10 =	simm.s32 $0x1;
	v3 =	vor.u32 v18, v17;
	[tilespmem:s24+$0x180] =	vst v21;
	v17 =	vld.idx.msk [tilespmem:v20+s30+$0x0], $0xffff  }
0x228: {  	s10 =	simm.s32 @!p1 $0x0;
	v18 =	vshll.u32 v22, $0x3;
	v20 =	vld.idx.msk [tilespmem:v23+s30+$0x0], $0xffff;
	[tilespmem:s26+$0x180] =	vst v15  }
0x229: {  	s10 =	sshll.u32 s10, $0x6;
	v15 =	vand.u32 $0x7F, v22;
	v18 =	vand.u32 $0xFFFFFC00, v18;
	v21 =	vld.idx.msk [tilespmem:v13+s30+$0x0], $0xffff;
	v13 =	vor.u32 $0x280, v4  }
0x22a: {  	s18 =	sadd.s32 s10, s3;
	v22 =	vshll.u32 v16, $0x3;
	v23 =	vshll.u32 v24, $0x3;
	v18 =	vor.u32 v15, v18;
	v25 =	vld.idx.msk [tilespmem:v5+s30+$0x0], $0xffff;
	v5 =	vmovc v12  }
0x22b: {  	s21 =	sadd.s32 $0x10, s18;
	s24 =	sadd.s32 $0x20, s18;
	s10 =	sadd.s32 $0x30, s18;
	v12 =	vand.u32 $0x7F, v16;
	v15 =	vand.u32 $0xFFFFFC00, v22;
	v16 =	vand.u32 $0xFFFFFC00, v23;
	v19 =	vld.idx.msk [tilespmem:v19+s30+$0x0], $0xffff  }
0x22c: {  	s26 =	sor.u32 $0x200, s21;
	s11 =	sor.u32 $0x200, s10;
	v12 =	vor.u32 v12, v15;
	v15 =	vand.u32 $0x7F, v24;
	v23 =	vor.u32 $0x280, v2;
	v22 =	vld.idx.msk [tilespmem:v3+s30+$0x0], $0xffff;
	[tilespmem:s16+$0x180] =	vst v14;
	s16 =	sor.u32 $0x200, s24  }
0x22d: {  	s12 =	sor.u32 $0x200, s18;
	s14 =	sor.u32 $0x280, s21;
	s13 =	sor.u32 $0x280, s24;
	v24 =	vor.u32 $0x80, v12;
	v26 =	vor.u32 $0x100, v12;
	v16 =	vor.u32 v15, v16;
	v27 =	vld.idx.msk [tilespmem:v11+s30+$0x0], $0xffff;
	[tilespmem:s11+$0x10200] =	vst v17  }
0x22e: {  	s25 =	sor.u32 $0x300, s24;
	v15 =	vor.u32 $0x180, v12;
	v17 =	vor.u32 $0x80, v16;
	v28 =	vor.u32 $0x100, v16;
	s11 =	sor.u32 $0x300, s21;
	[tilespmem:s12+$0x10200] =	vst v20;
	s12 =	sor.u32 $0x280, s18;
	v20 =	vld.idx.msk [tilespmem:v13+s30+$0x0], $0xffff  }
0x22f: {  	s22 =	sor.u32 $0x300, s18;
	s24 =	sor.u32 $0x380, s24;
	v14 =	vor.u32 $0x180, v16;
	v11 =	vor.u32 $0x200, v16;
	s21 =	sor.u32 $0x380, s21;
	v13 =	vor.u32 $0x200, v12;
	v29 =	vld.idx.msk [tilespmem:v18+s30+$0x0], $0xffff;
	[tilespmem:s26+$0x10200] =	vst v21  }
0x230: {  	v31 =	vor.u32 $0x300, v4;
	s18 =	sor.u32 $0x380, s18;
	v21 =	vor.u32 $0x280, v16;
	v30 =	vld.idx.msk [tilespmem:v10+s30+$0x0], $0xffff;
	v10 =	vor.u32 $0x280, v12;
	[tilespmem:s7+$0x10200] =	vst v25;
	s7 =	smov.u32 s24  }
0x231: {  	s3 =	sadd.s32 $0x200, s3;
	v34 =	vor.u32 $0x80, v18;
	v32 =	vor.u32 $0x300, v12;
	v33 =	vor.u32 $0x300, v16;
	v25 =	vld.idx.msk [tilespmem:v12+s30+$0x0], $0xffff;
	[tilespmem:s6+$0x10200] =	vst v19;
	s6 =	smov.u32 s18  }
0x232: {  	v35 =	vor.u32 $0x380, v12;
	s18 =	sand.u32 $0x3C00, s3;
	v19 =	vor.u32 $0x80, v3;
	v12 =	vor.u32 $0x380, v16;
	v36 =	vld.idx.msk [tilespmem:v16+s30+$0x0], $0xffff  }
0x233: {  	s17 =	sor.u32 $0x10200, s18;
	v37 =	vld.idx.msk [tilespmem:v23+s30+$0x0], $0xffff;
	[tilespmem:s16+$0x10200] =	vst v27;
	s16 =	sor.u32 $0x280, s10  }
0x234: {  	s24 =	sor.u32 s2, s17;
	s26 =	sor.u32 s9, s17;
	s18 =	sor.u32 s23, s17;
	v16 =	vld.idx.msk [tilespmem:v9+s30+$0x0], $0xffff;
	[tilespmem:s16+$0x10200] =	vst v20;
	v9 =	vmov v21  }
0x235: {  	s16 =	sor.u32 s8, s17;
	[tilespmem:s18+$0x0] =	vst v29;
	v20 =	vld.idx.msk [tilespmem:v31+s30+$0x0], $0xffff  }
0x236: {  	[tilespmem:s24+$0x0] =	vst v22;
	v21 =	vld.idx.msk [tilespmem:v34+s30+$0x0], $0xffff  }
0x237: {  	v22 =	vor.u32 $0x380, v4;
	v4 =	vmov v18;
	v19 =	vld.idx.msk [tilespmem:v19+s30+$0x0], $0xffff;
	[tilespmem:s26+$0x0] =	vst v25  }
0x238: {  	v23 =	vor.u32 $0x100, v4;
	v18 =	vld.idx.msk [tilespmem:v24+s30+$0x0], $0xffff;
	[tilespmem:s16+$0x0] =	vst v36  }
0x239: {  	v24 =	vor.u32 $0x100, v3;
	v17 =	vld.idx.msk [tilespmem:v17+s30+$0x0], $0xffff;
	[tilespmem:s14+$0x10200] =	vst v30  }
0x23a: {  	s2 =	sor.u32 $0x300, s10;
	v25 =	vld.idx.msk [tilespmem:v8+s30+$0x0], $0xffff;
	[tilespmem:s13+$0x10200] =	vst v16;
	v8 =	vmov v32  }
0x23b: {  	v16 =	vld.idx.msk [tilespmem:v7+s30+$0x0], $0xffff;
	[tilespmem:s2+$0x10200] =	vst v20;
	v7 =	vmov v33  }
0x23c: {  	v27 =	vor.u32 $0x300, v2;
	[tilespmem:s18+$0x80] =	vst v21;
	v29 =	vld.idx.msk [tilespmem:v22+s30+$0x0], $0xffff  }
0x23d: {  	[tilespmem:s24+$0x80] =	vst v19;
	v21 =	vld.idx.msk [tilespmem:v23+s30+$0x0], $0xffff  }
.Ltmp7:
0x23e: {  	v19 =	vld.idx.msk [tilespmem:v24+s30+$0x0], $0xffff;
	[tilespmem:s26+$0x80] =	vst v18;
	(pc) =	sbr.rel @p2 .LBB2_11-.Ltmp7, $4  }
0x23f: {  	v24 =	vor.u32 $0x180, v4;
	v20 =	vld.idx.msk [tilespmem:v26+s30+$0x0], $0xffff;
	[tilespmem:s16+$0x80] =	vst v17  }
0x240: {  	v23 =	vor.u32 $0x180, v3;
	v22 =	vld.idx.msk [tilespmem:v28+s30+$0x0], $0xffff;
	[tilespmem:s12+$0x10200] =	vst v37  }
0x241: {  	s2 =	sor.u32 $0x380, s10;
	v17 =	vld.idx.msk [tilespmem:v27+s30+$0x0], $0xffff;
	[tilespmem:s11+$0x10200] =	vst v25  }
0x242: {  	s20 =	sadd.s32 $0x40, s20;
	v18 =	vld.idx.msk [tilespmem:v6+s30+$0x0], $0xffff;
	[tilespmem:s2+$0x10200] =	vst v29;
	v6 =	vmov v35  }
0x243: {  	_ =	sdelay $0x2  }
0x244: {  	[tilespmem:s18+$0x100] =	vst v21  }
0x245: {  	v21 =	vld.idx.msk [tilespmem:v24+s30+$0x0], $0xffff;
	[tilespmem:s26+$0x100] =	vst v20  }
0x246: {  	[tilespmem:s24+$0x100] =	vst v19;
	v20 =	vor.u32 $0x200, v4;
	v15 =	vld.idx.msk [tilespmem:v15+s30+$0x0], $0xffff  }
0x247: {  	v19 =	vld.idx.msk [tilespmem:v23+s30+$0x0], $0xffff;
	[tilespmem:s16+$0x100] =	vst v22  }
0x248: {  	v22 =	vor.u32 $0x200, v3;
	v14 =	vld.idx.msk [tilespmem:v14+s30+$0x0], $0xffff;
	_ =	sdelay $0x1  }
0x249: {  	p1 =	por !p1, !p1;
	s0 =	simm.s32 $0x1;
	[tilespmem:s18+$0x180] =	vst v21  }
0x24a: {  	s0 =	simm.s32 @!p1 $0x0;
	v20 =	vld.idx.msk [tilespmem:v20+s30+$0x0], $0xffff;
	[tilespmem:s26+$0x180] =	vst v15  }
0x24b: {  	s0 =	sshll.u32 s0, $0x6;
	[tilespmem:s24+$0x180] =	vst v19;
	v15 =	vor.u32 $0x280, v4;
	v13 =	vld.idx.msk [tilespmem:v13+s30+$0x0], $0xffff  }
0x24c: {  	s0 =	sadd.s32 s0, s3;
	[tilespmem:s16+$0x180] =	vst v14;
	v14 =	vld.idx.msk [tilespmem:v22+s30+$0x0], $0xffff  }
0x24d: {  	s2 =	sadd.s32 $0x30, s0;
	v19 =	vor.u32 $0x280, v3;
	v11 =	vld.idx.msk [tilespmem:v11+s30+$0x0], $0xffff  }
0x24e: {  	s3 =	sadd.s32 $0x10, s0;
	s8 =	sor.u32 $0x200, s2  }
0x24f: {  	s10 =	sor.u32 $0x200, s3;
	[tilespmem:s8+$0x10200] =	vst v20  }
0x250: {  	s9 =	sadd.s32 $0x20, s0;
	s15 =	sor.u32 $0x200, s0;
	v15 =	vld.idx.msk [tilespmem:v15+s30+$0x0], $0xffff;
	[tilespmem:s10+$0x10200] =	vst v13  }
0x251: {  	s14 =	sor.u32 $0x200, s9;
	v13 =	vor.u32 $0x300, v4;
	[tilespmem:s15+$0x10200] =	vst v14;
	v10 =	vld.idx.msk [tilespmem:v10+s30+$0x0], $0xffff  }
0x252: {  	[tilespmem:s14+$0x10200] =	vst v11;
	v11 =	vld.idx.msk [tilespmem:v19+s30+$0x0], $0xffff  }
0x253: {  	v14 =	vor.u32 $0x300, v3;
	v9 =	vld.idx.msk [tilespmem:v9+s30+$0x0], $0xffff  }
0x254: {  	[tilespmem:s25+$0x10200] =	vst v16;
	s16 =	sor.u32 $0x280, s2  }
0x255: {  	s17 =	sor.u32 $0x280, s3;
	[tilespmem:s16+$0x10200] =	vst v15  }
0x256: {  	v2 =	vor.u32 $0x380, v2;
	s20 =	sor.u32 $0x280, s0;
	v13 =	vld.idx.msk [tilespmem:v13+s30+$0x0], $0xffff;
	[tilespmem:s17+$0x10200] =	vst v10  }
0x257: {  	s18 =	sor.u32 $0x280, s9;
	v4 =	vor.u32 $0x380, v4;
	[tilespmem:s20+$0x10200] =	vst v11;
	v8 =	vld.idx.msk [tilespmem:v8+s30+$0x0], $0xffff  }
0x258: {  	[tilespmem:s18+$0x10200] =	vst v9;
	v9 =	vld.idx.msk [tilespmem:v14+s30+$0x0], $0xffff  }
0x259: {  	[tilespmem:s22+$0x10200] =	vst v17;
	v3 =	vor.u32 $0x380, v3;
	v7 =	vld.idx.msk [tilespmem:v7+s30+$0x0], $0xffff  }
0x25a: {  	v5 =	vld.idx.msk [tilespmem:v5+s30+$0x0], $0xffff;
	[tilespmem:s21+$0x10200] =	vst v18;
	s23 =	sor.u32 $0x300, s2  }
0x25b: {  	v2 =	vld.idx.msk [tilespmem:v2+s30+$0x0], $0xffff;
	s24 =	sor.u32 $0x300, s3;
	[tilespmem:s23+$0x10200] =	vst v13  }
0x25c: {  	s26 =	sor.u32 $0x300, s0;
	v4 =	vld.idx.msk [tilespmem:v4+s30+$0x0], $0xffff;
	[tilespmem:s24+$0x10200] =	vst v8  }
0x25d: {  	s25 =	sor.u32 $0x300, s9;
	[tilespmem:s26+$0x10200] =	vst v9;
	v6 =	vld.idx.msk [tilespmem:v6+s30+$0x0], $0xffff  }
0x25e: {  	[tilespmem:s25+$0x10200] =	vst v7;
	v3 =	vld.idx.msk [tilespmem:v3+s30+$0x0], $0xffff  }
0x25f: {  	[tilespmem:s7+$0x10200] =	vst v5;
	v7 =	vld.idx.msk [tilespmem:v12+s30+$0x0], $0xffff  }
0x260: {  	s2 =	sor.u32 $0x380, s2;
	[tilespmem:s6+$0x10200] =	vst v2  }
0x261: {  	s3 =	sor.u32 $0x380, s3;
	[tilespmem:s2+$0x10200] =	vst v4  }
0x262: {  	s0 =	sor.u32 $0x380, s0;
	[tilespmem:s3+$0x10200] =	vst v6  }
0x263: {  	s7 =	sor.u32 $0x380, s9;
	[tilespmem:s0+$0x10200] =	vst v3  }
0x264: {  	s9 =	simm.s32 $0x10200;
	s8 =	sadd.s32 $0x1000, s29;
	[tilespmem:s7+$0x10200] =	vst v7  }
0x265: {  	[hbm4b:s8+s5] =	stream.linear.scatter [tilespmem:s9], [sflag:$0x5], $0x4000, $0x38;
	[tilespmem:$0x18A00] =	vst v63  }
0x266: {  	v2 =	vld.msk @!p0 [tilespmem:s31+$0x30], $0xff;
	_ =	sdelay $0x4  }
0x267: {  	v3 =	vshll.u32 @!p0 v2, $0x4  }
0x268: {  	v4 =	vlaneseq.u32 @!p0;
	v2 =	vand.u32 @!p0 $0x7, v2;
	v3 =	vand.u32 @!p0 $0xFFFFFF80, v3  }
0x269: {  	v2 =	vor.u32 @!p0 v2, v3;
	v3 =	vand.u32 @!p0 $0x7, v4;
	v4 =	vshrl.u32 @!p0 v4, $0x3  }
0x26a: {  	v2 =	vperm.xlane @!p0 v2, v3;
	v3 =	vmul.u32 @!p0 $0x8, v4;
	_ =	sdelay $0x1  }
0x26b: {  	v2 =	vadd.s32 @!p0 v3, v2;
	_ =	sdelay $0x3  }
0x26c: {  	s2 =	simm.s32 @!p0 $0x8200;
	s0 =	simm.s32 @!p0 $0x0;
	s3 =	rddreg [dreg:$0x0]  }
0x26d: {  	[tilespmem:s2], [sflag:$0x3] =	stream.indirect_vreg.gather @!p0 [hbm4b:s3+s0], $0x80, v2, vm1, $0xb8;
	[tilespmem:$0x18A00] =	vst v63  }
0x26e: {  	s2 =	simm.s32 @!p0 $0x8A00;
	s3 =	rddreg [dreg:$0x6]  }
0x26f: {  	[tilespmem:s2], [sflag:$0x3] =	stream.indirect_vreg.gather @!p0 [hbm4b:s3+s0], $0x80, v2, vm1, $0xb8;
	[tilespmem:$0x18A00] =	vst v63  }
0x270: {  	s2 =	simm.s32 @!p0 $0x9200;
	s3 =	rddreg [dreg:$0x7]  }
0x271: {  	[tilespmem:s2], [sflag:$0x3] =	stream.indirect_vreg.gather @!p0 [hbm4b:s3+s0], $0x80, v2, vm1, $0xb8;
	[tilespmem:$0x18A00] =	vst v63  }
0x272: {  	s2 =	simm.s32 @!p0 $0x9A00;
	s3 =	rddreg [dreg:$0x8]  }
0x273: {  	[tilespmem:s2], [sflag:$0x3] =	stream.indirect_vreg.gather @!p0 [hbm4b:s3+s0], $0x80, v2, vm1, $0xb8;
	[tilespmem:$0x18A00] =	vst v63  }
0x274: {  	s2 =	simm.s32 @!p0 $0xA200;
	s3 =	rddreg [dreg:$0x9]  }
0x275: {  	[tilespmem:s2], [sflag:$0x3] =	stream.indirect_vreg.gather @!p0 [hbm4b:s3+s0], $0x80, v2, vm1, $0xb8;
	[tilespmem:$0x18A00] =	vst v63  }
0x276: {  	s2 =	simm.s32 @!p0 $0xAA00;
	s3 =	rddreg [dreg:$0xa]  }
0x277: {  	[tilespmem:s2], [sflag:$0x3] =	stream.indirect_vreg.gather @!p0 [hbm4b:s3+s0], $0x80, v2, vm1, $0xb8;
	[tilespmem:$0x18A00] =	vst v63  }
0x278: {  	s2 =	simm.s32 @!p0 $0xB200;
	s3 =	rddreg [dreg:$0xb]  }
0x279: {  	[tilespmem:s2], [sflag:$0x3] =	stream.indirect_vreg.gather @!p0 [hbm4b:s3+s0], $0x80, v2, vm1, $0xb8;
	[tilespmem:$0x18A00] =	vst v63  }
0x27a: {  	s10 =	simm.s32 $0x4;
	s2 =	simm.s32 @!p0 $0xBA00;
	s3 =	rddreg [dreg:$0xc]  }
0x27b: {  	[tilespmem:s2], [sflag:$0x3] =	stream.indirect_vreg.gather @!p0 [hbm4b:s3+s0], $0x80, v2, vm1, $0xb8;
	[tilespmem:$0x18A00] =	vst v63  }
0x27c: {  	_ =	swait.ge [sflag:s10], $0x4000  }
0x27d: {  	[sflag:s10] =	ssyncset.done $0x0  }
0x27e: {  	s11 =	simm.s32 $0x0;
	s12 =	simm.s32 $0x6;
	[sflag:s10] =	ssyncadd.s32 $0xFFFFC000  }
0x27f: {  	s13 =	sand.u32 $0x780, s11;
	s25 =	sand.u32 $0x40, s11;
	_ =	swait.ge [sflag:s12], $0x4000  }
0x280: {  	s26 =	sor.u32 $0x30, s25;
	s2 =	sadd.s32 $0x18200, s13;
	[sflag:s12] =	ssyncset.done $0x0  }
0x281: {  	s14 =	sor.u32 s26, s2;
	[sflag:s12] =	ssyncadd.s32 $0xFFFFC000  }
0x282: {  	s15 =	simm.s32 $0x18200;
	v2 =	vld [tilespmem:s14+$0x0]  }
0x283: {  	s7 =	sor.u32 $0x10, s25;
	v3 =	vld [tilespmem:s15+$0x0]  }
0x284: {  	s31 =	sor.u32 $0x20, s25;
	s16 =	sor.u32 s7, s2  }
0x285: {  	s2 =	sor.u32 s31, s2;
	v4 =	vld [tilespmem:s16+$0x0]  }
0x286: {  	v5 =	vld [tilespmem:s2+$0x0]  }
0x287: {  	v6 =	vshll.u32 v2, $0x3  }
0x288: {  	v7 =	vshll.u32 v3, $0x3;
	v2 =	vand.u32 $0x7F, v2;
	v6 =	vand.u32 $0xFFFFFC00, v6  }
0x289: {  	v3 =	vand.u32 $0x7F, v3;
	v8 =	vand.u32 $0xFFFFFC00, v7;
	v7 =	vor.u32 v2, v6  }
0x28a: {  	v2 =	vor.u32 v3, v8;
	v3 =	vshll.u32 v4, $0x3  }
0x28b: {  	v6 =	vshll.u32 v5, $0x3;
	v4 =	vand.u32 $0x7F, v4;
	v3 =	vand.u32 $0xFFFFFC00, v3  }
0x28c: {  	v8 =	vand.u32 $0xFFFFFC00, v6;
	v6 =	vor.u32 v4, v3;
	v3 =	vand.u32 $0x7F, v5  }
0x28d: {  	v5 =	vor.u32 v3, v8  }
0x28e: {  	v3 =	vld.idx.msk [tilespmem:v7+s1+$0x0], $0xffff  }
0x28f: {  	v8 =	vor.u32 $0x80, v7;
	v4 =	vld.idx.msk [tilespmem:v2+s1+$0x0], $0xffff  }
0x290: {  	s18 =	sand.u32 $0x3C00, s11;
	v9 =	vor.u32 $0x80, v2  }
0x291: {  	s0 =	sor.u32 $0x14200, s18;
	v10 =	vld.idx.msk [tilespmem:v6+s1+$0x0], $0xffff  }
0x292: {  	s17 =	sor.u32 s26, s0;
	v11 =	vor.u32 $0x80, v6;
	v12 =	vld.idx.msk [tilespmem:v5+s1+$0x0], $0xffff  }
0x293: {  	s20 =	sor.u32 s25, s0;
	v13 =	vor.u32 $0x80, v5;
	[tilespmem:s17+$0x0] =	vst v3  }
0x294: {  	[tilespmem:s20+$0x0] =	vst v4;
	v3 =	vld.idx.msk [tilespmem:v8+s1+$0x0], $0xffff  }
0x295: {  	s21 =	sor.u32 s7, s0;
	v4 =	vld.idx.msk [tilespmem:v9+s1+$0x0], $0xffff;
	v8 =	vor.u32 $0x100, v7  }
0x296: {  	s0 =	sor.u32 s31, s0;
	v9 =	vor.u32 $0x100, v2;
	[tilespmem:s21+$0x0] =	vst v10  }
0x297: {  	s22 =	sor.u32 $0x14280, s18;
	v10 =	vld.idx.msk [tilespmem:v11+s1+$0x0], $0xffff;
	[tilespmem:s0+$0x0] =	vst v12  }
0x298: {  	s23 =	sor.u32 s26, s22;
	v11 =	vor.u32 $0x100, v6;
	v12 =	vld.idx.msk [tilespmem:v13+s1+$0x0], $0xffff  }
0x299: {  	s24 =	sor.u32 s25, s22;
	v13 =	vor.u32 $0x100, v5;
	[tilespmem:s23+$0x0] =	vst v3  }
0x29a: {  	[tilespmem:s24+$0x0] =	vst v4;
	v3 =	vld.idx.msk [tilespmem:v8+s1+$0x0], $0xffff  }
0x29b: {  	s6 =	sor.u32 s7, s22;
	v4 =	vld.idx.msk [tilespmem:v9+s1+$0x0], $0xffff;
	v8 =	vor.u32 $0x180, v7  }
0x29c: {  	s0 =	sor.u32 s31, s22;
	v9 =	vor.u32 $0x180, v2;
	[tilespmem:s6+$0x0] =	vst v10  }
0x29d: {  	s8 =	sor.u32 $0x14300, s18;
	v10 =	vld.idx.msk [tilespmem:v11+s1+$0x0], $0xffff;
	[tilespmem:s0+$0x0] =	vst v12  }
0x29e: {  	s11 =	sor.u32 s26, s8;
	s10 =	simm.s32 $0x18240;
	s15 =	simm.s32 $0x40;
	v11 =	vor.u32 $0x180, v6;
	v12 =	vld.idx.msk [tilespmem:v13+s1+$0x0], $0xffff  }
0x29f: {  	s12 =	sor.u32 s25, s8;
	s13 =	sand.u32 $0x780, s15;
	s0 =	sand.u32 $0x40, s15;
	v13 =	vld [tilespmem:s10+$0x0];
	[tilespmem:s11+$0x0] =	vst v3  }
0x2a0: {  	s14 =	sadd.s32 $0x18200, s13;
	s3 =	sor.u32 $0x30, s0;
	[tilespmem:s12+$0x0] =	vst v4;
	v3 =	vld.idx.msk [tilespmem:v8+s1+$0x0], $0xffff  }
0x2a1: {  	s16 =	sor.u32 s7, s8;
	s17 =	sor.u32 s3, s14;
	v4 =	vor.u32 $0x180, v5;
	v8 =	vld.idx.msk [tilespmem:v9+s1+$0x0], $0xffff  }
0x2a2: {  	v9 =	vor.u32 $0x200, v7;
	[tilespmem:s16+$0x0] =	vst v10;
	s16 =	sor.u32 $0x10, s0;
	v10 =	vld [tilespmem:s17+$0x0]  }
0x2a3: {  	s6 =	sor.u32 $0x20, s0;
	v11 =	vld.idx.msk [tilespmem:v11+s1+$0x0], $0xffff;
	s20 =	sor.u32 s16, s14  }
0x2a4: {  	s2 =	sor.u32 s31, s8;
	v14 =	vor.u32 $0x200, v6;
	s21 =	sor.u32 $0x14380, s18;
	s8 =	sor.u32 s6, s14;
	v16 =	vshll.u32 v13, $0x3;
	v15 =	vld [tilespmem:s20+$0x0]  }
0x2a5: {  	s22 =	sor.u32 s26, s21;
	v17 =	vld [tilespmem:s8+$0x0];
	[tilespmem:s2+$0x0] =	vst v12;
	v12 =	vor.u32 $0x200, v2;
	v13 =	vand.u32 $0x7F, v13;
	v16 =	vand.u32 $0xFFFFFC00, v16  }
0x2a6: {  	v18 =	vld.idx.msk [tilespmem:v4+s1+$0x0], $0xffff;
	[tilespmem:s22+$0x0] =	vst v3;
	v3 =	vor.u32 v13, v16  }
0x2a7: {  	s23 =	sor.u32 s7, s21;
	v13 =	vor.u32 $0x200, v5;
	v9 =	vld.idx.msk [tilespmem:v9+s1+$0x0], $0xffff;
	v4 =	vshll.u32 v10, $0x3  }
0x2a8: {  	s24 =	sor.u32 s25, s21;
	v10 =	vand.u32 $0x7F, v10;
	[tilespmem:s23+$0x0] =	vst v11;
	v4 =	vand.u32 $0xFFFFFC00, v4;
	v11 =	vor.u32 $0x280, v7  }
0x2a9: {  	v16 =	vor.u32 $0x280, v6;
	[tilespmem:s24+$0x0] =	vst v8;
	v8 =	vld.idx.msk [tilespmem:v14+s1+$0x0], $0xffff;
	v14 =	vshll.u32 v15, $0x3;
	v4 =	vor.u32 v10, v4  }
0x2aa: {  	s10 =	sor.u32 s31, s21;
	s11 =	sadd.s32 $0x14400, s18;
	v10 =	vld.idx.msk [tilespmem:v12+s1+$0x0], $0xffff;
	v12 =	vshll.u32 v17, $0x3;
	v15 =	vand.u32 $0x7F, v15;
	v14 =	vand.u32 $0xFFFFFC00, v14  }
0x2ab: {  	s12 =	sor.u32 s26, s11;
	v12 =	vand.u32 $0xFFFFFC00, v12;
	[tilespmem:s10+$0x0] =	vst v18;
	v19 =	vld.idx.msk [tilespmem:v3+s1+$0x0], $0xffff;
	v23 =	vor.u32 v15, v14;
	v14 =	vand.u32 $0x7F, v17  }
0x2ac: {  	v13 =	vld.idx.msk [tilespmem:v13+s1+$0x0], $0xffff;
	v12 =	vor.u32 v14, v12;
	[tilespmem:s12+$0x0] =	vst v9  }
0x2ad: {  	s13 =	sor.u32 s7, s11;
	v9 =	vor.u32 $0x280, v2;
	v11 =	vld.idx.msk [tilespmem:v11+s1+$0x0], $0xffff  }
0x2ae: {  	s14 =	sor.u32 s25, s11;
	s24 =	simm.s32 $0x200;
	v14 =	vor.u32 $0x280, v5;
	v15 =	vld.idx.msk [tilespmem:v4+s1+$0x0], $0xffff;
	[tilespmem:s13+$0x0] =	vst v8  }
0x2af: {  	s21 =	sand.u32 $0x3C00, s24;
	[tilespmem:s14+$0x0] =	vst v10;
	v10 =	vor.u32 $0x80, v3;
	v8 =	vld.idx.msk [tilespmem:v16+s1+$0x0], $0xffff  }
0x2b0: {  	s8 =	sor.u32 s31, s11;
	s17 =	sor.u32 $0x14200, s21;
	v16 =	vor.u32 $0x300, v7;
	v17 =	vld.idx.msk [tilespmem:v23+s1+$0x0], $0xffff  }
0x2b1: {  	s2 =	sadd.s32 $0x14480, s18;
	s23 =	sor.u32 s0, s17;
	v18 =	vor.u32 $0x80, v4;
	[tilespmem:s8+$0x0] =	vst v13;
	v20 =	vld.idx.msk [tilespmem:v12+s1+$0x0], $0xffff  }
0x2b2: {  	s20 =	sor.u32 s26, s2;
	v21 =	vor.u32 $0x80, v23;
	[tilespmem:s23+$0x0] =	vst v19;
	v24 =	vld.idx.msk [tilespmem:v9+s1+$0x0], $0xffff  }
0x2b3: {  	s22 =	sor.u32 s3, s17;
	v9 =	vor.u32 $0x80, v12;
	v13 =	vld.idx.msk [tilespmem:v14+s1+$0x0], $0xffff;
	[tilespmem:s20+$0x0] =	vst v11  }
0x2b4: {  	s13 =	sor.u32 s7, s2;
	v11 =	vor.u32 $0x300, v6;
	[tilespmem:s22+$0x0] =	vst v15;
	v10 =	vld.idx.msk [tilespmem:v10+s1+$0x0], $0xffff  }
0x2b5: {  	s11 =	sor.u32 s16, s17;
	v15 =	vor.u32 $0x300, v5;
	v14 =	vld.idx.msk [tilespmem:v16+s1+$0x0], $0xffff;
	[tilespmem:s13+$0x0] =	vst v8  }
0x2b6: {  	s12 =	sor.u32 s6, s17;
	v7 =	vor.u32 $0x380, v7;
	v18 =	vld.idx.msk [tilespmem:v18+s1+$0x0], $0xffff;
	[tilespmem:s11+$0x0] =	vst v17  }
0x2b7: {  	s14 =	sor.u32 s31, s2;
	v19 =	vor.u32 $0x100, v4;
	v17 =	vld.idx.msk [tilespmem:v21+s1+$0x0], $0xffff;
	[tilespmem:s12+$0x0] =	vst v20  }
0x2b8: {  	s10 =	sadd.s32 $0x14500, s18;
	v21 =	vor.u32 $0x100, v3;
	[tilespmem:s14+$0x0] =	vst v13;
	s14 =	sor.u32 s25, s2;
	v9 =	vld.idx.msk [tilespmem:v9+s1+$0x0], $0xffff  }
0x2b9: {  	s17 =	sor.u32 $0x14280, s21;
	s22 =	sor.u32 s26, s10;
	v8 =	vor.u32 $0x100, v23;
	v25 =	vld.idx.msk [tilespmem:v11+s1+$0x0], $0xffff;
	[tilespmem:s14+$0x0] =	vst v24  }
0x2ba: {  	v22 =	vor.u32 $0x100, v12;
	s11 =	sor.u32 s3, s17;
	v16 =	vld.idx.msk [tilespmem:v15+s1+$0x0], $0xffff;
	[tilespmem:s22+$0x0] =	vst v14  }
0x2bb: {  	s23 =	sor.u32 s0, s17;
	[tilespmem:s11+$0x0] =	vst v18;
	v18 =	vor.u32 $0x300, v2;
	v26 =	vld.idx.msk [tilespmem:v7+s1+$0x0], $0xffff  }
0x2bc: {  	v27 =	vor.u32 $0x380, v6;
	s12 =	sor.u32 s16, s17;
	[tilespmem:s23+$0x0] =	vst v10;
	v20 =	vld.idx.msk [tilespmem:v19+s1+$0x0], $0xffff  }
0x2bd: {  	v6 =	vor.u32 $0x380, v23;
	s13 =	sor.u32 s6, s17;
	v19 =	vld.idx.msk [tilespmem:v21+s1+$0x0], $0xffff;
	[tilespmem:s12+$0x0] =	vst v17  }
0x2be: {  	s8 =	sor.u32 s31, s10;
	s20 =	simm.s32 $0x4;
	v13 =	vor.u32 $0x200, v23;
	s2 =	sor.u32 s25, s10;
	v24 =	vor.u32 $0x180, v4;
	v15 =	vor.u32 $0x180, v23;
	v21 =	vld.idx.msk [tilespmem:v8+s1+$0x0], $0xffff;
	[tilespmem:s13+$0x0] =	vst v9  }
0x2bf: {  	s17 =	sor.u32 s7, s10;
	s10 =	sor.u32 $0x14300, s21;
	v10 =	vor.u32 $0x280, v23;
	s23 =	sadd.s32 $0x14580, s18;
	v8 =	vor.u32 $0x300, v23;
	v23 =	vor.u32 $0x180, v3;
	v22 =	vld.idx.msk [tilespmem:v22+s1+$0x0], $0xffff  }
0x2c0: {  	v5 =	vor.u32 $0x380, v5;
	v11 =	vor.u32 $0x200, v12;
	s9 =	sor.u32 s16, s10;
	v14 =	vor.u32 $0x180, v12;
	s22 =	simm.s32 $0x18280;
	s12 =	sor.u32 s26, s23;
	[tilespmem:s17+$0x0] =	vst v25;
	v17 =	vld.idx.msk [tilespmem:v18+s1+$0x0], $0xffff  }
0x2c1: {  	s25 =	sor.u32 s25, s23;
	s11 =	sor.u32 s0, s10;
	v7 =	vor.u32 $0x300, v12;
	v9 =	vor.u32 $0x280, v12;
	v12 =	vor.u32 $0x380, v12;
	v18 =	vld.idx.msk [tilespmem:v27+s1+$0x0], $0xffff;
	[tilespmem:s12+$0x0] =	vst v26;
	s12 =	sor.u32 s3, s10  }
.LBB2_13:
0x2c2: {  	v25 =	vld [tilespmem:s22+$0x0];
	s10 =	sor.u32 s6, s10;
	[tilespmem:s12+$0x0] =	vst v20;
	s15 =	sadd.s32 $0x40, s15;
	s7 =	sor.u32 s7, s23  }
0x2c3: {  	s20 =	sadd.s32 $0x4, s20;
	s12 =	sand.u32 $0x40, s15;
	s13 =	sand.u32 $0x780, s15;
	[tilespmem:s11+$0x0] =	vst v19;
	v19 =	vld.idx.msk [tilespmem:v24+s1+$0x0], $0xffff  }
0x2c4: {  	p1 =	slt.u32 s20, $0x7C;
	s11 =	sadd.s32 $0x18200, s13;
	s13 =	sor.u32 $0x30, s12;
	v20 =	vld.idx.msk [tilespmem:v23+s1+$0x0], $0xffff;
	[tilespmem:s9+$0x0] =	vst v21  }
0x2c5: {  	s9 =	sor.u32 $0x10, s12;
	s14 =	sor.u32 $0x20, s12;
	v21 =	vor.u32 $0x200, v4;
	s17 =	sor.u32 s13, s11;
	v15 =	vld.idx.msk [tilespmem:v15+s1+$0x0], $0xffff;
	[tilespmem:s10+$0x0] =	vst v22  }
0x2c6: {  	v23 =	vor.u32 $0x200, v3;
	s10 =	sor.u32 s9, s11;
	s11 =	sor.u32 s14, s11;
	v22 =	vld [tilespmem:s17+$0x0];
	[tilespmem:s8+$0x0] =	vst v16;
	s8 =	sor.u32 s31, s23  }
0x2c7: {  	s18 =	smov.u32 s0;
	s0 =	smov.u32 s12;
	v16 =	vld [tilespmem:s10+$0x0];
	s10 =	sor.u32 $0x14380, s21;
	[tilespmem:s2+$0x0] =	vst v17  }
0x2c8: {  	v17 =	vshll.u32 v25, $0x3;
	v24 =	vld [tilespmem:s11+$0x0];
	s2 =	sor.u32 s18, s10;
	s11 =	sor.u32 s16, s10;
	s12 =	sor.u32 s3, s10;
	[tilespmem:s7+$0x0] =	vst v18  }
0x2c9: {  	s26 =	smov.u32 s3;
	v18 =	vand.u32 $0x7F, v25;
	v17 =	vand.u32 $0xFFFFFC00, v17;
	s10 =	sor.u32 s6, s10;
	s3 =	smov.u32 s13;
	v14 =	vld.idx.msk [tilespmem:v14+s1+$0x0], $0xffff;
	[tilespmem:s12+$0x0] =	vst v19;
	v19 =	vor.u32 $0x380, v2;
	v2 =	vmovc v3  }
0x2ca: {  	s31 =	smov.u32 s6;
	s7 =	smov.u32 s16;
	s16 =	smov.u32 s9;
	v3 =	vor.u32 v18, v17;
	[tilespmem:s2+$0x0] =	vst v20;
	v17 =	vld.idx.msk [tilespmem:v21+s1+$0x0], $0xffff  }
0x2cb: {  	s6 =	smov.u32 s14;
	v18 =	vshll.u32 v22, $0x3;
	v20 =	vld.idx.msk [tilespmem:v23+s1+$0x0], $0xffff;
	[tilespmem:s11+$0x0] =	vst v15  }
0x2cc: {  	v15 =	vand.u32 $0x7F, v22;
	v18 =	vand.u32 $0xFFFFFC00, v18;
	v21 =	vld.idx.msk [tilespmem:v13+s1+$0x0], $0xffff;
	v13 =	vor.u32 $0x280, v4  }
0x2cd: {  	v22 =	vshll.u32 v16, $0x3;
	v23 =	vshll.u32 v24, $0x3;
	v18 =	vor.u32 v15, v18;
	v25 =	vld.idx.msk [tilespmem:v5+s1+$0x0], $0xffff;
	v5 =	vmovc v12  }
0x2ce: {  	s2 =	sadd.s32 $0x14400, s21;
	v12 =	vand.u32 $0x7F, v16;
	v15 =	vand.u32 $0xFFFFFC00, v22;
	v16 =	vand.u32 $0xFFFFFC00, v23;
	v19 =	vld.idx.msk [tilespmem:v19+s1+$0x0], $0xffff  }
0x2cf: {  	s9 =	sor.u32 s18, s2;
	s11 =	sor.u32 s7, s2;
	v12 =	vor.u32 v12, v15;
	v15 =	vand.u32 $0x7F, v24;
	v23 =	vor.u32 $0x280, v2;
	v22 =	vld.idx.msk [tilespmem:v3+s1+$0x0], $0xffff;
	[tilespmem:s10+$0x0] =	vst v14;
	s10 =	sor.u32 s26, s2  }
0x2d0: {  	v24 =	vor.u32 $0x80, v12;
	v26 =	vor.u32 $0x100, v12;
	v16 =	vor.u32 v15, v16;
	s2 =	sor.u32 s31, s2;
	v27 =	vld.idx.msk [tilespmem:v11+s1+$0x0], $0xffff;
	[tilespmem:s10+$0x0] =	vst v17  }
0x2d1: {  	v15 =	vor.u32 $0x180, v12;
	v17 =	vor.u32 $0x80, v16;
	v28 =	vor.u32 $0x100, v16;
	[tilespmem:s9+$0x0] =	vst v20;
	v20 =	vld.idx.msk [tilespmem:v13+s1+$0x0], $0xffff  }
0x2d2: {  	v14 =	vor.u32 $0x180, v16;
	v11 =	vor.u32 $0x200, v16;
	v13 =	vor.u32 $0x200, v12;
	v29 =	vld.idx.msk [tilespmem:v18+s1+$0x0], $0xffff;
	[tilespmem:s11+$0x0] =	vst v21  }
0x2d3: {  	v31 =	vor.u32 $0x300, v4;
	v21 =	vor.u32 $0x280, v16;
	v30 =	vld.idx.msk [tilespmem:v10+s1+$0x0], $0xffff;
	v10 =	vor.u32 $0x280, v12;
	[tilespmem:s8+$0x0] =	vst v25  }
0x2d4: {  	s24 =	sadd.s32 $0x200, s24;
	v34 =	vor.u32 $0x80, v18;
	v32 =	vor.u32 $0x300, v12;
	v33 =	vor.u32 $0x300, v16;
	v25 =	vld.idx.msk [tilespmem:v12+s1+$0x0], $0xffff;
	[tilespmem:s25+$0x0] =	vst v19  }
0x2d5: {  	v35 =	vor.u32 $0x380, v12;
	s9 =	sand.u32 $0x3C00, s24;
	s8 =	sadd.s32 $0x14480, s21;
	v19 =	vor.u32 $0x80, v3;
	v12 =	vor.u32 $0x380, v16;
	v36 =	vld.idx.msk [tilespmem:v16+s1+$0x0], $0xffff  }
0x2d6: {  	s11 =	sor.u32 $0x14200, s9;
	s10 =	sor.u32 s18, s8;
	v37 =	vld.idx.msk [tilespmem:v23+s1+$0x0], $0xffff;
	[tilespmem:s2+$0x0] =	vst v27;
	s2 =	sor.u32 s26, s8  }
0x2d7: {  	s12 =	sor.u32 s0, s11;
	s13 =	sor.u32 s16, s11;
	s14 =	sor.u32 s3, s11;
	v16 =	vld.idx.msk [tilespmem:v9+s1+$0x0], $0xffff;
	[tilespmem:s2+$0x0] =	vst v20;
	v9 =	vmov v21  }
0x2d8: {  	s2 =	sor.u32 s6, s11;
	s11 =	sor.u32 s7, s8;
	s8 =	sor.u32 s31, s8;
	[tilespmem:s14+$0x0] =	vst v29;
	v20 =	vld.idx.msk [tilespmem:v31+s1+$0x0], $0xffff  }
0x2d9: {  	[tilespmem:s12+$0x0] =	vst v22;
	v21 =	vld.idx.msk [tilespmem:v34+s1+$0x0], $0xffff  }
0x2da: {  	v22 =	vor.u32 $0x380, v4;
	v4 =	vmov v18;
	v19 =	vld.idx.msk [tilespmem:v19+s1+$0x0], $0xffff;
	[tilespmem:s13+$0x0] =	vst v25  }
0x2db: {  	v23 =	vor.u32 $0x100, v4;
	v18 =	vld.idx.msk [tilespmem:v24+s1+$0x0], $0xffff;
	[tilespmem:s2+$0x0] =	vst v36  }
0x2dc: {  	s12 =	sadd.s32 $0x14500, s21;
	v24 =	vor.u32 $0x100, v3;
	v17 =	vld.idx.msk [tilespmem:v17+s1+$0x0], $0xffff;
	[tilespmem:s11+$0x0] =	vst v30  }
0x2dd: {  	s2 =	sor.u32 s18, s12;
	s11 =	sor.u32 $0x14280, s9;
	v25 =	vld.idx.msk [tilespmem:v8+s1+$0x0], $0xffff;
	[tilespmem:s8+$0x0] =	vst v16;
	s8 =	sor.u32 s26, s12;
	v8 =	vmov v32  }
0x2de: {  	s13 =	sor.u32 s0, s11;
	s14 =	sor.u32 s16, s11;
	s17 =	sor.u32 s3, s11;
	v16 =	vld.idx.msk [tilespmem:v7+s1+$0x0], $0xffff;
	[tilespmem:s8+$0x0] =	vst v20;
	v7 =	vmov v33  }
0x2df: {  	v27 =	vor.u32 $0x300, v2;
	s11 =	sor.u32 s6, s11;
	s8 =	sor.u32 s31, s12;
	[tilespmem:s17+$0x0] =	vst v21;
	s17 =	sor.u32 s7, s12;
	v29 =	vld.idx.msk [tilespmem:v22+s1+$0x0], $0xffff  }
0x2e0: {  	[tilespmem:s13+$0x0] =	vst v19;
	v20 =	vld.idx.msk [tilespmem:v23+s1+$0x0], $0xffff  }
.Ltmp8:
0x2e1: {  	v19 =	vld.idx.msk [tilespmem:v24+s1+$0x0], $0xffff;
	[tilespmem:s14+$0x0] =	vst v18;
	(pc) =	sbr.rel @p1 .LBB2_13-.Ltmp8, $4  }
0x2e2: {  	v24 =	vor.u32 $0x180, v4;
	v21 =	vld.idx.msk [tilespmem:v26+s1+$0x0], $0xffff;
	[tilespmem:s11+$0x0] =	vst v17  }
0x2e3: {  	s22 =	sadd.s32 $0x40, s22;
	s23 =	sadd.s32 $0x14580, s21;
	s21 =	smov.u32 s9;
	v23 =	vor.u32 $0x180, v3;
	v22 =	vld.idx.msk [tilespmem:v28+s1+$0x0], $0xffff;
	[tilespmem:s10+$0x0] =	vst v37  }
0x2e4: {  	s25 =	sor.u32 s18, s23;
	s13 =	sor.u32 s26, s23;
	s10 =	sor.u32 $0x14300, s21;
	v17 =	vld.idx.msk [tilespmem:v27+s1+$0x0], $0xffff;
	[tilespmem:s17+$0x0] =	vst v25  }
0x2e5: {  	s11 =	sor.u32 s0, s10;
	s9 =	sor.u32 s16, s10;
	s12 =	sor.u32 s3, s10;
	v18 =	vld.idx.msk [tilespmem:v6+s1+$0x0], $0xffff;
	[tilespmem:s13+$0x0] =	vst v29;
	v6 =	vmov v35  }
0x2e6: {  	_ =	sdelay $0x2  }
0x2e7: {  	[tilespmem:s12+$0x0] =	vst v20  }
0x2e8: {  	[tilespmem:s11+$0x0] =	vst v19;
	v20 =	vld.idx.msk [tilespmem:v24+s1+$0x0], $0xffff  }
0x2e9: {  	s10 =	sor.u32 s6, s10;
	v54 =	vor.u32 $0x200, v4;
	[tilespmem:s9+$0x0] =	vst v21;
	v19 =	vld.idx.msk [tilespmem:v23+s1+$0x0], $0xffff  }
0x2ea: {  	v55 =	vor.u32 $0x200, v3;
	v15 =	vld.idx.msk [tilespmem:v15+s1+$0x0], $0xffff;
	[tilespmem:s10+$0x0] =	vst v22  }
0x2eb: {  	s13 =	sor.u32 $0x14380, s21;
	v14 =	vld.idx.msk [tilespmem:v14+s1+$0x0], $0xffff  }
0x2ec: {  	s14 =	sor.u32 s3, s13  }
0x2ed: {  	s9 =	sor.u32 s0, s13;
	[tilespmem:s14+$0x0] =	vst v20  }
0x2ee: {  	s15 =	sor.u32 s16, s13;
	[tilespmem:s9+$0x0] =	vst v19;
	v20 =	vld.idx.msk [tilespmem:v54+s1+$0x0], $0xffff  }
0x2ef: {  	v56 =	vor.u32 $0x280, v4;
	s17 =	sor.u32 s6, s13;
	[tilespmem:s15+$0x0] =	vst v15;
	v57 =	vld.idx.msk [tilespmem:v55+s1+$0x0], $0xffff  }
0x2f0: {  	v58 =	vor.u32 $0x280, v3;
	v13 =	vld.idx.msk [tilespmem:v13+s1+$0x0], $0xffff;
	[tilespmem:s17+$0x0] =	vst v14  }
0x2f1: {  	s18 =	sadd.s32 $0x14400, s21;
	v11 =	vld.idx.msk [tilespmem:v11+s1+$0x0], $0xffff  }
0x2f2: {  	s20 =	sor.u32 s3, s18  }
0x2f3: {  	s9 =	sor.u32 s0, s18;
	[tilespmem:s20+$0x0] =	vst v20  }
0x2f4: {  	s22 =	sor.u32 s16, s18;
	[tilespmem:s9+$0x0] =	vst v57;
	v15 =	vld.idx.msk [tilespmem:v56+s1+$0x0], $0xffff  }
0x2f5: {  	v59 =	vor.u32 $0x300, v4;
	s24 =	sor.u32 s6, s18;
	[tilespmem:s22+$0x0] =	vst v13;
	v60 =	vld.idx.msk [tilespmem:v58+s1+$0x0], $0xffff  }
0x2f6: {  	v61 =	vor.u32 $0x300, v3;
	v10 =	vld.idx.msk [tilespmem:v10+s1+$0x0], $0xffff;
	[tilespmem:s24+$0x0] =	vst v11  }
0x2f7: {  	s26 =	sadd.s32 $0x14480, s21;
	v9 =	vld.idx.msk [tilespmem:v9+s1+$0x0], $0xffff  }
0x2f8: {  	[tilespmem:s8+$0x0] =	vst v16;
	s10 =	sor.u32 s3, s26  }
0x2f9: {  	v2 =	vor.u32 $0x380, v2;
	s13 =	sor.u32 s0, s26;
	[tilespmem:s10+$0x0] =	vst v15  }
0x2fa: {  	s11 =	sor.u32 s16, s26;
	[tilespmem:s13+$0x0] =	vst v60;
	v13 =	vld.idx.msk [tilespmem:v59+s1+$0x0], $0xffff  }
0x2fb: {  	v62 =	vor.u32 $0x380, v4;
	s12 =	sor.u32 s6, s26;
	[tilespmem:s11+$0x0] =	vst v10;
	v63 =	vld.idx.msk [tilespmem:v61+s1+$0x0], $0xffff  }
0x2fc: {  	v3 =	vor.u32 $0x380, v3;
	v8 =	vld.idx.msk [tilespmem:v8+s1+$0x0], $0xffff;
	[tilespmem:s12+$0x0] =	vst v9  }
0x2fd: {  	s7 =	sor.u32 s7, s23;
	[tilespmem:s2+$0x0] =	vst v17;
	s14 =	sadd.s32 $0x14500, s21;
	v7 =	vld.idx.msk [tilespmem:v7+s1+$0x0], $0xffff  }
0x2fe: {  	[tilespmem:s7+$0x0] =	vst v18;
	v2 =	vld.idx.msk [tilespmem:v2+s1+$0x0], $0xffff;
	s15 =	sor.u32 s3, s14  }
0x2ff: {  	v5 =	vld.idx.msk [tilespmem:v5+s1+$0x0], $0xffff;
	s2 =	sor.u32 s0, s14;
	[tilespmem:s15+$0x0] =	vst v13  }
0x300: {  	s17 =	sor.u32 s16, s14;
	[tilespmem:s2+$0x0] =	vst v63;
	v4 =	vld.idx.msk [tilespmem:v62+s1+$0x0], $0xffff  }
0x301: {  	s18 =	sor.u32 s6, s14;
	[tilespmem:s17+$0x0] =	vst v8;
	v3 =	vld.idx.msk [tilespmem:v3+s1+$0x0], $0xffff  }
0x302: {  	v6 =	vld.idx.msk [tilespmem:v6+s1+$0x0], $0xffff;
	[tilespmem:s18+$0x0] =	vst v7  }
0x303: {  	[tilespmem:s25+$0x0] =	vst v2;
	s20 =	sor.u32 s31, s23;
	s22 =	sadd.s32 $0x14580, s21;
	v7 =	vld.idx.msk [tilespmem:v12+s1+$0x0], $0xffff  }
0x304: {  	[tilespmem:s20+$0x0] =	vst v5;
	s23 =	sor.u32 s3, s22  }
.Ltmp9:
0x305: {  	s26 =	sor.u32 s0, s22;
	[tilespmem:s23+$0x0] =	vst v4;
	(pc) =	sbr.rel @p0 .LBB2_16-.Ltmp9, $4  }
0x306: {  	s24 =	sor.u32 s16, s22;
	[tilespmem:s26+$0x0] =	vst v3  }
0x307: {  	s25 =	sor.u32 s6, s22;
	[tilespmem:s24+$0x0] =	vst v6  }
0x308: {  	s29 =	sadd.s32 $0x1800, s29;
	s31 =	simm.s32 $0x14200;
	[tilespmem:s25+$0x0] =	vst v7  }
0x309: {  	[hbm4b:s29+s5] =	stream.linear.scatter [tilespmem:s31], [sflag:$0x6], $0x4000, $0x38;
	[tilespmem:$0x18A00] =	vst v63  }
0x30a: {  	s0 =	rddreg [dreg:$0x10]  }
0x30b: {  	s0 =	sand.u32 $0x3FFFFFE0, s0  }
0x30c: {  	v2 =	vld.msk [tilespmem:s0+$0x38], $0xff;
	_ =	sdelay $0x4  }
0x30d: {  	v3 =	vshll.u32 v2, $0x4  }
0x30e: {  	v2 =	vand.u32 $0x7, v2;
	v3 =	vand.u32 $0xFFFFFF80, v3  }
0x30f: {  	v2 =	vor.u32 v2, v3  }
0x310: {  	v2 =	vperm.xlane v2, v0;
	_ =	sdelay $0x1  }
0x311: {  	v2 =	vadd.s32 v1, v2;
	_ =	sdelay $0x3  }
0x312: {  	s14 =	rddreg [dreg:$0x0]  }
0x313: {  	[tilespmem:s1], [sflag:$0x4] =	stream.indirect_vreg.gather [hbm4b:s14+s5], $0x80, v2, vm0, $0xb8;
	[tilespmem:$0x18A00] =	vst v63  }
0x314: {  	s15 =	rddreg [dreg:$0x6];
	s2 =	simm.s32 $0xCA00  }
0x315: {  	[tilespmem:s2], [sflag:$0x4] =	stream.indirect_vreg.gather [hbm4b:s15+s5], $0x80, v2, vm0, $0xb8;
	[tilespmem:$0x18A00] =	vst v63  }
0x316: {  	s16 =	rddreg [dreg:$0x7];
	s17 =	simm.s32 $0xD200  }
0x317: {  	[tilespmem:s17], [sflag:$0x4] =	stream.indirect_vreg.gather [hbm4b:s16+s5], $0x80, v2, vm0, $0xb8;
	[tilespmem:$0x18A00] =	vst v63  }
0x318: {  	s18 =	rddreg [dreg:$0x8];
	s20 =	simm.s32 $0xDA00  }
0x319: {  	[tilespmem:s20], [sflag:$0x4] =	stream.indirect_vreg.gather [hbm4b:s18+s5], $0x80, v2, vm0, $0xb8;
	[tilespmem:$0x18A00] =	vst v63  }
0x31a: {  	s21 =	rddreg [dreg:$0x9];
	s22 =	simm.s32 $0xE200  }
0x31b: {  	[tilespmem:s22], [sflag:$0x4] =	stream.indirect_vreg.gather [hbm4b:s21+s5], $0x80, v2, vm0, $0xb8;
	[tilespmem:$0x18A00] =	vst v63  }
0x31c: {  	s23 =	rddreg [dreg:$0xa];
	s24 =	simm.s32 $0xEA00  }
0x31d: {  	[tilespmem:s24], [sflag:$0x4] =	stream.indirect_vreg.gather [hbm4b:s23+s5], $0x80, v2, vm0, $0xb8;
	[tilespmem:$0x18A00] =	vst v63  }
.Ltmp10:
0x31e: {  	_ = 	snop;
	(pc) =	sbr.rel .LBB2_2-.Ltmp10, $4  }
0x31f: {  	s25 =	rddreg [dreg:$0xb];
	s26 =	simm.s32 $0xF200  }
0x320: {  	[tilespmem:s26], [sflag:$0x4] =	stream.indirect_vreg.gather [hbm4b:s25+s5], $0x80, v2, vm0, $0xb8;
	[tilespmem:$0x18A00] =	vst v63  }
0x321: {  	s29 =	rddreg [dreg:$0xc];
	s31 =	simm.s32 $0xFA00;
	s4 =	sadd.s32 $0x1, s4  }
0x322: {  	[tilespmem:s31], [sflag:$0x4] =	stream.indirect_vreg.gather [hbm4b:s29+s5], $0x80, v2, vm0, $0xb8;
	[tilespmem:$0x18A00] =	vst v63  }
.LBB2_17:
0x323: {  	_ =	sfence.sel $0x180000  }
0x324: {  	[bflag:$0x0] =	sbarrier.arrive $0xFFFF  }
0x325: {  	_ =	strace $0x90000047  }
0x326: {  	s0 =	stileid.u32;
	[bflag:$0x2] =	sbarrier.arrive $0xFFFF  }
0x327: {  	p0 =	sne.s32 s0, $0x0;
	s0 =	rddreg [dreg:$0x3]  }
0x328: {  	s0 =	sadd.s32 @!p0 $0x100000, s0  }
0x329: {  	[sflag:s0] =	ssyncadd.tile.s32 @!p0 $0x1;
	_ =	shalt  }
.Lfunc_end2:
_tile_overlayer_lowered:
.L_overlay_start_2:
0x32a: {  	(tag) =	ssettag $0x2  }
0x32b: {  	s0 =	rddreg [dreg:$0x0];
	s2 =	stileid.u32  }
0x32c: {  	s1 =	rddreg [dreg:$0x1];
	p0 =	sne.s32 s2, $0x0  }
0x32d: {  	s3 =	rddreg [dreg:$0x2];
	[bflag:$0x3] =	sbarrier.arrive $0xFFFF;
	s2 =	simm.s32 @!p0 $0x1C07  }
0x32e: {  	[timem:s3], [sflag:s2] =	dma.local @!p0 [hbm:s0], s1  }
0x32f: {  	s0 =	simm.s32 @!p0 $0x7  }
0x330: {  	_ =	swait.ge @!p0 [sflag:s0], s1  }
0x331: {  	s1 =	ssub.s32 @!p0 $0x0, s1;
	[sflag:s0] =	ssyncset.done @!p0 $0x0  }
0x332: {  	[sflag:s0] =	ssyncadd.s32 @!p0 s1  }
0x333: {  	[bflag:$0x3] =	sbarrier.arrive $0xFFFF  }
0x334: {  	_ =	shalt  }

</sc_bundles>
